<compile_context>
chip_gen: v7x
topology: tpu7x:2x2x1
jax: 0.10.2.dev20260603
libtpu: 0.0.44.dev20260713+nightly
codegen_flags: <defaults>
</compile_context>

<pallas_src>
import functools
import jax
import jax.numpy as jnp
from jax import lax
from jax.experimental import pallas as pl
from jax.experimental.pallas import tpu as pltpu
from jax.experimental.pallas import tpu_sc as plsc

B, N_TOKENS, EMBED_DIM = 4, 8192, 768
ROWS = B * N_TOKENS
NW = 32
ROWS_PER_TILE = ROWS // NW
CHUNK = 32
CW = CHUNK * EMBED_DIM
NCHUNK = ROWS_PER_TILE // CHUNK


def _sc_body(tok_hbm, pos_hbm, out_hbm,
             tok_a, tok_b, pos_a, pos_b,
             sem_ta, sem_tb, sem_pa, sem_pb, sem_oa, sem_ob):
    wid = lax.axis_index("s") * 2 + lax.axis_index("c")
    elem0 = wid * (ROWS_PER_TILE * EMBED_DIM)
    pelem0 = lax.rem(elem0, N_TOKENS * EMBED_DIM)

    tok_bufs = (tok_a, tok_b)
    pos_bufs = (pos_a, pos_b)
    sem_t = (sem_ta, sem_tb)
    sem_p = (sem_pa, sem_pb)
    sem_o = (sem_oa, sem_ob)

    def start_in(k, par):
        t = pltpu.async_copy(
            tok_hbm.at[pl.ds(elem0 + k * CW, CW)], tok_bufs[par], sem_t[par])
        p = pltpu.async_copy(
            pos_hbm.at[pl.ds(pelem0 + k * CW, CW)], pos_bufs[par], sem_p[par])
        return t, p

    in_flight = [None, None]
    out_flight = [None, None]
    in_flight[0] = start_in(0, 0)

    for k in range(NCHUNK):
        par = k % 2
        if k + 1 < NCHUNK:
            if out_flight[1 - par] is not None:
                out_flight[1 - par].wait()
                out_flight[1 - par] = None
            in_flight[1 - par] = start_in(k + 1, 1 - par)
        t, p = in_flight[par]
        t.wait()
        p.wait()

        tb, pb = tok_bufs[par], pos_bufs[par]

        @plsc.parallel_loop(0, CW, step=16, unroll=8)
        def _add(i):
            plsc.addupdate(tb.at[pl.ds(i, 16)], pb[pl.ds(i, 16)])

        out_flight[par] = pltpu.async_copy(
            tb, out_hbm.at[pl.ds(elem0 + k * CW, CW)], sem_o[par])

    for par in range(2):
        if out_flight[par] is not None:
            out_flight[par].wait()


_sc_add = functools.partial(
    pl.kernel,
    out_type=jax.ShapeDtypeStruct((ROWS * EMBED_DIM,), jnp.float32),
    mesh=plsc.VectorSubcoreMesh(core_axis_name="c", subcore_axis_name="s"),
    scratch_types=[
        pltpu.VMEM((CW,), jnp.float32),
        pltpu.VMEM((CW,), jnp.float32),
        pltpu.VMEM((CW,), jnp.float32),
        pltpu.VMEM((CW,), jnp.float32),
        pltpu.SemaphoreType.DMA,
        pltpu.SemaphoreType.DMA,
        pltpu.SemaphoreType.DMA,
        pltpu.SemaphoreType.DMA,
        pltpu.SemaphoreType.DMA,
        pltpu.SemaphoreType.DMA,
    ],
)(_sc_body)


def kernel(encoded_tokens, pos_table):
    tok = encoded_tokens.reshape(ROWS * EMBED_DIM)
    pos = pos_table.reshape(N_TOKENS * EMBED_DIM)
    out = _sc_add(tok, pos)
    return out.reshape(B, N_TOKENS, EMBED_DIM)

# --- scband reference (transcript-rebuilt; emitter-appended) ---
"""Pipeline reference for scband-positional-embedding-2997887172740 (READ-ONLY COPY).

The authoritative reference and input builder live on the scoring server;
editing this copy changes nothing except your own understanding.
"""

import jax, jax.numpy as jnp
import numpy as np

B, N_TOKENS, EMBED_DIM = 4, 8192, 768

def setup_inputs(seed: int = 0) -> dict:
    key = jax.random.key(seed)
    k1, k2 = jax.random.split(key)
    encoded_tokens = jax.random.normal(k1, (B, N_TOKENS, EMBED_DIM), dtype=jnp.float32)
    # learned positional embedding table [n_tokens, embed_dim], keras Embedding default uniform init
    pos_table = jax.random.uniform(k2, (N_TOKENS, EMBED_DIM), dtype=jnp.float32, minval=-0.05, maxval=0.05)
    return {"encoded_tokens": encoded_tokens, "pos_table": pos_table}

def reference(encoded_tokens, pos_table):
    # positions = arange(n_tokens); encoded_positions = pos_table[positions]
    positions = jnp.arange(N_TOKENS)
    encoded_positions = jnp.take(pos_table, positions, axis=0)  # [N_TOKENS, EMBED_DIM]
    # broadcast add over batch dim
    return encoded_tokens + encoded_positions[None, :, :]

if __name__ == "__main__":
    import jax
    _d = setup_inputs()
    print(jax.jit(kernel)(*tuple(_d.values())))

</pallas_src>

<mosaic_0001>
#map = affine_map<(d0, d1) -> (0)>
module attributes {stable_mosaic.version = 14 : i64} {
  func.func @_sc_body(%arg0: i32, %arg1: i32, %arg2: memref<25165824xf32, #tpu.memory_space<hbm>>, %arg3: memref<6291456xf32, #tpu.memory_space<hbm>>, %arg4: memref<25165824xf32, #tpu.memory_space<hbm>>, %arg5: memref<24576xf32, #tpu.memory_space<vmem>>, %arg6: memref<24576xf32, #tpu.memory_space<vmem>>, %arg7: memref<24576xf32, #tpu.memory_space<vmem>>, %arg8: memref<24576xf32, #tpu.memory_space<vmem>>, %arg9: memref<!tpu.dma_semaphore, #tpu.memory_space<semaphore_mem>>, %arg10: memref<!tpu.dma_semaphore, #tpu.memory_space<semaphore_mem>>, %arg11: memref<!tpu.dma_semaphore, #tpu.memory_space<semaphore_mem>>, %arg12: memref<!tpu.dma_semaphore, #tpu.memory_space<semaphore_mem>>, %arg13: memref<!tpu.dma_semaphore, #tpu.memory_space<semaphore_mem>>, %arg14: memref<!tpu.dma_semaphore, #tpu.memory_space<semaphore_mem>>) attributes {dimension_semantics = [#tpu.dimension_semantics<core_parallel>, #tpu.dimension_semantics<subcore_parallel>], iteration_bounds = array<i64: 2, 16>, scalar_prefetch = 0 : i64, scratch_operands = 10 : i64, tpu.core_type = #tpu.core_type<sc_vector_subcore>, window_params = [{transform_indices = #map}, {transform_indices = #map}, {transform_indices = #map}]} {
    %mul3A = arith.constant 2 : i32
    %mul3A_0 = arith.muli %arg1, %mul3A : i32
    %add3A = arith.addi %mul3A_0, %arg0 : i32
    %mul3A_1 = arith.constant 786432 : i32
    %mul3A_2 = arith.muli %add3A, %mul3A_1 : i32
    %rem3A = arith.constant 6291456 : i32
    %rem3A_3 = arith.remsi %mul3A_2, %rem3A : i32
    %add3A_4 = arith.constant 0 : i32
    %add3A_5 = arith.addi %mul3A_2, %add3A_4 : i32
    %dma_start3A = tpu.memref_slice %arg2[%add3A_5] : memref<25165824xf32, #tpu.memory_space<hbm>> -> memref<24576xf32, #tpu.memory_space<hbm>>
    %dma_start3A_6 = tpu.memref_slice %arg2[%add3A_5] : memref<25165824xf32, #tpu.memory_space<hbm>> -> memref<24576xf32, #tpu.memory_space<hbm>>
    tpu.enqueue_dma source(%dma_start3A_6 : memref<24576xf32, #tpu.memory_space<hbm>>) target(%arg5 : memref<24576xf32, #tpu.memory_space<vmem>>) target_semaphore(%arg9 : memref<!tpu.dma_semaphore, #tpu.memory_space<semaphore_mem>>)
    %add3A_7 = arith.constant 0 : i32
    %add3A_8 = arith.addi %rem3A_3, %add3A_7 : i32
    %dma_start3A_9 = tpu.memref_slice %arg3[%add3A_8] : memref<6291456xf32, #tpu.memory_space<hbm>> -> memref<24576xf32, #tpu.memory_space<hbm>>
    %dma_start3A_10 = tpu.memref_slice %arg3[%add3A_8] : memref<6291456xf32, #tpu.memory_space<hbm>> -> memref<24576xf32, #tpu.memory_space<hbm>>
    tpu.enqueue_dma source(%dma_start3A_10 : memref<24576xf32, #tpu.memory_space<hbm>>) target(%arg7 : memref<24576xf32, #tpu.memory_space<vmem>>) target_semaphore(%arg11 : memref<!tpu.dma_semaphore, #tpu.memory_space<semaphore_mem>>)
    %add3A_11 = arith.constant 24576 : i32
    %add3A_12 = arith.addi %mul3A_2, %add3A_11 : i32
    %dma_start3A_13 = tpu.memref_slice %arg2[%add3A_12] : memref<25165824xf32, #tpu.memory_space<hbm>> -> memref<24576xf32, #tpu.memory_space<hbm>>
    %dma_start3A_14 = tpu.memref_slice %arg2[%add3A_12] : memref<25165824xf32, #tpu.memory_space<hbm>> -> memref<24576xf32, #tpu.memory_space<hbm>>
    tpu.enqueue_dma source(%dma_start3A_14 : memref<24576xf32, #tpu.memory_space<hbm>>) target(%arg6 : memref<24576xf32, #tpu.memory_space<vmem>>) target_semaphore(%arg10 : memref<!tpu.dma_semaphore, #tpu.memory_space<semaphore_mem>>)
    %add3A_15 = arith.constant 24576 : i32
    %add3A_16 = arith.addi %rem3A_3, %add3A_15 : i32
    %dma_start3A_17 = tpu.memref_slice %arg3[%add3A_16] : memref<6291456xf32, #tpu.memory_space<hbm>> -> memref<24576xf32, #tpu.memory_space<hbm>>
    %dma_start3A_18 = tpu.memref_slice %arg3[%add3A_16] : memref<6291456xf32, #tpu.memory_space<hbm>> -> memref<24576xf32, #tpu.memory_space<hbm>>
    tpu.enqueue_dma source(%dma_start3A_18 : memref<24576xf32, #tpu.memory_space<hbm>>) target(%arg8 : memref<24576xf32, #tpu.memory_space<vmem>>) target_semaphore(%arg12 : memref<!tpu.dma_semaphore, #tpu.memory_space<semaphore_mem>>)
    %dma_wait3A = tpu.memref_slice %arg2[%add3A_5] : memref<25165824xf32, #tpu.memory_space<hbm>> -> memref<24576xf32, #tpu.memory_space<hbm>>
    %dma_wait3A_19 = tpu.memref_slice %arg2[%add3A_5] : memref<25165824xf32, #tpu.memory_space<hbm>> -> memref<24576xf32, #tpu.memory_space<hbm>>
    tpu.wait_dma2 semaphore(%arg9 : memref<!tpu.dma_semaphore, #tpu.memory_space<semaphore_mem>>) src(%dma_wait3A_19 : memref<24576xf32, #tpu.memory_space<hbm>>) dst(%arg5 : memref<24576xf32, #tpu.memory_space<vmem>>)
    %dma_wait3A_20 = tpu.memref_slice %arg3[%add3A_8] : memref<6291456xf32, #tpu.memory_space<hbm>> -> memref<24576xf32, #tpu.memory_space<hbm>>
    %dma_wait3A_21 = tpu.memref_slice %arg3[%add3A_8] : memref<6291456xf32, #tpu.memory_space<hbm>> -> memref<24576xf32, #tpu.memory_space<hbm>>
    tpu.wait_dma2 semaphore(%arg11 : memref<!tpu.dma_semaphore, #tpu.memory_space<semaphore_mem>>) src(%dma_wait3A_21 : memref<24576xf32, #tpu.memory_space<hbm>>) dst(%arg7 : memref<24576xf32, #tpu.memory_space<vmem>>)
    %parallel_loop3A = arith.constant 0 : i32
    %parallel_loop3A_22 = arith.constant 24576 : i32
    %parallel_loop3A_23 = arith.constant 16 : i32
    scf.for %parallel_loop3A_673 = %parallel_loop3A to %parallel_loop3A_22 step %parallel_loop3A_23  : i32 {
      %parallel_loop3A_674 = arith.index_cast %parallel_loop3A_673 : i32 to index
      %parallel_loop3A_675 = tpu.vector_load %arg7[%parallel_loop3A_674] {strides = array<i32>} : memref<24576xf32, #tpu.memory_space<vmem>>, vector<16xf32>,
      %parallel_loop3A_676 = vector.shape_cast %parallel_loop3A_675 : vector<16xf32> to vector<16xf32>
      %parallel_loop3A_677 = arith.index_cast %parallel_loop3A_673 : i32 to index
      %parallel_loop3A_678 = tpu.vector_load %arg5[%parallel_loop3A_677] {strides = array<i32>} : memref<24576xf32, #tpu.memory_space<vmem>>, vector<16xf32>,
      %parallel_loop3A_679 = vector.shape_cast %parallel_loop3A_678 : vector<16xf32> to vector<16xf32>
      %parallel_loop3A_680 = vector.shape_cast %parallel_loop3A_676 : vector<16xf32> to vector<16xf32>
      tpu.vector_store %arg5[%parallel_loop3A_677], %parallel_loop3A_680 {add = true, strides = array<i32>} : memref<24576xf32, #tpu.memory_space<vmem>>, vector<16xf32>,
    } {sc.loop_unroll_factor = 8 : i64, sc.parallel_access}
    %add3A_24 = arith.constant 0 : i32
    %add3A_25 = arith.addi %mul3A_2, %add3A_24 : i32
    %dma_start3A_26 = tpu.memref_slice %arg4[%add3A_25] : memref<25165824xf32, #tpu.memory_space<hbm>> -> memref<24576xf32, #tpu.memory_space<hbm>>
    %dma_start3A_27 = tpu.memref_slice %arg4[%add3A_25] : memref<25165824xf32, #tpu.memory_space<hbm>> -> memref<24576xf32, #tpu.memory_space<hbm>>
    tpu.enqueue_dma source(%arg5 : memref<24576xf32, #tpu.memory_space<vmem>>) target(%dma_start3A_27 : memref<24576xf32, #tpu.memory_space<hbm>>) target_semaphore(%arg13 : memref<!tpu.dma_semaphore, #tpu.memory_space<semaphore_mem>>)
    %dma_wait3A_28 = tpu.memref_slice %arg4[%add3A_25] : memref<25165824xf32, #tpu.memory_space<hbm>> -> memref<24576xf32, #tpu.memory_space<hbm>>
    %dma_wait3A_29 = tpu.memref_slice %arg4[%add3A_25] : memref<25165824xf32, #tpu.memory_space<hbm>> -> memref<24576xf32, #tpu.memory_space<hbm>>
    tpu.wait_dma2 semaphore(%arg13 : memref<!tpu.dma_semaphore, #tpu.memory_space<semaphore_mem>>) src(%arg5 : memref<24576xf32, #tpu.memory_space<vmem>>) dst(%dma_wait3A_29 : memref<24576xf32, #tpu.memory_space<hbm>>)
    %add3A_30 = arith.constant 49152 : i32
    %add3A_31 = arith.addi %mul3A_2, %add3A_30 : i32
    %dma_start3A_32 = tpu.memref_slice %arg2[%add3A_31] : memref<25165824xf32, #tpu.memory_space<hbm>> -> memref<24576xf32, #tpu.memory_space<hbm>>
    %dma_start3A_33 = tpu.memref_slice %arg2[%add3A_31] : memref<25165824xf32, #tpu.memory_space<hbm>> -> memref<24576xf32, #tpu.memory_space<hbm>>
    tpu.enqueue_dma source(%dma_start3A_33 : memref<24576xf32, #tpu.memory_space<hbm>>) target(%arg5 : memref<24576xf32, #tpu.memory_space<vmem>>) target_semaphore(%arg9 : memref<!tpu.dma_semaphore, #tpu.memory_space<semaphore_mem>>)
    %add3A_34 = arith.constant 49152 : i32
    %add3A_35 = arith.addi %rem3A_3, %add3A_34 : i32
    %dma_start3A_36 = tpu.memref_slice %arg3[%add3A_35] : memref<6291456xf32, #tpu.memory_space<hbm>> -> memref<24576xf32, #tpu.memory_space<hbm>>
    %dma_start3A_37 = tpu.memref_slice %arg3[%add3A_35] : memref<6291456xf32, #tpu.memory_space<hbm>> -> memref<24576xf32, #tpu.memory_space<hbm>>
    tpu.enqueue_dma source(%dma_start3A_37 : memref<24576xf32, #tpu.memory_space<hbm>>) target(%arg7 : memref<24576xf32, #tpu.memory_space<vmem>>) target_semaphore(%arg11 : memref<!tpu.dma_semaphore, #tpu.memory_space<semaphore_mem>>)
    %dma_wait3A_38 = tpu.memref_slice %arg2[%add3A_12] : memref<25165824xf32, #tpu.memory_space<hbm>> -> memref<24576xf32, #tpu.memory_space<hbm>>
    %dma_wait3A_39 = tpu.memref_slice %arg2[%add3A_12] : memref<25165824xf32, #tpu.memory_space<hbm>> -> memref<24576xf32, #tpu.memory_space<hbm>>
    tpu.wait_dma2 semaphore(%arg10 : memref<!tpu.dma_semaphore, #tpu.memory_space<semaphore_mem>>) src(%dma_wait3A_39 : memref<24576xf32, #tpu.memory_space<hbm>>) dst(%arg6 : memref<24576xf32, #tpu.memory_space<vmem>>)
    %dma_wait3A_40 = tpu.memref_slice %arg3[%add3A_16] : memref<6291456xf32, #tpu.memory_space<hbm>> -> memref<24576xf32, #tpu.memory_space<hbm>>
    %dma_wait3A_41 = tpu.memref_slice %arg3[%add3A_16] : memref<6291456xf32, #tpu.memory_space<hbm>> -> memref<24576xf32, #tpu.memory_space<hbm>>
    tpu.wait_dma2 semaphore(%arg12 : memref<!tpu.dma_semaphore, #tpu.memory_space<semaphore_mem>>) src(%dma_wait3A_41 : memref<24576xf32, #tpu.memory_space<hbm>>) dst(%arg8 : memref<24576xf32, #tpu.memory_space<vmem>>)
    %parallel_loop3A_42 = arith.constant 0 : i32
    %parallel_loop3A_43 = arith.constant 24576 : i32
    %parallel_loop3A_44 = arith.constant 16 : i32
    scf.for %parallel_loop3A_673 = %parallel_loop3A_42 to %parallel_loop3A_43 step %parallel_loop3A_44  : i32 {
      %parallel_loop3A_674 = arith.index_cast %parallel_loop3A_673 : i32 to index
      %parallel_loop3A_675 = tpu.vector_load %arg8[%parallel_loop3A_674] {strides = array<i32>} : memref<24576xf32, #tpu.memory_space<vmem>>, vector<16xf32>,
      %parallel_loop3A_676 = vector.shape_cast %parallel_loop3A_675 : vector<16xf32> to vector<16xf32>
      %parallel_loop3A_677 = arith.index_cast %parallel_loop3A_673 : i32 to index
      %parallel_loop3A_678 = tpu.vector_load %arg6[%parallel_loop3A_677] {strides = array<i32>} : memref<24576xf32, #tpu.memory_space<vmem>>, vector<16xf32>,
      %parallel_loop3A_679 = vector.shape_cast %parallel_loop3A_678 : vector<16xf32> to vector<16xf32>
      %parallel_loop3A_680 = vector.shape_cast %parallel_loop3A_676 : vector<16xf32> to vector<16xf32>
      tpu.vector_store %arg6[%parallel_loop3A_677], %parallel_loop3A_680 {add = true, strides = array<i32>} : memref<24576xf32, #tpu.memory_space<vmem>>, vector<16xf32>,
    } {sc.loop_unroll_factor = 8 : i64, sc.parallel_access}
    %add3A_45 = arith.constant 24576 : i32
    %add3A_46 = arith.addi %mul3A_2, %add3A_45 : i32
    %dma_start3A_47 = tpu.memref_slice %arg4[%add3A_46] : memref<25165824xf32, #tpu.memory_space<hbm>> -> memref<24576xf32, #tpu.memory_space<hbm>>
    %dma_start3A_48 = tpu.memref_slice %arg4[%add3A_46] : memref<25165824xf32, #tpu.memory_space<hbm>> -> memref<24576xf32, #tpu.memory_space<hbm>>
    tpu.enqueue_dma source(%arg6 : memref<24576xf32, #tpu.memory_space<vmem>>) target(%dma_start3A_48 : memref<24576xf32, #tpu.memory_space<hbm>>) target_semaphore(%arg14 : memref<!tpu.dma_semaphore, #tpu.memory_space<semaphore_mem>>)
    %dma_wait3A_49 = tpu.memref_slice %arg4[%add3A_46] : memref<25165824xf32, #tpu.memory_space<hbm>> -> memref<24576xf32, #tpu.memory_space<hbm>>
    %dma_wait3A_50 = tpu.memref_slice %arg4[%add3A_46] : memref<25165824xf32, #tpu.memory_space<hbm>> -> memref<24576xf32, #tpu.memory_space<hbm>>
    tpu.wait_dma2 semaphore(%arg14 : memref<!tpu.dma_semaphore, #tpu.memory_space<semaphore_mem>>) src(%arg6 : memref<24576xf32, #tpu.memory_space<vmem>>) dst(%dma_wait3A_50 : memref<24576xf32, #tpu.memory_space<hbm>>)
    %add3A_51 = arith.constant 73728 : i32
    %add3A_52 = arith.addi %mul3A_2, %add3A_51 : i32
    %dma_start3A_53 = tpu.memref_slice %arg2[%add3A_52] : memref<25165824xf32, #tpu.memory_space<hbm>> -> memref<24576xf32, #tpu.memory_space<hbm>>
    %dma_start3A_54 = tpu.memref_slice %arg2[%add3A_52] : memref<25165824xf32, #tpu.memory_space<hbm>> -> memref<24576xf32, #tpu.memory_space<hbm>>
    tpu.enqueue_dma source(%dma_start3A_54 : memref<24576xf32, #tpu.memory_space<hbm>>) target(%arg6 : memref<24576xf32, #tpu.memory_space<vmem>>) target_semaphore(%arg10 : memref<!tpu.dma_semaphore, #tpu.memory_space<semaphore_mem>>)
    %add3A_55 = arith.constant 73728 : i32
    %add3A_56 = arith.addi %rem3A_3, %add3A_55 : i32
    %dma_start3A_57 = tpu.memref_slice %arg3[%add3A_56] : memref<6291456xf32, #tpu.memory_space<hbm>> -> memref<24576xf32, #tpu.memory_space<hbm>>
    %dma_start3A_58 = tpu.memref_slice %arg3[%add3A_56] : memref<6291456xf32, #tpu.memory_space<hbm>> -> memref<24576xf32, #tpu.memory_space<hbm>>
    tpu.enqueue_dma source(%dma_start3A_58 : memref<24576xf32, #tpu.memory_space<hbm>>) target(%arg8 : memref<24576xf32, #tpu.memory_space<vmem>>) target_semaphore(%arg12 : memref<!tpu.dma_semaphore, #tpu.memory_space<semaphore_mem>>)
    %dma_wait3A_59 = tpu.memref_slice %arg2[%add3A_31] : memref<25165824xf32, #tpu.memory_space<hbm>> -> memref<24576xf32, #tpu.memory_space<hbm>>
    %dma_wait3A_60 = tpu.memref_slice %arg2[%add3A_31] : memref<25165824xf32, #tpu.memory_space<hbm>> -> memref<24576xf32, #tpu.memory_space<hbm>>
    tpu.wait_dma2 semaphore(%arg9 : memref<!tpu.dma_semaphore, #tpu.memory_space<semaphore_mem>>) src(%dma_wait3A_60 : memref<24576xf32, #tpu.memory_space<hbm>>) dst(%arg5 : memref<24576xf32, #tpu.memory_space<vmem>>)
    %dma_wait3A_61 = tpu.memref_slice %arg3[%add3A_35] : memref<6291456xf32, #tpu.memory_space<hbm>> -> memref<24576xf32, #tpu.memory_space<hbm>>
    %dma_wait3A_62 = tpu.memref_slice %arg3[%add3A_35] : memref<6291456xf32, #tpu.memory_space<hbm>> -> memref<24576xf32, #tpu.memory_space<hbm>>
    tpu.wait_dma2 semaphore(%arg11 : memref<!tpu.dma_semaphore, #tpu.memory_space<semaphore_mem>>) src(%dma_wait3A_62 : memref<24576xf32, #tpu.memory_space<hbm>>) dst(%arg7 : memref<24576xf32, #tpu.memory_space<vmem>>)
    %parallel_loop3A_63 = arith.constant 0 : i32
    %parallel_loop3A_64 = arith.constant 24576 : i32
    %parallel_loop3A_65 = arith.constant 16 : i32
    scf.for %parallel_loop3A_673 = %parallel_loop3A_63 to %parallel_loop3A_64 step %parallel_loop3A_65  : i32 {
      %parallel_loop3A_674 = arith.index_cast %parallel_loop3A_673 : i32 to index
      %parallel_loop3A_675 = tpu.vector_load %arg7[%parallel_loop3A_674] {strides = array<i32>} : memref<24576xf32, #tpu.memory_space<vmem>>, vector<16xf32>,
      %parallel_loop3A_676 = vector.shape_cast %parallel_loop3A_675 : vector<16xf32> to vector<16xf32>
      %parallel_loop3A_677 = arith.index_cast %parallel_loop3A_673 : i32 to index
      %parallel_loop3A_678 = tpu.vector_load %arg5[%parallel_loop3A_677] {strides = array<i32>} : memref<24576xf32, #tpu.memory_space<vmem>>, vector<16xf32>,
      %parallel_loop3A_679 = vector.shape_cast %parallel_loop3A_678 : vector<16xf32> to vector<16xf32>
      %parallel_loop3A_680 = vector.shape_cast %parallel_loop3A_676 : vector<16xf32> to vector<16xf32>
      tpu.vector_store %arg5[%parallel_loop3A_677], %parallel_loop3A_680 {add = true, strides = array<i32>} : memref<24576xf32, #tpu.memory_space<vmem>>, vector<16xf32>,
    } {sc.loop_unroll_factor = 8 : i64, sc.parallel_access}
    %add3A_66 = arith.constant 49152 : i32
    %add3A_67 = arith.addi %mul3A_2, %add3A_66 : i32
    %dma_start3A_68 = tpu.memref_slice %arg4[%add3A_67] : memref<25165824xf32, #tpu.memory_space<hbm>> -> memref<24576xf32, #tpu.memory_space<hbm>>
    %dma_start3A_69 = tpu.memref_slice %arg4[%add3A_67] : memref<25165824xf32, #tpu.memory_space<hbm>> -> memref<24576xf32, #tpu.memory_space<hbm>>
    tpu.enqueue_dma source(%arg5 : memref<24576xf32, #tpu.memory_space<vmem>>) target(%dma_start3A_69 : memref<24576xf32, #tpu.memory_space<hbm>>) target_semaphore(%arg13 : memref<!tpu.dma_semaphore, #tpu.memory_space<semaphore_mem>>)
    %dma_wait3A_70 = tpu.memref_slice %arg4[%add3A_67] : memref<25165824xf32, #tpu.memory_space<hbm>> -> memref<24576xf32, #tpu.memory_space<hbm>>
    %dma_wait3A_71 = tpu.memref_slice %arg4[%add3A_67] : memref<25165824xf32, #tpu.memory_space<hbm>> -> memref<24576xf32, #tpu.memory_space<hbm>>
    tpu.wait_dma2 semaphore(%arg13 : memref<!tpu.dma_semaphore, #tpu.memory_space<semaphore_mem>>) src(%arg5 : memref<24576xf32, #tpu.memory_space<vmem>>) dst(%dma_wait3A_71 : memref<24576xf32, #tpu.memory_space<hbm>>)
    %add3A_72 = arith.constant 98304 : i32
    %add3A_73 = arith.addi %mul3A_2, %add3A_72 : i32
    %dma_start3A_74 = tpu.memref_slice %arg2[%add3A_73] : memref<25165824xf32, #tpu.memory_space<hbm>> -> memref<24576xf32, #tpu.memory_space<hbm>>
    %dma_start3A_75 = tpu.memref_slice %arg2[%add3A_73] : memref<25165824xf32, #tpu.memory_space<hbm>> -> memref<24576xf32, #tpu.memory_space<hbm>>
    tpu.enqueue_dma source(%dma_start3A_75 : memref<24576xf32, #tpu.memory_space<hbm>>) target(%arg5 : memref<24576xf32, #tpu.memory_space<vmem>>) target_semaphore(%arg9 : memref<!tpu.dma_semaphore, #tpu.memory_space<semaphore_mem>>)
    %add3A_76 = arith.constant 98304 : i32
    %add3A_77 = arith.addi %rem3A_3, %add3A_76 : i32
    %dma_start3A_78 = tpu.memref_slice %arg3[%add3A_77] : memref<6291456xf32, #tpu.memory_space<hbm>> -> memref<24576xf32, #tpu.memory_space<hbm>>
    %dma_start3A_79 = tpu.memref_slice %arg3[%add3A_77] : memref<6291456xf32, #tpu.memory_space<hbm>> -> memref<24576xf32, #tpu.memory_space<hbm>>
    tpu.enqueue_dma source(%dma_start3A_79 : memref<24576xf32, #tpu.memory_space<hbm>>) target(%arg7 : memref<24576xf32, #tpu.memory_space<vmem>>) target_semaphore(%arg11 : memref<!tpu.dma_semaphore, #tpu.memory_space<semaphore_mem>>)
    %dma_wait3A_80 = tpu.memref_slice %arg2[%add3A_52] : memref<25165824xf32, #tpu.memory_space<hbm>> -> memref<24576xf32, #tpu.memory_space<hbm>>
    %dma_wait3A_81 = tpu.memref_slice %arg2[%add3A_52] : memref<25165824xf32, #tpu.memory_space<hbm>> -> memref<24576xf32, #tpu.memory_space<hbm>>
    tpu.wait_dma2 semaphore(%arg10 : memref<!tpu.dma_semaphore, #tpu.memory_space<semaphore_mem>>) src(%dma_wait3A_81 : memref<24576xf32, #tpu.memory_space<hbm>>) dst(%arg6 : memref<24576xf32, #tpu.memory_space<vmem>>)
    %dma_wait3A_82 = tpu.memref_slice %arg3[%add3A_56] : memref<6291456xf32, #tpu.memory_space<hbm>> -> memref<24576xf32, #tpu.memory_space<hbm>>
    %dma_wait3A_83 = tpu.memref_slice %arg3[%add3A_56] : memref<6291456xf32, #tpu.memory_space<hbm>> -> memref<24576xf32, #tpu.memory_space<hbm>>
    tpu.wait_dma2 semaphore(%arg12 : memref<!tpu.dma_semaphore, #tpu.memory_space<semaphore_mem>>) src(%dma_wait3A_83 : memref<24576xf32, #tpu.memory_space<hbm>>) dst(%arg8 : memref<24576xf32, #tpu.memory_space<vmem>>)
    %parallel_loop3A_84 = arith.constant 0 : i32
    %parallel_loop3A_85 = arith.constant 24576 : i32
    %parallel_loop3A_86 = arith.constant 16 : i32
    scf.for %parallel_loop3A_673 = %parallel_loop3A_84 to %parallel_loop3A_85 step %parallel_loop3A_86  : i32 {
      %parallel_loop3A_674 = arith.index_cast %parallel_loop3A_673 : i32 to index
      %parallel_loop3A_675 = tpu.vector_load %arg8[%parallel_loop3A_674] {strides = array<i32>} : memref<24576xf32, #tpu.memory_space<vmem>>, vector<16xf32>,
      %parallel_loop3A_676 = vector.shape_cast %parallel_loop3A_675 : vector<16xf32> to vector<16xf32>
      %parallel_loop3A_677 = arith.index_cast %parallel_loop3A_673 : i32 to index
      %parallel_loop3A_678 = tpu.vector_load %arg6[%parallel_loop3A_677] {strides = array<i32>} : memref<24576xf32, #tpu.memory_space<vmem>>, vector<16xf32>,
      %parallel_loop3A_679 = vector.shape_cast %parallel_loop3A_678 : vector<16xf32> to vector<16xf32>
      %parallel_loop3A_680 = vector.shape_cast %parallel_loop3A_676 : vector<16xf32> to vector<16xf32>
      tpu.vector_store %arg6[%parallel_loop3A_677], %parallel_loop3A_680 {add = true, strides = array<i32>} : memref<24576xf32, #tpu.memory_space<vmem>>, vector<16xf32>,
    } {sc.loop_unroll_factor = 8 : i64, sc.parallel_access}
    %add3A_87 = arith.constant 73728 : i32
    %add3A_88 = arith.addi %mul3A_2, %add3A_87 : i32
    %dma_start3A_89 = tpu.memref_slice %arg4[%add3A_88] : memref<25165824xf32, #tpu.memory_space<hbm>> -> memref<24576xf32, #tpu.memory_space<hbm>>
    %dma_start3A_90 = tpu.memref_slice %arg4[%add3A_88] : memref<25165824xf32, #tpu.memory_space<hbm>> -> memref<24576xf32, #tpu.memory_space<hbm>>
    tpu.enqueue_dma source(%arg6 : memref<24576xf32, #tpu.memory_space<vmem>>) target(%dma_start3A_90 : memref<24576xf32, #tpu.memory_space<hbm>>) target_semaphore(%arg14 : memref<!tpu.dma_semaphore, #tpu.memory_space<semaphore_mem>>)
    %dma_wait3A_91 = tpu.memref_slice %arg4[%add3A_88] : memref<25165824xf32, #tpu.memory_space<hbm>> -> memref<24576xf32, #tpu.memory_space<hbm>>
    %dma_wait3A_92 = tpu.memref_slice %arg4[%add3A_88] : memref<25165824xf32, #tpu.memory_space<hbm>> -> memref<24576xf32, #tpu.memory_space<hbm>>
    tpu.wait_dma2 semaphore(%arg14 : memref<!tpu.dma_semaphore, #tpu.memory_space<semaphore_mem>>) src(%arg6 : memref<24576xf32, #tpu.memory_space<vmem>>) dst(%dma_wait3A_92 : memref<24576xf32, #tpu.memory_space<hbm>>)
    %add3A_93 = arith.constant 122880 : i32
    %add3A_94 = arith.addi %mul3A_2, %add3A_93 : i32
    %dma_start3A_95 = tpu.memref_slice %arg2[%add3A_94] : memref<25165824xf32, #tpu.memory_space<hbm>> -> memref<24576xf32, #tpu.memory_space<hbm>>
    %dma_start3A_96 = tpu.memref_slice %arg2[%add3A_94] : memref<25165824xf32, #tpu.memory_space<hbm>> -> memref<24576xf32, #tpu.memory_space<hbm>>
    tpu.enqueue_dma source(%dma_start3A_96 : memref<24576xf32, #tpu.memory_space<hbm>>) target(%arg6 : memref<24576xf32, #tpu.memory_space<vmem>>) target_semaphore(%arg10 : memref<!tpu.dma_semaphore, #tpu.memory_space<semaphore_mem>>)
    %add3A_97 = arith.constant 122880 : i32
    %add3A_98 = arith.addi %rem3A_3, %add3A_97 : i32
    %dma_start3A_99 = tpu.memref_slice %arg3[%add3A_98] : memref<6291456xf32, #tpu.memory_space<hbm>> -> memref<24576xf32, #tpu.memory_space<hbm>>
    %dma_start3A_100 = tpu.memref_slice %arg3[%add3A_98] : memref<6291456xf32, #tpu.memory_space<hbm>> -> memref<24576xf32, #tpu.memory_space<hbm>>
    tpu.enqueue_dma source(%dma_start3A_100 : memref<24576xf32, #tpu.memory_space<hbm>>) target(%arg8 : memref<24576xf32, #tpu.memory_space<vmem>>) target_semaphore(%arg12 : memref<!tpu.dma_semaphore, #tpu.memory_space<semaphore_mem>>)
    %dma_wait3A_101 = tpu.memref_slice %arg2[%add3A_73] : memref<25165824xf32, #tpu.memory_space<hbm>> -> memref<24576xf32, #tpu.memory_space<hbm>>
    %dma_wait3A_102 = tpu.memref_slice %arg2[%add3A_73] : memref<25165824xf32, #tpu.memory_space<hbm>> -> memref<24576xf32, #tpu.memory_space<hbm>>
    tpu.wait_dma2 semaphore(%arg9 : memref<!tpu.dma_semaphore, #tpu.memory_space<semaphore_mem>>) src(%dma_wait3A_102 : memref<24576xf32, #tpu.memory_space<hbm>>) dst(%arg5 : memref<24576xf32, #tpu.memory_space<vmem>>)
    %dma_wait3A_103 = tpu.memref_slice %arg3[%add3A_77] : memref<6291456xf32, #tpu.memory_space<hbm>> -> memref<24576xf32, #tpu.memory_space<hbm>>
    %dma_wait3A_104 = tpu.memref_slice %arg3[%add3A_77] : memref<6291456xf32, #tpu.memory_space<hbm>> -> memref<24576xf32, #tpu.memory_space<hbm>>
    tpu.wait_dma2 semaphore(%arg11 : memref<!tpu.dma_semaphore, #tpu.memory_space<semaphore_mem>>) src(%dma_wait3A_104 : memref<24576xf32, #tpu.memory_space<hbm>>) dst(%arg7 : memref<24576xf32, #tpu.memory_space<vmem>>)
    %parallel_loop3A_105 = arith.constant 0 : i32
    %parallel_loop3A_106 = arith.constant 24576 : i32
    %parallel_loop3A_107 = arith.constant 16 : i32
    scf.for %parallel_loop3A_673 = %parallel_loop3A_105 to %parallel_loop3A_106 step %parallel_loop3A_107  : i32 {
      %parallel_loop3A_674 = arith.index_cast %parallel_loop3A_673 : i32 to index
      %parallel_loop3A_675 = tpu.vector_load %arg7[%parallel_loop3A_674] {strides = array<i32>} : memref<24576xf32, #tpu.memory_space<vmem>>, vector<16xf32>,
      %parallel_loop3A_676 = vector.shape_cast %parallel_loop3A_675 : vector<16xf32> to vector<16xf32>
      %parallel_loop3A_677 = arith.index_cast %parallel_loop3A_673 : i32 to index
      %parallel_loop3A_678 = tpu.vector_load %arg5[%parallel_loop3A_677] {strides = array<i32>} : memref<24576xf32, #tpu.memory_space<vmem>>, vector<16xf32>,
      %parallel_loop3A_679 = vector.shape_cast %parallel_loop3A_678 : vector<16xf32> to vector<16xf32>
      %parallel_loop3A_680 = vector.shape_cast %parallel_loop3A_676 : vector<16xf32> to vector<16xf32>
      tpu.vector_store %arg5[%parallel_loop3A_677], %parallel_loop3A_680 {add = true, strides = array<i32>} : memref<24576xf32, #tpu.memory_space<vmem>>, vector<16xf32>,
    } {sc.loop_unroll_factor = 8 : i64, sc.parallel_access}
    %add3A_108 = arith.constant 98304 : i32
    %add3A_109 = arith.addi %mul3A_2, %add3A_108 : i32
    %dma_start3A_110 = tpu.memref_slice %arg4[%add3A_109] : memref<25165824xf32, #tpu.memory_space<hbm>> -> memref<24576xf32, #tpu.memory_space<hbm>>
    %dma_start3A_111 = tpu.memref_slice %arg4[%add3A_109] : memref<25165824xf32, #tpu.memory_space<hbm>> -> memref<24576xf32, #tpu.memory_space<hbm>>
    tpu.enqueue_dma source(%arg5 : memref<24576xf32, #tpu.memory_space<vmem>>) target(%dma_start3A_111 : memref<24576xf32, #tpu.memory_space<hbm>>) target_semaphore(%arg13 : memref<!tpu.dma_semaphore, #tpu.memory_space<semaphore_mem>>)
    %dma_wait3A_112 = tpu.memref_slice %arg4[%add3A_109] : memref<25165824xf32, #tpu.memory_space<hbm>> -> memref<24576xf32, #tpu.memory_space<hbm>>
    %dma_wait3A_113 = tpu.memref_slice %arg4[%add3A_109] : memref<25165824xf32, #tpu.memory_space<hbm>> -> memref<24576xf32, #tpu.memory_space<hbm>>
    tpu.wait_dma2 semaphore(%arg13 : memref<!tpu.dma_semaphore, #tpu.memory_space<semaphore_mem>>) src(%arg5 : memref<24576xf32, #tpu.memory_space<vmem>>) dst(%dma_wait3A_113 : memref<24576xf32, #tpu.memory_space<hbm>>)
    %add3A_114 = arith.constant 147456 : i32
    %add3A_115 = arith.addi %mul3A_2, %add3A_114 : i32
    %dma_start3A_116 = tpu.memref_slice %arg2[%add3A_115] : memref<25165824xf32, #tpu.memory_space<hbm>> -> memref<24576xf32, #tpu.memory_space<hbm>>
    %dma_start3A_117 = tpu.memref_slice %arg2[%add3A_115] : memref<25165824xf32, #tpu.memory_space<hbm>> -> memref<24576xf32, #tpu.memory_space<hbm>>
    tpu.enqueue_dma source(%dma_start3A_117 : memref<24576xf32, #tpu.memory_space<hbm>>) target(%arg5 : memref<24576xf32, #tpu.memory_space<vmem>>) target_semaphore(%arg9 : memref<!tpu.dma_semaphore, #tpu.memory_space<semaphore_mem>>)
    %add3A_118 = arith.constant 147456 : i32
    %add3A_119 = arith.addi %rem3A_3, %add3A_118 : i32
    %dma_start3A_120 = tpu.memref_slice %arg3[%add3A_119] : memref<6291456xf32, #tpu.memory_space<hbm>> -> memref<24576xf32, #tpu.memory_space<hbm>>
    %dma_start3A_121 = tpu.memref_slice %arg3[%add3A_119] : memref<6291456xf32, #tpu.memory_space<hbm>> -> memref<24576xf32, #tpu.memory_space<hbm>>
    tpu.enqueue_dma source(%dma_start3A_121 : memref<24576xf32, #tpu.memory_space<hbm>>) target(%arg7 : memref<24576xf32, #tpu.memory_space<vmem>>) target_semaphore(%arg11 : memref<!tpu.dma_semaphore, #tpu.memory_space<semaphore_mem>>)
    %dma_wait3A_122 = tpu.memref_slice %arg2[%add3A_94] : memref<25165824xf32, #tpu.memory_space<hbm>> -> memref<24576xf32, #tpu.memory_space<hbm>>
    %dma_wait3A_123 = tpu.memref_slice %arg2[%add3A_94] : memref<25165824xf32, #tpu.memory_space<hbm>> -> memref<24576xf32, #tpu.memory_space<hbm>>
    tpu.wait_dma2 semaphore(%arg10 : memref<!tpu.dma_semaphore, #tpu.memory_space<semaphore_mem>>) src(%dma_wait3A_123 : memref<24576xf32, #tpu.memory_space<hbm>>) dst(%arg6 : memref<24576xf32, #tpu.memory_space<vmem>>)
    %dma_wait3A_124 = tpu.memref_slice %arg3[%add3A_98] : memref<6291456xf32, #tpu.memory_space<hbm>> -> memref<24576xf32, #tpu.memory_space<hbm>>
    %dma_wait3A_125 = tpu.memref_slice %arg3[%add3A_98] : memref<6291456xf32, #tpu.memory_space<hbm>> -> memref<24576xf32, #tpu.memory_space<hbm>>
    tpu.wait_dma2 semaphore(%arg12 : memref<!tpu.dma_semaphore, #tpu.memory_space<semaphore_mem>>) src(%dma_wait3A_125 : memref<24576xf32, #tpu.memory_space<hbm>>) dst(%arg8 : memref<24576xf32, #tpu.memory_space<vmem>>)
    %parallel_loop3A_126 = arith.constant 0 : i32
    %parallel_loop3A_127 = arith.constant 24576 : i32
    %parallel_loop3A_128 = arith.constant 16 : i32
    scf.for %parallel_loop3A_673 = %parallel_loop3A_126 to %parallel_loop3A_127 step %parallel_loop3A_128  : i32 {
      %parallel_loop3A_674 = arith.index_cast %parallel_loop3A_673 : i32 to index
      %parallel_loop3A_675 = tpu.vector_load %arg8[%parallel_loop3A_674] {strides = array<i32>} : memref<24576xf32, #tpu.memory_space<vmem>>, vector<16xf32>,
      %parallel_loop3A_676 = vector.shape_cast %parallel_loop3A_675 : vector<16xf32> to vector<16xf32>
      %parallel_loop3A_677 = arith.index_cast %parallel_loop3A_673 : i32 to index
      %parallel_loop3A_678 = tpu.vector_load %arg6[%parallel_loop3A_677] {strides = array<i32>} : memref<24576xf32, #tpu.memory_space<vmem>>, vector<16xf32>,
      %parallel_loop3A_679 = vector.shape_cast %parallel_loop3A_678 : vector<16xf32> to vector<16xf32>
      %parallel_loop3A_680 = vector.shape_cast %parallel_loop3A_676 : vector<16xf32> to vector<16xf32>
      tpu.vector_store %arg6[%parallel_loop3A_677], %parallel_loop3A_680 {add = true, strides = array<i32>} : memref<24576xf32, #tpu.memory_space<vmem>>, vector<16xf32>,
    } {sc.loop_unroll_factor = 8 : i64, sc.parallel_access}
    %add3A_129 = arith.constant 122880 : i32
    %add3A_130 = arith.addi %mul3A_2, %add3A_129 : i32
    %dma_start3A_131 = tpu.memref_slice %arg4[%add3A_130] : memref<25165824xf32, #tpu.memory_space<hbm>> -> memref<24576xf32, #tpu.memory_space<hbm>>
    %dma_start3A_132 = tpu.memref_slice %arg4[%add3A_130] : memref<25165824xf32, #tpu.memory_space<hbm>> -> memref<24576xf32, #tpu.memory_space<hbm>>
    tpu.enqueue_dma source(%arg6 : memref<24576xf32, #tpu.memory_space<vmem>>) target(%dma_start3A_132 : memref<24576xf32, #tpu.memory_space<hbm>>) target_semaphore(%arg14 : memref<!tpu.dma_semaphore, #tpu.memory_space<semaphore_mem>>)
    %dma_wait3A_133 = tpu.memref_slice %arg4[%add3A_130] : memref<25165824xf32, #tpu.memory_space<hbm>> -> memref<24576xf32, #tpu.memory_space<hbm>>
    %dma_wait3A_134 = tpu.memref_slice %arg4[%add3A_130] : memref<25165824xf32, #tpu.memory_space<hbm>> -> memref<24576xf32, #tpu.memory_space<hbm>>
    tpu.wait_dma2 semaphore(%arg14 : memref<!tpu.dma_semaphore, #tpu.memory_space<semaphore_mem>>) src(%arg6 : memref<24576xf32, #tpu.memory_space<vmem>>) dst(%dma_wait3A_134 : memref<24576xf32, #tpu.memory_space<hbm>>)
    %add3A_135 = arith.constant 172032 : i32
    %add3A_136 = arith.addi %mul3A_2, %add3A_135 : i32
    %dma_start3A_137 = tpu.memref_slice %arg2[%add3A_136] : memref<25165824xf32, #tpu.memory_space<hbm>> -> memref<24576xf32, #tpu.memory_space<hbm>>
    %dma_start3A_138 = tpu.memref_slice %arg2[%add3A_136] : memref<25165824xf32, #tpu.memory_space<hbm>> -> memref<24576xf32, #tpu.memory_space<hbm>>
    tpu.enqueue_dma source(%dma_start3A_138 : memref<24576xf32, #tpu.memory_space<hbm>>) target(%arg6 : memref<24576xf32, #tpu.memory_space<vmem>>) target_semaphore(%arg10 : memref<!tpu.dma_semaphore, #tpu.memory_space<semaphore_mem>>)
    %add3A_139 = arith.constant 172032 : i32
    %add3A_140 = arith.addi %rem3A_3, %add3A_139 : i32
    %dma_start3A_141 = tpu.memref_slice %arg3[%add3A_140] : memref<6291456xf32, #tpu.memory_space<hbm>> -> memref<24576xf32, #tpu.memory_space<hbm>>
    %dma_start3A_142 = tpu.memref_slice %arg3[%add3A_140] : memref<6291456xf32, #tpu.memory_space<hbm>> -> memref<24576xf32, #tpu.memory_space<hbm>>
    tpu.enqueue_dma source(%dma_start3A_142 : memref<24576xf32, #tpu.memory_space<hbm>>) target(%arg8 : memref<24576xf32, #tpu.memory_space<vmem>>) target_semaphore(%arg12 : memref<!tpu.dma_semaphore, #tpu.memory_space<semaphore_mem>>)
    %dma_wait3A_143 = tpu.memref_slice %arg2[%add3A_115] : memref<25165824xf32, #tpu.memory_space<hbm>> -> memref<24576xf32, #tpu.memory_space<hbm>>
    %dma_wait3A_144 = tpu.memref_slice %arg2[%add3A_115] : memref<25165824xf32, #tpu.memory_space<hbm>> -> memref<24576xf32, #tpu.memory_space<hbm>>
    tpu.wait_dma2 semaphore(%arg9 : memref<!tpu.dma_semaphore, #tpu.memory_space<semaphore_mem>>) src(%dma_wait3A_144 : memref<24576xf32, #tpu.memory_space<hbm>>) dst(%arg5 : memref<24576xf32, #tpu.memory_space<vmem>>)
    %dma_wait3A_145 = tpu.memref_slice %arg3[%add3A_119] : memref<6291456xf32, #tpu.memory_space<hbm>> -> memref<24576xf32, #tpu.memory_space<hbm>>
    %dma_wait3A_146 = tpu.memref_slice %arg3[%add3A_119] : memref<6291456xf32, #tpu.memory_space<hbm>> -> memref<24576xf32, #tpu.memory_space<hbm>>
    tpu.wait_dma2 semaphore(%arg11 : memref<!tpu.dma_semaphore, #tpu.memory_space<semaphore_mem>>) src(%dma_wait3A_146 : memref<24576xf32, #tpu.memory_space<hbm>>) dst(%arg7 : memref<24576xf32, #tpu.memory_space<vmem>>)
    %parallel_loop3A_147 = arith.constant 0 : i32
    %parallel_loop3A_148 = arith.constant 24576 : i32
    %parallel_loop3A_149 = arith.constant 16 : i32
    scf.for %parallel_loop3A_673 = %parallel_loop3A_147 to %parallel_loop3A_148 step %parallel_loop3A_149  : i32 {
      %parallel_loop3A_674 = arith.index_cast %parallel_loop3A_673 : i32 to index
      %parallel_loop3A_675 = tpu.vector_load %arg7[%parallel_loop3A_674] {strides = array<i32>} : memref<24576xf32, #tpu.memory_space<vmem>>, vector<16xf32>,
      %parallel_loop3A_676 = vector.shape_cast %parallel_loop3A_675 : vector<16xf32> to vector<16xf32>
      %parallel_loop3A_677 = arith.index_cast %parallel_loop3A_673 : i32 to index
      %parallel_loop3A_678 = tpu.vector_load %arg5[%parallel_loop3A_677] {strides = array<i32>} : memref<24576xf32, #tpu.memory_space<vmem>>, vector<16xf32>,
      %parallel_loop3A_679 = vector.shape_cast %parallel_loop3A_678 : vector<16xf32> to vector<16xf32>
      %parallel_loop3A_680 = vector.shape_cast %parallel_loop3A_676 : vector<16xf32> to vector<16xf32>
      tpu.vector_store %arg5[%parallel_loop3A_677], %parallel_loop3A_680 {add = true, strides = array<i32>} : memref<24576xf32, #tpu.memory_space<vmem>>, vector<16xf32>,
    } {sc.loop_unroll_factor = 8 : i64, sc.parallel_access}
    %add3A_150 = arith.constant 147456 : i32
    %add3A_151 = arith.addi %mul3A_2, %add3A_150 : i32
    %dma_start3A_152 = tpu.memref_slice %arg4[%add3A_151] : memref<25165824xf32, #tpu.memory_space<hbm>> -> memref<24576xf32, #tpu.memory_space<hbm>>
    %dma_start3A_153 = tpu.memref_slice %arg4[%add3A_151] : memref<25165824xf32, #tpu.memory_space<hbm>> -> memref<24576xf32, #tpu.memory_space<hbm>>
    tpu.enqueue_dma source(%arg5 : memref<24576xf32, #tpu.memory_space<vmem>>) target(%dma_start3A_153 : memref<24576xf32, #tpu.memory_space<hbm>>) target_semaphore(%arg13 : memref<!tpu.dma_semaphore, #tpu.memory_space<semaphore_mem>>)
    %dma_wait3A_154 = tpu.memref_slice %arg4[%add3A_151] : memref<25165824xf32, #tpu.memory_space<hbm>> -> memref<24576xf32, #tpu.memory_space<hbm>>
    %dma_wait3A_155 = tpu.memref_slice %arg4[%add3A_151] : memref<25165824xf32, #tpu.memory_space<hbm>> -> memref<24576xf32, #tpu.memory_space<hbm>>
    tpu.wait_dma2 semaphore(%arg13 : memref<!tpu.dma_semaphore, #tpu.memory_space<semaphore_mem>>) src(%arg5 : memref<24576xf32, #tpu.memory_space<vmem>>) dst(%dma_wait3A_155 : memref<24576xf32, #tpu.memory_space<hbm>>)
    %add3A_156 = arith.constant 196608 : i32
    %add3A_157 = arith.addi %mul3A_2, %add3A_156 : i32
    %dma_start3A_158 = tpu.memref_slice %arg2[%add3A_157] : memref<25165824xf32, #tpu.memory_space<hbm>> -> memref<24576xf32, #tpu.memory_space<hbm>>
    %dma_start3A_159 = tpu.memref_slice %arg2[%add3A_157] : memref<25165824xf32, #tpu.memory_space<hbm>> -> memref<24576xf32, #tpu.memory_space<hbm>>
    tpu.enqueue_dma source(%dma_start3A_159 : memref<24576xf32, #tpu.memory_space<hbm>>) target(%arg5 : memref<24576xf32, #tpu.memory_space<vmem>>) target_semaphore(%arg9 : memref<!tpu.dma_semaphore, #tpu.memory_space<semaphore_mem>>)
    %add3A_160 = arith.constant 196608 : i32
    %add3A_161 = arith.addi %rem3A_3, %add3A_160 : i32
    %dma_start3A_162 = tpu.memref_slice %arg3[%add3A_161] : memref<6291456xf32, #tpu.memory_space<hbm>> -> memref<24576xf32, #tpu.memory_space<hbm>>
    %dma_start3A_163 = tpu.memref_slice %arg3[%add3A_161] : memref<6291456xf32, #tpu.memory_space<hbm>> -> memref<24576xf32, #tpu.memory_space<hbm>>
    tpu.enqueue_dma source(%dma_start3A_163 : memref<24576xf32, #tpu.memory_space<hbm>>) target(%arg7 : memref<24576xf32, #tpu.memory_space<vmem>>) target_semaphore(%arg11 : memref<!tpu.dma_semaphore, #tpu.memory_space<semaphore_mem>>)
    %dma_wait3A_164 = tpu.memref_slice %arg2[%add3A_136] : memref<25165824xf32, #tpu.memory_space<hbm>> -> memref<24576xf32, #tpu.memory_space<hbm>>
    %dma_wait3A_165 = tpu.memref_slice %arg2[%add3A_136] : memref<25165824xf32, #tpu.memory_space<hbm>> -> memref<24576xf32, #tpu.memory_space<hbm>>
    tpu.wait_dma2 semaphore(%arg10 : memref<!tpu.dma_semaphore, #tpu.memory_space<semaphore_mem>>) src(%dma_wait3A_165 : memref<24576xf32, #tpu.memory_space<hbm>>) dst(%arg6 : memref<24576xf32, #tpu.memory_space<vmem>>)
    %dma_wait3A_166 = tpu.memref_slice %arg3[%add3A_140] : memref<6291456xf32, #tpu.memory_space<hbm>> -> memref<24576xf32, #tpu.memory_space<hbm>>
    %dma_wait3A_167 = tpu.memref_slice %arg3[%add3A_140] : memref<6291456xf32, #tpu.memory_space<hbm>> -> memref<24576xf32, #tpu.memory_space<hbm>>
    tpu.wait_dma2 semaphore(%arg12 : memref<!tpu.dma_semaphore, #tpu.memory_space<semaphore_mem>>) src(%dma_wait3A_167 : memref<24576xf32, #tpu.memory_space<hbm>>) dst(%arg8 : memref<24576xf32, #tpu.memory_space<vmem>>)
    %parallel_loop3A_168 = arith.constant 0 : i32
    %parallel_loop3A_169 = arith.constant 24576 : i32
    %parallel_loop3A_170 = arith.constant 16 : i32
    scf.for %parallel_loop3A_673 = %parallel_loop3A_168 to %parallel_loop3A_169 step %parallel_loop3A_170  : i32 {
      %parallel_loop3A_674 = arith.index_cast %parallel_loop3A_673 : i32 to index
      %parallel_loop3A_675 = tpu.vector_load %arg8[%parallel_loop3A_674] {strides = array<i32>} : memref<24576xf32, #tpu.memory_space<vmem>>, vector<16xf32>,
      %parallel_loop3A_676 = vector.shape_cast %parallel_loop3A_675 : vector<16xf32> to vector<16xf32>
      %parallel_loop3A_677 = arith.index_cast %parallel_loop3A_673 : i32 to index
      %parallel_loop3A_678 = tpu.vector_load %arg6[%parallel_loop3A_677] {strides = array<i32>} : memref<24576xf32, #tpu.memory_space<vmem>>, vector<16xf32>,
      %parallel_loop3A_679 = vector.shape_cast %parallel_loop3A_678 : vector<16xf32> to vector<16xf32>
      %parallel_loop3A_680 = vector.shape_cast %parallel_loop3A_676 : vector<16xf32> to vector<16xf32>
      tpu.vector_store %arg6[%parallel_loop3A_677], %parallel_loop3A_680 {add = true, strides = array<i32>} : memref<24576xf32, #tpu.memory_space<vmem>>, vector<16xf32>,
    } {sc.loop_unroll_factor = 8 : i64, sc.parallel_access}
    %add3A_171 = arith.constant 172032 : i32
    %add3A_172 = arith.addi %mul3A_2, %add3A_171 : i32
    %dma_start3A_173 = tpu.memref_slice %arg4[%add3A_172] : memref<25165824xf32, #tpu.memory_space<hbm>> -> memref<24576xf32, #tpu.memory_space<hbm>>
    %dma_start3A_174 = tpu.memref_slice %arg4[%add3A_172] : memref<25165824xf32, #tpu.memory_space<hbm>> -> memref<24576xf32, #tpu.memory_space<hbm>>
    tpu.enqueue_dma source(%arg6 : memref<24576xf32, #tpu.memory_space<vmem>>) target(%dma_start3A_174 : memref<24576xf32, #tpu.memory_space<hbm>>) target_semaphore(%arg14 : memref<!tpu.dma_semaphore, #tpu.memory_space<semaphore_mem>>)
    %dma_wait3A_175 = tpu.memref_slice %arg4[%add3A_172] : memref<25165824xf32, #tpu.memory_space<hbm>> -> memref<24576xf32, #tpu.memory_space<hbm>>
    %dma_wait3A_176 = tpu.memref_slice %arg4[%add3A_172] : memref<25165824xf32, #tpu.memory_space<hbm>> -> memref<24576xf32, #tpu.memory_space<hbm>>
    tpu.wait_dma2 semaphore(%arg14 : memref<!tpu.dma_semaphore, #tpu.memory_space<semaphore_mem>>) src(%arg6 : memref<24576xf32, #tpu.memory_space<vmem>>) dst(%dma_wait3A_176 : memref<24576xf32, #tpu.memory_space<hbm>>)
    %add3A_177 = arith.constant 221184 : i32
    %add3A_178 = arith.addi %mul3A_2, %add3A_177 : i32
    %dma_start3A_179 = tpu.memref_slice %arg2[%add3A_178] : memref<25165824xf32, #tpu.memory_space<hbm>> -> memref<24576xf32, #tpu.memory_space<hbm>>
    %dma_start3A_180 = tpu.memref_slice %arg2[%add3A_178] : memref<25165824xf32, #tpu.memory_space<hbm>> -> memref<24576xf32, #tpu.memory_space<hbm>>
    tpu.enqueue_dma source(%dma_start3A_180 : memref<24576xf32, #tpu.memory_space<hbm>>) target(%arg6 : memref<24576xf32, #tpu.memory_space<vmem>>) target_semaphore(%arg10 : memref<!tpu.dma_semaphore, #tpu.memory_space<semaphore_mem>>)
    %add3A_181 = arith.constant 221184 : i32
    %add3A_182 = arith.addi %rem3A_3, %add3A_181 : i32
    %dma_start3A_183 = tpu.memref_slice %arg3[%add3A_182] : memref<6291456xf32, #tpu.memory_space<hbm>> -> memref<24576xf32, #tpu.memory_space<hbm>>
    %dma_start3A_184 = tpu.memref_slice %arg3[%add3A_182] : memref<6291456xf32, #tpu.memory_space<hbm>> -> memref<24576xf32, #tpu.memory_space<hbm>>
    tpu.enqueue_dma source(%dma_start3A_184 : memref<24576xf32, #tpu.memory_space<hbm>>) target(%arg8 : memref<24576xf32, #tpu.memory_space<vmem>>) target_semaphore(%arg12 : memref<!tpu.dma_semaphore, #tpu.memory_space<semaphore_mem>>)
    %dma_wait3A_185 = tpu.memref_slice %arg2[%add3A_157] : memref<25165824xf32, #tpu.memory_space<hbm>> -> memref<24576xf32, #tpu.memory_space<hbm>>
    %dma_wait3A_186 = tpu.memref_slice %arg2[%add3A_157] : memref<25165824xf32, #tpu.memory_space<hbm>> -> memref<24576xf32, #tpu.memory_space<hbm>>
    tpu.wait_dma2 semaphore(%arg9 : memref<!tpu.dma_semaphore, #tpu.memory_space<semaphore_mem>>) src(%dma_wait3A_186 : memref<24576xf32, #tpu.memory_space<hbm>>) dst(%arg5 : memref<24576xf32, #tpu.memory_space<vmem>>)
    %dma_wait3A_187 = tpu.memref_slice %arg3[%add3A_161] : memref<6291456xf32, #tpu.memory_space<hbm>> -> memref<24576xf32, #tpu.memory_space<hbm>>
    %dma_wait3A_188 = tpu.memref_slice %arg3[%add3A_161] : memref<6291456xf32, #tpu.memory_space<hbm>> -> memref<24576xf32, #tpu.memory_space<hbm>>
    tpu.wait_dma2 semaphore(%arg11 : memref<!tpu.dma_semaphore, #tpu.memory_space<semaphore_mem>>) src(%dma_wait3A_188 : memref<24576xf32, #tpu.memory_space<hbm>>) dst(%arg7 : memref<24576xf32, #tpu.memory_space<vmem>>)
    %parallel_loop3A_189 = arith.constant 0 : i32
    %parallel_loop3A_190 = arith.constant 24576 : i32
    %parallel_loop3A_191 = arith.constant 16 : i32
    scf.for %parallel_loop3A_673 = %parallel_loop3A_189 to %parallel_loop3A_190 step %parallel_loop3A_191  : i32 {
      %parallel_loop3A_674 = arith.index_cast %parallel_loop3A_673 : i32 to index
      %parallel_loop3A_675 = tpu.vector_load %arg7[%parallel_loop3A_674] {strides = array<i32>} : memref<24576xf32, #tpu.memory_space<vmem>>, vector<16xf32>,
      %parallel_loop3A_676 = vector.shape_cast %parallel_loop3A_675 : vector<16xf32> to vector<16xf32>
      %parallel_loop3A_677 = arith.index_cast %parallel_loop3A_673 : i32 to index
      %parallel_loop3A_678 = tpu.vector_load %arg5[%parallel_loop3A_677] {strides = array<i32>} : memref<24576xf32, #tpu.memory_space<vmem>>, vector<16xf32>,
      %parallel_loop3A_679 = vector.shape_cast %parallel_loop3A_678 : vector<16xf32> to vector<16xf32>
      %parallel_loop3A_680 = vector.shape_cast %parallel_loop3A_676 : vector<16xf32> to vector<16xf32>
      tpu.vector_store %arg5[%parallel_loop3A_677], %parallel_loop3A_680 {add = true, strides = array<i32>} : memref<24576xf32, #tpu.memory_space<vmem>>, vector<16xf32>,
    } {sc.loop_unroll_factor = 8 : i64, sc.parallel_access}
    %add3A_192 = arith.constant 196608 : i32
    %add3A_193 = arith.addi %mul3A_2, %add3A_192 : i32
    %dma_start3A_194 = tpu.memref_slice %arg4[%add3A_193] : memref<25165824xf32, #tpu.memory_space<hbm>> -> memref<24576xf32, #tpu.memory_space<hbm>>
    %dma_start3A_195 = tpu.memref_slice %arg4[%add3A_193] : memref<25165824xf32, #tpu.memory_space<hbm>> -> memref<24576xf32, #tpu.memory_space<hbm>>
    tpu.enqueue_dma source(%arg5 : memref<24576xf32, #tpu.memory_space<vmem>>) target(%dma_start3A_195 : memref<24576xf32, #tpu.memory_space<hbm>>) target_semaphore(%arg13 : memref<!tpu.dma_semaphore, #tpu.memory_space<semaphore_mem>>)
    %dma_wait3A_196 = tpu.memref_slice %arg4[%add3A_193] : memref<25165824xf32, #tpu.memory_space<hbm>> -> memref<24576xf32, #tpu.memory_space<hbm>>
    %dma_wait3A_197 = tpu.memref_slice %arg4[%add3A_193] : memref<25165824xf32, #tpu.memory_space<hbm>> -> memref<24576xf32, #tpu.memory_space<hbm>>
    tpu.wait_dma2 semaphore(%arg13 : memref<!tpu.dma_semaphore, #tpu.memory_space<semaphore_mem>>) src(%arg5 : memref<24576xf32, #tpu.memory_space<vmem>>) dst(%dma_wait3A_197 : memref<24576xf32, #tpu.memory_space<hbm>>)
    %add3A_198 = arith.constant 245760 : i32
    %add3A_199 = arith.addi %mul3A_2, %add3A_198 : i32
    %dma_start3A_200 = tpu.memref_slice %arg2[%add3A_199] : memref<25165824xf32, #tpu.memory_space<hbm>> -> memref<24576xf32, #tpu.memory_space<hbm>>
    %dma_start3A_201 = tpu.memref_slice %arg2[%add3A_199] : memref<25165824xf32, #tpu.memory_space<hbm>> -> memref<24576xf32, #tpu.memory_space<hbm>>
    tpu.enqueue_dma source(%dma_start3A_201 : memref<24576xf32, #tpu.memory_space<hbm>>) target(%arg5 : memref<24576xf32, #tpu.memory_space<vmem>>) target_semaphore(%arg9 : memref<!tpu.dma_semaphore, #tpu.memory_space<semaphore_mem>>)
    %add3A_202 = arith.constant 245760 : i32
    %add3A_203 = arith.addi %rem3A_3, %add3A_202 : i32
    %dma_start3A_204 = tpu.memref_slice %arg3[%add3A_203] : memref<6291456xf32, #tpu.memory_space<hbm>> -> memref<24576xf32, #tpu.memory_space<hbm>>
    %dma_start3A_205 = tpu.memref_slice %arg3[%add3A_203] : memref<6291456xf32, #tpu.memory_space<hbm>> -> memref<24576xf32, #tpu.memory_space<hbm>>
    tpu.enqueue_dma source(%dma_start3A_205 : memref<24576xf32, #tpu.memory_space<hbm>>) target(%arg7 : memref<24576xf32, #tpu.memory_space<vmem>>) target_semaphore(%arg11 : memref<!tpu.dma_semaphore, #tpu.memory_space<semaphore_mem>>)
    %dma_wait3A_206 = tpu.memref_slice %arg2[%add3A_178] : memref<25165824xf32, #tpu.memory_space<hbm>> -> memref<24576xf32, #tpu.memory_space<hbm>>
    %dma_wait3A_207 = tpu.memref_slice %arg2[%add3A_178] : memref<25165824xf32, #tpu.memory_space<hbm>> -> memref<24576xf32, #tpu.memory_space<hbm>>
    tpu.wait_dma2 semaphore(%arg10 : memref<!tpu.dma_semaphore, #tpu.memory_space<semaphore_mem>>) src(%dma_wait3A_207 : memref<24576xf32, #tpu.memory_space<hbm>>) dst(%arg6 : memref<24576xf32, #tpu.memory_space<vmem>>)
    %dma_wait3A_208 = tpu.memref_slice %arg3[%add3A_182] : memref<6291456xf32, #tpu.memory_space<hbm>> -> memref<24576xf32, #tpu.memory_space<hbm>>
    %dma_wait3A_209 = tpu.memref_slice %arg3[%add3A_182] : memref<6291456xf32, #tpu.memory_space<hbm>> -> memref<24576xf32, #tpu.memory_space<hbm>>
    tpu.wait_dma2 semaphore(%arg12 : memref<!tpu.dma_semaphore, #tpu.memory_space<semaphore_mem>>) src(%dma_wait3A_209 : memref<24576xf32, #tpu.memory_space<hbm>>) dst(%arg8 : memref<24576xf32, #tpu.memory_space<vmem>>)
    %parallel_loop3A_210 = arith.constant 0 : i32
    %parallel_loop3A_211 = arith.constant 24576 : i32
    %parallel_loop3A_212 = arith.constant 16 : i32
    scf.for %parallel_loop3A_673 = %parallel_loop3A_210 to %parallel_loop3A_211 step %parallel_loop3A_212  : i32 {
      %parallel_loop3A_674 = arith.index_cast %parallel_loop3A_673 : i32 to index
      %parallel_loop3A_675 = tpu.vector_load %arg8[%parallel_loop3A_674] {strides = array<i32>} : memref<24576xf32, #tpu.memory_space<vmem>>, vector<16xf32>,
      %parallel_loop3A_676 = vector.shape_cast %parallel_loop3A_675 : vector<16xf32> to vector<16xf32>
      %parallel_loop3A_677 = arith.index_cast %parallel_loop3A_673 : i32 to index
      %parallel_loop3A_678 = tpu.vector_load %arg6[%parallel_loop3A_677] {strides = array<i32>} : memref<24576xf32, #tpu.memory_space<vmem>>, vector<16xf32>,
      %parallel_loop3A_679 = vector.shape_cast %parallel_loop3A_678 : vector<16xf32> to vector<16xf32>
      %parallel_loop3A_680 = vector.shape_cast %parallel_loop3A_676 : vector<16xf32> to vector<16xf32>
      tpu.vector_store %arg6[%parallel_loop3A_677], %parallel_loop3A_680 {add = true, strides = array<i32>} : memref<24576xf32, #tpu.memory_space<vmem>>, vector<16xf32>,
    } {sc.loop_unroll_factor = 8 : i64, sc.parallel_access}
    %add3A_213 = arith.constant 221184 : i32
    %add3A_214 = arith.addi %mul3A_2, %add3A_213 : i32
    %dma_start3A_215 = tpu.memref_slice %arg4[%add3A_214] : memref<25165824xf32, #tpu.memory_space<hbm>> -> memref<24576xf32, #tpu.memory_space<hbm>>
    %dma_start3A_216 = tpu.memref_slice %arg4[%add3A_214] : memref<25165824xf32, #tpu.memory_space<hbm>> -> memref<24576xf32, #tpu.memory_space<hbm>>
    tpu.enqueue_dma source(%arg6 : memref<24576xf32, #tpu.memory_space<vmem>>) target(%dma_start3A_216 : memref<24576xf32, #tpu.memory_space<hbm>>) target_semaphore(%arg14 : memref<!tpu.dma_semaphore, #tpu.memory_space<semaphore_mem>>)
    %dma_wait3A_217 = tpu.memref_slice %arg4[%add3A_214] : memref<25165824xf32, #tpu.memory_space<hbm>> -> memref<24576xf32, #tpu.memory_space<hbm>>
    %dma_wait3A_218 = tpu.memref_slice %arg4[%add3A_214] : memref<25165824xf32, #tpu.memory_space<hbm>> -> memref<24576xf32, #tpu.memory_space<hbm>>
    tpu.wait_dma2 semaphore(%arg14 : memref<!tpu.dma_semaphore, #tpu.memory_space<semaphore_mem>>) src(%arg6 : memref<24576xf32, #tpu.memory_space<vmem>>) dst(%dma_wait3A_218 : memref<24576xf32, #tpu.memory_space<hbm>>)
    %add3A_219 = arith.constant 270336 : i32
    %add3A_220 = arith.addi %mul3A_2, %add3A_219 : i32
    %dma_start3A_221 = tpu.memref_slice %arg2[%add3A_220] : memref<25165824xf32, #tpu.memory_space<hbm>> -> memref<24576xf32, #tpu.memory_space<hbm>>
    %dma_start3A_222 = tpu.memref_slice %arg2[%add3A_220] : memref<25165824xf32, #tpu.memory_space<hbm>> -> memref<24576xf32, #tpu.memory_space<hbm>>
    tpu.enqueue_dma source(%dma_start3A_222 : memref<24576xf32, #tpu.memory_space<hbm>>) target(%arg6 : memref<24576xf32, #tpu.memory_space<vmem>>) target_semaphore(%arg10 : memref<!tpu.dma_semaphore, #tpu.memory_space<semaphore_mem>>)
    %add3A_223 = arith.constant 270336 : i32
    %add3A_224 = arith.addi %rem3A_3, %add3A_223 : i32
    %dma_start3A_225 = tpu.memref_slice %arg3[%add3A_224] : memref<6291456xf32, #tpu.memory_space<hbm>> -> memref<24576xf32, #tpu.memory_space<hbm>>
    %dma_start3A_226 = tpu.memref_slice %arg3[%add3A_224] : memref<6291456xf32, #tpu.memory_space<hbm>> -> memref<24576xf32, #tpu.memory_space<hbm>>
    tpu.enqueue_dma source(%dma_start3A_226 : memref<24576xf32, #tpu.memory_space<hbm>>) target(%arg8 : memref<24576xf32, #tpu.memory_space<vmem>>) target_semaphore(%arg12 : memref<!tpu.dma_semaphore, #tpu.memory_space<semaphore_mem>>)
    %dma_wait3A_227 = tpu.memref_slice %arg2[%add3A_199] : memref<25165824xf32, #tpu.memory_space<hbm>> -> memref<24576xf32, #tpu.memory_space<hbm>>
    %dma_wait3A_228 = tpu.memref_slice %arg2[%add3A_199] : memref<25165824xf32, #tpu.memory_space<hbm>> -> memref<24576xf32, #tpu.memory_space<hbm>>
    tpu.wait_dma2 semaphore(%arg9 : memref<!tpu.dma_semaphore, #tpu.memory_space<semaphore_mem>>) src(%dma_wait3A_228 : memref<24576xf32, #tpu.memory_space<hbm>>) dst(%arg5 : memref<24576xf32, #tpu.memory_space<vmem>>)
    %dma_wait3A_229 = tpu.memref_slice %arg3[%add3A_203] : memref<6291456xf32, #tpu.memory_space<hbm>> -> memref<24576xf32, #tpu.memory_space<hbm>>
    %dma_wait3A_230 = tpu.memref_slice %arg3[%add3A_203] : memref<6291456xf32, #tpu.memory_space<hbm>> -> memref<24576xf32, #tpu.memory_space<hbm>>
    tpu.wait_dma2 semaphore(%arg11 : memref<!tpu.dma_semaphore, #tpu.memory_space<semaphore_mem>>) src(%dma_wait3A_230 : memref<24576xf32, #tpu.memory_space<hbm>>) dst(%arg7 : memref<24576xf32, #tpu.memory_space<vmem>>)
    %parallel_loop3A_231 = arith.constant 0 : i32
    %parallel_loop3A_232 = arith.constant 24576 : i32
    %parallel_loop3A_233 = arith.constant 16 : i32
    scf.for %parallel_loop3A_673 = %parallel_loop3A_231 to %parallel_loop3A_232 step %parallel_loop3A_233  : i32 {
      %parallel_loop3A_674 = arith.index_cast %parallel_loop3A_673 : i32 to index
      %parallel_loop3A_675 = tpu.vector_load %arg7[%parallel_loop3A_674] {strides = array<i32>} : memref<24576xf32, #tpu.memory_space<vmem>>, vector<16xf32>,
      %parallel_loop3A_676 = vector.shape_cast %parallel_loop3A_675 : vector<16xf32> to vector<16xf32>
      %parallel_loop3A_677 = arith.index_cast %parallel_loop3A_673 : i32 to index
      %parallel_loop3A_678 = tpu.vector_load %arg5[%parallel_loop3A_677] {strides = array<i32>} : memref<24576xf32, #tpu.memory_space<vmem>>, vector<16xf32>,
      %parallel_loop3A_679 = vector.shape_cast %parallel_loop3A_678 : vector<16xf32> to vector<16xf32>
      %parallel_loop3A_680 = vector.shape_cast %parallel_loop3A_676 : vector<16xf32> to vector<16xf32>
      tpu.vector_store %arg5[%parallel_loop3A_677], %parallel_loop3A_680 {add = true, strides = array<i32>} : memref<24576xf32, #tpu.memory_space<vmem>>, vector<16xf32>,
    } {sc.loop_unroll_factor = 8 : i64, sc.parallel_access}
    %add3A_234 = arith.constant 245760 : i32
    %add3A_235 = arith.addi %mul3A_2, %add3A_234 : i32
    %dma_start3A_236 = tpu.memref_slice %arg4[%add3A_235] : memref<25165824xf32, #tpu.memory_space<hbm>> -> memref<24576xf32, #tpu.memory_space<hbm>>
    %dma_start3A_237 = tpu.memref_slice %arg4[%add3A_235] : memref<25165824xf32, #tpu.memory_space<hbm>> -> memref<24576xf32, #tpu.memory_space<hbm>>
    tpu.enqueue_dma source(%arg5 : memref<24576xf32, #tpu.memory_space<vmem>>) target(%dma_start3A_237 : memref<24576xf32, #tpu.memory_space<hbm>>) target_semaphore(%arg13 : memref<!tpu.dma_semaphore, #tpu.memory_space<semaphore_mem>>)
    %dma_wait3A_238 = tpu.memref_slice %arg4[%add3A_235] : memref<25165824xf32, #tpu.memory_space<hbm>> -> memref<24576xf32, #tpu.memory_space<hbm>>
    %dma_wait3A_239 = tpu.memref_slice %arg4[%add3A_235] : memref<25165824xf32, #tpu.memory_space<hbm>> -> memref<24576xf32, #tpu.memory_space<hbm>>
    tpu.wait_dma2 semaphore(%arg13 : memref<!tpu.dma_semaphore, #tpu.memory_space<semaphore_mem>>) src(%arg5 : memref<24576xf32, #tpu.memory_space<vmem>>) dst(%dma_wait3A_239 : memref<24576xf32, #tpu.memory_space<hbm>>)
    %add3A_240 = arith.constant 294912 : i32
    %add3A_241 = arith.addi %mul3A_2, %add3A_240 : i32
    %dma_start3A_242 = tpu.memref_slice %arg2[%add3A_241] : memref<25165824xf32, #tpu.memory_space<hbm>> -> memref<24576xf32, #tpu.memory_space<hbm>>
    %dma_start3A_243 = tpu.memref_slice %arg2[%add3A_241] : memref<25165824xf32, #tpu.memory_space<hbm>> -> memref<24576xf32, #tpu.memory_space<hbm>>
    tpu.enqueue_dma source(%dma_start3A_243 : memref<24576xf32, #tpu.memory_space<hbm>>) target(%arg5 : memref<24576xf32, #tpu.memory_space<vmem>>) target_semaphore(%arg9 : memref<!tpu.dma_semaphore, #tpu.memory_space<semaphore_mem>>)
    %add3A_244 = arith.constant 294912 : i32
    %add3A_245 = arith.addi %rem3A_3, %add3A_244 : i32
    %dma_start3A_246 = tpu.memref_slice %arg3[%add3A_245] : memref<6291456xf32, #tpu.memory_space<hbm>> -> memref<24576xf32, #tpu.memory_space<hbm>>
    %dma_start3A_247 = tpu.memref_slice %arg3[%add3A_245] : memref<6291456xf32, #tpu.memory_space<hbm>> -> memref<24576xf32, #tpu.memory_space<hbm>>
    tpu.enqueue_dma source(%dma_start3A_247 : memref<24576xf32, #tpu.memory_space<hbm>>) target(%arg7 : memref<24576xf32, #tpu.memory_space<vmem>>) target_semaphore(%arg11 : memref<!tpu.dma_semaphore, #tpu.memory_space<semaphore_mem>>)
    %dma_wait3A_248 = tpu.memref_slice %arg2[%add3A_220] : memref<25165824xf32, #tpu.memory_space<hbm>> -> memref<24576xf32, #tpu.memory_space<hbm>>
    %dma_wait3A_249 = tpu.memref_slice %arg2[%add3A_220] : memref<25165824xf32, #tpu.memory_space<hbm>> -> memref<24576xf32, #tpu.memory_space<hbm>>
    tpu.wait_dma2 semaphore(%arg10 : memref<!tpu.dma_semaphore, #tpu.memory_space<semaphore_mem>>) src(%dma_wait3A_249 : memref<24576xf32, #tpu.memory_space<hbm>>) dst(%arg6 : memref<24576xf32, #tpu.memory_space<vmem>>)
    %dma_wait3A_250 = tpu.memref_slice %arg3[%add3A_224] : memref<6291456xf32, #tpu.memory_space<hbm>> -> memref<24576xf32, #tpu.memory_space<hbm>>
    %dma_wait3A_251 = tpu.memref_slice %arg3[%add3A_224] : memref<6291456xf32, #tpu.memory_space<hbm>> -> memref<24576xf32, #tpu.memory_space<hbm>>
    tpu.wait_dma2 semaphore(%arg12 : memref<!tpu.dma_semaphore, #tpu.memory_space<semaphore_mem>>) src(%dma_wait3A_251 : memref<24576xf32, #tpu.memory_space<hbm>>) dst(%arg8 : memref<24576xf32, #tpu.memory_space<vmem>>)
    %parallel_loop3A_252 = arith.constant 0 : i32
    %parallel_loop3A_253 = arith.constant 24576 : i32
    %parallel_loop3A_254 = arith.constant 16 : i32
    scf.for %parallel_loop3A_673 = %parallel_loop3A_252 to %parallel_loop3A_253 step %parallel_loop3A_254  : i32 {
      %parallel_loop3A_674 = arith.index_cast %parallel_loop3A_673 : i32 to index
      %parallel_loop3A_675 = tpu.vector_load %arg8[%parallel_loop3A_674] {strides = array<i32>} : memref<24576xf32, #tpu.memory_space<vmem>>, vector<16xf32>,
      %parallel_loop3A_676 = vector.shape_cast %parallel_loop3A_675 : vector<16xf32> to vector<16xf32>
      %parallel_loop3A_677 = arith.index_cast %parallel_loop3A_673 : i32 to index
      %parallel_loop3A_678 = tpu.vector_load %arg6[%parallel_loop3A_677] {strides = array<i32>} : memref<24576xf32, #tpu.memory_space<vmem>>, vector<16xf32>,
      %parallel_loop3A_679 = vector.shape_cast %parallel_loop3A_678 : vector<16xf32> to vector<16xf32>
      %parallel_loop3A_680 = vector.shape_cast %parallel_loop3A_676 : vector<16xf32> to vector<16xf32>
      tpu.vector_store %arg6[%parallel_loop3A_677], %parallel_loop3A_680 {add = true, strides = array<i32>} : memref<24576xf32, #tpu.memory_space<vmem>>, vector<16xf32>,
    } {sc.loop_unroll_factor = 8 : i64, sc.parallel_access}
    %add3A_255 = arith.constant 270336 : i32
    %add3A_256 = arith.addi %mul3A_2, %add3A_255 : i32
    %dma_start3A_257 = tpu.memref_slice %arg4[%add3A_256] : memref<25165824xf32, #tpu.memory_space<hbm>> -> memref<24576xf32, #tpu.memory_space<hbm>>
    %dma_start3A_258 = tpu.memref_slice %arg4[%add3A_256] : memref<25165824xf32, #tpu.memory_space<hbm>> -> memref<24576xf32, #tpu.memory_space<hbm>>
    tpu.enqueue_dma source(%arg6 : memref<24576xf32, #tpu.memory_space<vmem>>) target(%dma_start3A_258 : memref<24576xf32, #tpu.memory_space<hbm>>) target_semaphore(%arg14 : memref<!tpu.dma_semaphore, #tpu.memory_space<semaphore_mem>>)
    %dma_wait3A_259 = tpu.memref_slice %arg4[%add3A_256] : memref<25165824xf32, #tpu.memory_space<hbm>> -> memref<24576xf32, #tpu.memory_space<hbm>>
    %dma_wait3A_260 = tpu.memref_slice %arg4[%add3A_256] : memref<25165824xf32, #tpu.memory_space<hbm>> -> memref<24576xf32, #tpu.memory_space<hbm>>
    tpu.wait_dma2 semaphore(%arg14 : memref<!tpu.dma_semaphore, #tpu.memory_space<semaphore_mem>>) src(%arg6 : memref<24576xf32, #tpu.memory_space<vmem>>) dst(%dma_wait3A_260 : memref<24576xf32, #tpu.memory_space<hbm>>)
    %add3A_261 = arith.constant 319488 : i32
    %add3A_262 = arith.addi %mul3A_2, %add3A_261 : i32
    %dma_start3A_263 = tpu.memref_slice %arg2[%add3A_262] : memref<25165824xf32, #tpu.memory_space<hbm>> -> memref<24576xf32, #tpu.memory_space<hbm>>
    %dma_start3A_264 = tpu.memref_slice %arg2[%add3A_262] : memref<25165824xf32, #tpu.memory_space<hbm>> -> memref<24576xf32, #tpu.memory_space<hbm>>
    tpu.enqueue_dma source(%dma_start3A_264 : memref<24576xf32, #tpu.memory_space<hbm>>) target(%arg6 : memref<24576xf32, #tpu.memory_space<vmem>>) target_semaphore(%arg10 : memref<!tpu.dma_semaphore, #tpu.memory_space<semaphore_mem>>)
    %add3A_265 = arith.constant 319488 : i32
    %add3A_266 = arith.addi %rem3A_3, %add3A_265 : i32
    %dma_start3A_267 = tpu.memref_slice %arg3[%add3A_266] : memref<6291456xf32, #tpu.memory_space<hbm>> -> memref<24576xf32, #tpu.memory_space<hbm>>
    %dma_start3A_268 = tpu.memref_slice %arg3[%add3A_266] : memref<6291456xf32, #tpu.memory_space<hbm>> -> memref<24576xf32, #tpu.memory_space<hbm>>
    tpu.enqueue_dma source(%dma_start3A_268 : memref<24576xf32, #tpu.memory_space<hbm>>) target(%arg8 : memref<24576xf32, #tpu.memory_space<vmem>>) target_semaphore(%arg12 : memref<!tpu.dma_semaphore, #tpu.memory_space<semaphore_mem>>)
    %dma_wait3A_269 = tpu.memref_slice %arg2[%add3A_241] : memref<25165824xf32, #tpu.memory_space<hbm>> -> memref<24576xf32, #tpu.memory_space<hbm>>
    %dma_wait3A_270 = tpu.memref_slice %arg2[%add3A_241] : memref<25165824xf32, #tpu.memory_space<hbm>> -> memref<24576xf32, #tpu.memory_space<hbm>>
    tpu.wait_dma2 semaphore(%arg9 : memref<!tpu.dma_semaphore, #tpu.memory_space<semaphore_mem>>) src(%dma_wait3A_270 : memref<24576xf32, #tpu.memory_space<hbm>>) dst(%arg5 : memref<24576xf32, #tpu.memory_space<vmem>>)
    %dma_wait3A_271 = tpu.memref_slice %arg3[%add3A_245] : memref<6291456xf32, #tpu.memory_space<hbm>> -> memref<24576xf32, #tpu.memory_space<hbm>>
    %dma_wait3A_272 = tpu.memref_slice %arg3[%add3A_245] : memref<6291456xf32, #tpu.memory_space<hbm>> -> memref<24576xf32, #tpu.memory_space<hbm>>
    tpu.wait_dma2 semaphore(%arg11 : memref<!tpu.dma_semaphore, #tpu.memory_space<semaphore_mem>>) src(%dma_wait3A_272 : memref<24576xf32, #tpu.memory_space<hbm>>) dst(%arg7 : memref<24576xf32, #tpu.memory_space<vmem>>)
    %parallel_loop3A_273 = arith.constant 0 : i32
    %parallel_loop3A_274 = arith.constant 24576 : i32
    %parallel_loop3A_275 = arith.constant 16 : i32
    scf.for %parallel_loop3A_673 = %parallel_loop3A_273 to %parallel_loop3A_274 step %parallel_loop3A_275  : i32 {
      %parallel_loop3A_674 = arith.index_cast %parallel_loop3A_673 : i32 to index
      %parallel_loop3A_675 = tpu.vector_load %arg7[%parallel_loop3A_674] {strides = array<i32>} : memref<24576xf32, #tpu.memory_space<vmem>>, vector<16xf32>,
      %parallel_loop3A_676 = vector.shape_cast %parallel_loop3A_675 : vector<16xf32> to vector<16xf32>
      %parallel_loop3A_677 = arith.index_cast %parallel_loop3A_673 : i32 to index
      %parallel_loop3A_678 = tpu.vector_load %arg5[%parallel_loop3A_677] {strides = array<i32>} : memref<24576xf32, #tpu.memory_space<vmem>>, vector<16xf32>,
      %parallel_loop3A_679 = vector.shape_cast %parallel_loop3A_678 : vector<16xf32> to vector<16xf32>
      %parallel_loop3A_680 = vector.shape_cast %parallel_loop3A_676 : vector<16xf32> to vector<16xf32>
      tpu.vector_store %arg5[%parallel_loop3A_677], %parallel_loop3A_680 {add = true, strides = array<i32>} : memref<24576xf32, #tpu.memory_space<vmem>>, vector<16xf32>,
    } {sc.loop_unroll_factor = 8 : i64, sc.parallel_access}
    %add3A_276 = arith.constant 294912 : i32
    %add3A_277 = arith.addi %mul3A_2, %add3A_276 : i32
    %dma_start3A_278 = tpu.memref_slice %arg4[%add3A_277] : memref<25165824xf32, #tpu.memory_space<hbm>> -> memref<24576xf32, #tpu.memory_space<hbm>>
    %dma_start3A_279 = tpu.memref_slice %arg4[%add3A_277] : memref<25165824xf32, #tpu.memory_space<hbm>> -> memref<24576xf32, #tpu.memory_space<hbm>>
    tpu.enqueue_dma source(%arg5 : memref<24576xf32, #tpu.memory_space<vmem>>) target(%dma_start3A_279 : memref<24576xf32, #tpu.memory_space<hbm>>) target_semaphore(%arg13 : memref<!tpu.dma_semaphore, #tpu.memory_space<semaphore_mem>>)
    %dma_wait3A_280 = tpu.memref_slice %arg4[%add3A_277] : memref<25165824xf32, #tpu.memory_space<hbm>> -> memref<24576xf32, #tpu.memory_space<hbm>>
    %dma_wait3A_281 = tpu.memref_slice %arg4[%add3A_277] : memref<25165824xf32, #tpu.memory_space<hbm>> -> memref<24576xf32, #tpu.memory_space<hbm>>
    tpu.wait_dma2 semaphore(%arg13 : memref<!tpu.dma_semaphore, #tpu.memory_space<semaphore_mem>>) src(%arg5 : memref<24576xf32, #tpu.memory_space<vmem>>) dst(%dma_wait3A_281 : memref<24576xf32, #tpu.memory_space<hbm>>)
    %add3A_282 = arith.constant 344064 : i32
    %add3A_283 = arith.addi %mul3A_2, %add3A_282 : i32
    %dma_start3A_284 = tpu.memref_slice %arg2[%add3A_283] : memref<25165824xf32, #tpu.memory_space<hbm>> -> memref<24576xf32, #tpu.memory_space<hbm>>
    %dma_start3A_285 = tpu.memref_slice %arg2[%add3A_283] : memref<25165824xf32, #tpu.memory_space<hbm>> -> memref<24576xf32, #tpu.memory_space<hbm>>
    tpu.enqueue_dma source(%dma_start3A_285 : memref<24576xf32, #tpu.memory_space<hbm>>) target(%arg5 : memref<24576xf32, #tpu.memory_space<vmem>>) target_semaphore(%arg9 : memref<!tpu.dma_semaphore, #tpu.memory_space<semaphore_mem>>)
    %add3A_286 = arith.constant 344064 : i32
    %add3A_287 = arith.addi %rem3A_3, %add3A_286 : i32
    %dma_start3A_288 = tpu.memref_slice %arg3[%add3A_287] : memref<6291456xf32, #tpu.memory_space<hbm>> -> memref<24576xf32, #tpu.memory_space<hbm>>
    %dma_start3A_289 = tpu.memref_slice %arg3[%add3A_287] : memref<6291456xf32, #tpu.memory_space<hbm>> -> memref<24576xf32, #tpu.memory_space<hbm>>
    tpu.enqueue_dma source(%dma_start3A_289 : memref<24576xf32, #tpu.memory_space<hbm>>) target(%arg7 : memref<24576xf32, #tpu.memory_space<vmem>>) target_semaphore(%arg11 : memref<!tpu.dma_semaphore, #tpu.memory_space<semaphore_mem>>)
    %dma_wait3A_290 = tpu.memref_slice %arg2[%add3A_262] : memref<25165824xf32, #tpu.memory_space<hbm>> -> memref<24576xf32, #tpu.memory_space<hbm>>
    %dma_wait3A_291 = tpu.memref_slice %arg2[%add3A_262] : memref<25165824xf32, #tpu.memory_space<hbm>> -> memref<24576xf32, #tpu.memory_space<hbm>>
    tpu.wait_dma2 semaphore(%arg10 : memref<!tpu.dma_semaphore, #tpu.memory_space<semaphore_mem>>) src(%dma_wait3A_291 : memref<24576xf32, #tpu.memory_space<hbm>>) dst(%arg6 : memref<24576xf32, #tpu.memory_space<vmem>>)
    %dma_wait3A_292 = tpu.memref_slice %arg3[%add3A_266] : memref<6291456xf32, #tpu.memory_space<hbm>> -> memref<24576xf32, #tpu.memory_space<hbm>>
    %dma_wait3A_293 = tpu.memref_slice %arg3[%add3A_266] : memref<6291456xf32, #tpu.memory_space<hbm>> -> memref<24576xf32, #tpu.memory_space<hbm>>
    tpu.wait_dma2 semaphore(%arg12 : memref<!tpu.dma_semaphore, #tpu.memory_space<semaphore_mem>>) src(%dma_wait3A_293 : memref<24576xf32, #tpu.memory_space<hbm>>) dst(%arg8 : memref<24576xf32, #tpu.memory_space<vmem>>)
    %parallel_loop3A_294 = arith.constant 0 : i32
    %parallel_loop3A_295 = arith.constant 24576 : i32
    %parallel_loop3A_296 = arith.constant 16 : i32
    scf.for %parallel_loop3A_673 = %parallel_loop3A_294 to %parallel_loop3A_295 step %parallel_loop3A_296  : i32 {
      %parallel_loop3A_674 = arith.index_cast %parallel_loop3A_673 : i32 to index
      %parallel_loop3A_675 = tpu.vector_load %arg8[%parallel_loop3A_674] {strides = array<i32>} : memref<24576xf32, #tpu.memory_space<vmem>>, vector<16xf32>,
      %parallel_loop3A_676 = vector.shape_cast %parallel_loop3A_675 : vector<16xf32> to vector<16xf32>
      %parallel_loop3A_677 = arith.index_cast %parallel_loop3A_673 : i32 to index
      %parallel_loop3A_678 = tpu.vector_load %arg6[%parallel_loop3A_677] {strides = array<i32>} : memref<24576xf32, #tpu.memory_space<vmem>>, vector<16xf32>,
      %parallel_loop3A_679 = vector.shape_cast %parallel_loop3A_678 : vector<16xf32> to vector<16xf32>
      %parallel_loop3A_680 = vector.shape_cast %parallel_loop3A_676 : vector<16xf32> to vector<16xf32>
      tpu.vector_store %arg6[%parallel_loop3A_677], %parallel_loop3A_680 {add = true, strides = array<i32>} : memref<24576xf32, #tpu.memory_space<vmem>>, vector<16xf32>,
    } {sc.loop_unroll_factor = 8 : i64, sc.parallel_access}
    %add3A_297 = arith.constant 319488 : i32
    %add3A_298 = arith.addi %mul3A_2, %add3A_297 : i32
    %dma_start3A_299 = tpu.memref_slice %arg4[%add3A_298] : memref<25165824xf32, #tpu.memory_space<hbm>> -> memref<24576xf32, #tpu.memory_space<hbm>>
    %dma_start3A_300 = tpu.memref_slice %arg4[%add3A_298] : memref<25165824xf32, #tpu.memory_space<hbm>> -> memref<24576xf32, #tpu.memory_space<hbm>>
    tpu.enqueue_dma source(%arg6 : memref<24576xf32, #tpu.memory_space<vmem>>) target(%dma_start3A_300 : memref<24576xf32, #tpu.memory_space<hbm>>) target_semaphore(%arg14 : memref<!tpu.dma_semaphore, #tpu.memory_space<semaphore_mem>>)
    %dma_wait3A_301 = tpu.memref_slice %arg4[%add3A_298] : memref<25165824xf32, #tpu.memory_space<hbm>> -> memref<24576xf32, #tpu.memory_space<hbm>>
    %dma_wait3A_302 = tpu.memref_slice %arg4[%add3A_298] : memref<25165824xf32, #tpu.memory_space<hbm>> -> memref<24576xf32, #tpu.memory_space<hbm>>
    tpu.wait_dma2 semaphore(%arg14 : memref<!tpu.dma_semaphore, #tpu.memory_space<semaphore_mem>>) src(%arg6 : memref<24576xf32, #tpu.memory_space<vmem>>) dst(%dma_wait3A_302 : memref<24576xf32, #tpu.memory_space<hbm>>)
    %add3A_303 = arith.constant 368640 : i32
    %add3A_304 = arith.addi %mul3A_2, %add3A_303 : i32
    %dma_start3A_305 = tpu.memref_slice %arg2[%add3A_304] : memref<25165824xf32, #tpu.memory_space<hbm>> -> memref<24576xf32, #tpu.memory_space<hbm>>
    %dma_start3A_306 = tpu.memref_slice %arg2[%add3A_304] : memref<25165824xf32, #tpu.memory_space<hbm>> -> memref<24576xf32, #tpu.memory_space<hbm>>
    tpu.enqueue_dma source(%dma_start3A_306 : memref<24576xf32, #tpu.memory_space<hbm>>) target(%arg6 : memref<24576xf32, #tpu.memory_space<vmem>>) target_semaphore(%arg10 : memref<!tpu.dma_semaphore, #tpu.memory_space<semaphore_mem>>)
    %add3A_307 = arith.constant 368640 : i32
    %add3A_308 = arith.addi %rem3A_3, %add3A_307 : i32
    %dma_start3A_309 = tpu.memref_slice %arg3[%add3A_308] : memref<6291456xf32, #tpu.memory_space<hbm>> -> memref<24576xf32, #tpu.memory_space<hbm>>
    %dma_start3A_310 = tpu.memref_slice %arg3[%add3A_308] : memref<6291456xf32, #tpu.memory_space<hbm>> -> memref<24576xf32, #tpu.memory_space<hbm>>
    tpu.enqueue_dma source(%dma_start3A_310 : memref<24576xf32, #tpu.memory_space<hbm>>) target(%arg8 : memref<24576xf32, #tpu.memory_space<vmem>>) target_semaphore(%arg12 : memref<!tpu.dma_semaphore, #tpu.memory_space<semaphore_mem>>)
    %dma_wait3A_311 = tpu.memref_slice %arg2[%add3A_283] : memref<25165824xf32, #tpu.memory_space<hbm>> -> memref<24576xf32, #tpu.memory_space<hbm>>
    %dma_wait3A_312 = tpu.memref_slice %arg2[%add3A_283] : memref<25165824xf32, #tpu.memory_space<hbm>> -> memref<24576xf32, #tpu.memory_space<hbm>>
    tpu.wait_dma2 semaphore(%arg9 : memref<!tpu.dma_semaphore, #tpu.memory_space<semaphore_mem>>) src(%dma_wait3A_312 : memref<24576xf32, #tpu.memory_space<hbm>>) dst(%arg5 : memref<24576xf32, #tpu.memory_space<vmem>>)
    %dma_wait3A_313 = tpu.memref_slice %arg3[%add3A_287] : memref<6291456xf32, #tpu.memory_space<hbm>> -> memref<24576xf32, #tpu.memory_space<hbm>>
    %dma_wait3A_314 = tpu.memref_slice %arg3[%add3A_287] : memref<6291456xf32, #tpu.memory_space<hbm>> -> memref<24576xf32, #tpu.memory_space<hbm>>
    tpu.wait_dma2 semaphore(%arg11 : memref<!tpu.dma_semaphore, #tpu.memory_space<semaphore_mem>>) src(%dma_wait3A_314 : memref<24576xf32, #tpu.memory_space<hbm>>) dst(%arg7 : memref<24576xf32, #tpu.memory_space<vmem>>)
    %parallel_loop3A_315 = arith.constant 0 : i32
    %parallel_loop3A_316 = arith.constant 24576 : i32
    %parallel_loop3A_317 = arith.constant 16 : i32
    scf.for %parallel_loop3A_673 = %parallel_loop3A_315 to %parallel_loop3A_316 step %parallel_loop3A_317  : i32 {
      %parallel_loop3A_674 = arith.index_cast %parallel_loop3A_673 : i32 to index
      %parallel_loop3A_675 = tpu.vector_load %arg7[%parallel_loop3A_674] {strides = array<i32>} : memref<24576xf32, #tpu.memory_space<vmem>>, vector<16xf32>,
      %parallel_loop3A_676 = vector.shape_cast %parallel_loop3A_675 : vector<16xf32> to vector<16xf32>
      %parallel_loop3A_677 = arith.index_cast %parallel_loop3A_673 : i32 to index
      %parallel_loop3A_678 = tpu.vector_load %arg5[%parallel_loop3A_677] {strides = array<i32>} : memref<24576xf32, #tpu.memory_space<vmem>>, vector<16xf32>,
      %parallel_loop3A_679 = vector.shape_cast %parallel_loop3A_678 : vector<16xf32> to vector<16xf32>
      %parallel_loop3A_680 = vector.shape_cast %parallel_loop3A_676 : vector<16xf32> to vector<16xf32>
      tpu.vector_store %arg5[%parallel_loop3A_677], %parallel_loop3A_680 {add = true, strides = array<i32>} : memref<24576xf32, #tpu.memory_space<vmem>>, vector<16xf32>,
    } {sc.loop_unroll_factor = 8 : i64, sc.parallel_access}
    %add3A_318 = arith.constant 344064 : i32
    %add3A_319 = arith.addi %mul3A_2, %add3A_318 : i32
    %dma_start3A_320 = tpu.memref_slice %arg4[%add3A_319] : memref<25165824xf32, #tpu.memory_space<hbm>> -> memref<24576xf32, #tpu.memory_space<hbm>>
    %dma_start3A_321 = tpu.memref_slice %arg4[%add3A_319] : memref<25165824xf32, #tpu.memory_space<hbm>> -> memref<24576xf32, #tpu.memory_space<hbm>>
    tpu.enqueue_dma source(%arg5 : memref<24576xf32, #tpu.memory_space<vmem>>) target(%dma_start3A_321 : memref<24576xf32, #tpu.memory_space<hbm>>) target_semaphore(%arg13 : memref<!tpu.dma_semaphore, #tpu.memory_space<semaphore_mem>>)
    %dma_wait3A_322 = tpu.memref_slice %arg4[%add3A_319] : memref<25165824xf32, #tpu.memory_space<hbm>> -> memref<24576xf32, #tpu.memory_space<hbm>>
    %dma_wait3A_323 = tpu.memref_slice %arg4[%add3A_319] : memref<25165824xf32, #tpu.memory_space<hbm>> -> memref<24576xf32, #tpu.memory_space<hbm>>
    tpu.wait_dma2 semaphore(%arg13 : memref<!tpu.dma_semaphore, #tpu.memory_space<semaphore_mem>>) src(%arg5 : memref<24576xf32, #tpu.memory_space<vmem>>) dst(%dma_wait3A_323 : memref<24576xf32, #tpu.memory_space<hbm>>)
    %add3A_324 = arith.constant 393216 : i32
    %add3A_325 = arith.addi %mul3A_2, %add3A_324 : i32
    %dma_start3A_326 = tpu.memref_slice %arg2[%add3A_325] : memref<25165824xf32, #tpu.memory_space<hbm>> -> memref<24576xf32, #tpu.memory_space<hbm>>
    %dma_start3A_327 = tpu.memref_slice %arg2[%add3A_325] : memref<25165824xf32, #tpu.memory_space<hbm>> -> memref<24576xf32, #tpu.memory_space<hbm>>
    tpu.enqueue_dma source(%dma_start3A_327 : memref<24576xf32, #tpu.memory_space<hbm>>) target(%arg5 : memref<24576xf32, #tpu.memory_space<vmem>>) target_semaphore(%arg9 : memref<!tpu.dma_semaphore, #tpu.memory_space<semaphore_mem>>)
    %add3A_328 = arith.constant 393216 : i32
    %add3A_329 = arith.addi %rem3A_3, %add3A_328 : i32
    %dma_start3A_330 = tpu.memref_slice %arg3[%add3A_329] : memref<6291456xf32, #tpu.memory_space<hbm>> -> memref<24576xf32, #tpu.memory_space<hbm>>
    %dma_start3A_331 = tpu.memref_slice %arg3[%add3A_329] : memref<6291456xf32, #tpu.memory_space<hbm>> -> memref<24576xf32, #tpu.memory_space<hbm>>
    tpu.enqueue_dma source(%dma_start3A_331 : memref<24576xf32, #tpu.memory_space<hbm>>) target(%arg7 : memref<24576xf32, #tpu.memory_space<vmem>>) target_semaphore(%arg11 : memref<!tpu.dma_semaphore, #tpu.memory_space<semaphore_mem>>)
    %dma_wait3A_332 = tpu.memref_slice %arg2[%add3A_304] : memref<25165824xf32, #tpu.memory_space<hbm>> -> memref<24576xf32, #tpu.memory_space<hbm>>
    %dma_wait3A_333 = tpu.memref_slice %arg2[%add3A_304] : memref<25165824xf32, #tpu.memory_space<hbm>> -> memref<24576xf32, #tpu.memory_space<hbm>>
    tpu.wait_dma2 semaphore(%arg10 : memref<!tpu.dma_semaphore, #tpu.memory_space<semaphore_mem>>) src(%dma_wait3A_333 : memref<24576xf32, #tpu.memory_space<hbm>>) dst(%arg6 : memref<24576xf32, #tpu.memory_space<vmem>>)
    %dma_wait3A_334 = tpu.memref_slice %arg3[%add3A_308] : memref<6291456xf32, #tpu.memory_space<hbm>> -> memref<24576xf32, #tpu.memory_space<hbm>>
    %dma_wait3A_335 = tpu.memref_slice %arg3[%add3A_308] : memref<6291456xf32, #tpu.memory_space<hbm>> -> memref<24576xf32, #tpu.memory_space<hbm>>
    tpu.wait_dma2 semaphore(%arg12 : memref<!tpu.dma_semaphore, #tpu.memory_space<semaphore_mem>>) src(%dma_wait3A_335 : memref<24576xf32, #tpu.memory_space<hbm>>) dst(%arg8 : memref<24576xf32, #tpu.memory_space<vmem>>)
    %parallel_loop3A_336 = arith.constant 0 : i32
    %parallel_loop3A_337 = arith.constant 24576 : i32
    %parallel_loop3A_338 = arith.constant 16 : i32
    scf.for %parallel_loop3A_673 = %parallel_loop3A_336 to %parallel_loop3A_337 step %parallel_loop3A_338  : i32 {
      %parallel_loop3A_674 = arith.index_cast %parallel_loop3A_673 : i32 to index
      %parallel_loop3A_675 = tpu.vector_load %arg8[%parallel_loop3A_674] {strides = array<i32>} : memref<24576xf32, #tpu.memory_space<vmem>>, vector<16xf32>,
      %parallel_loop3A_676 = vector.shape_cast %parallel_loop3A_675 : vector<16xf32> to vector<16xf32>
      %parallel_loop3A_677 = arith.index_cast %parallel_loop3A_673 : i32 to index
      %parallel_loop3A_678 = tpu.vector_load %arg6[%parallel_loop3A_677] {strides = array<i32>} : memref<24576xf32, #tpu.memory_space<vmem>>, vector<16xf32>,
      %parallel_loop3A_679 = vector.shape_cast %parallel_loop3A_678 : vector<16xf32> to vector<16xf32>
      %parallel_loop3A_680 = vector.shape_cast %parallel_loop3A_676 : vector<16xf32> to vector<16xf32>
      tpu.vector_store %arg6[%parallel_loop3A_677], %parallel_loop3A_680 {add = true, strides = array<i32>} : memref<24576xf32, #tpu.memory_space<vmem>>, vector<16xf32>,
    } {sc.loop_unroll_factor = 8 : i64, sc.parallel_access}
    %add3A_339 = arith.constant 368640 : i32
    %add3A_340 = arith.addi %mul3A_2, %add3A_339 : i32
    %dma_start3A_341 = tpu.memref_slice %arg4[%add3A_340] : memref<25165824xf32, #tpu.memory_space<hbm>> -> memref<24576xf32, #tpu.memory_space<hbm>>
    %dma_start3A_342 = tpu.memref_slice %arg4[%add3A_340] : memref<25165824xf32, #tpu.memory_space<hbm>> -> memref<24576xf32, #tpu.memory_space<hbm>>
    tpu.enqueue_dma source(%arg6 : memref<24576xf32, #tpu.memory_space<vmem>>) target(%dma_start3A_342 : memref<24576xf32, #tpu.memory_space<hbm>>) target_semaphore(%arg14 : memref<!tpu.dma_semaphore, #tpu.memory_space<semaphore_mem>>)
    %dma_wait3A_343 = tpu.memref_slice %arg4[%add3A_340] : memref<25165824xf32, #tpu.memory_space<hbm>> -> memref<24576xf32, #tpu.memory_space<hbm>>
    %dma_wait3A_344 = tpu.memref_slice %arg4[%add3A_340] : memref<25165824xf32, #tpu.memory_space<hbm>> -> memref<24576xf32, #tpu.memory_space<hbm>>
    tpu.wait_dma2 semaphore(%arg14 : memref<!tpu.dma_semaphore, #tpu.memory_space<semaphore_mem>>) src(%arg6 : memref<24576xf32, #tpu.memory_space<vmem>>) dst(%dma_wait3A_344 : memref<24576xf32, #tpu.memory_space<hbm>>)
    %add3A_345 = arith.constant 417792 : i32
    %add3A_346 = arith.addi %mul3A_2, %add3A_345 : i32
    %dma_start3A_347 = tpu.memref_slice %arg2[%add3A_346] : memref<25165824xf32, #tpu.memory_space<hbm>> -> memref<24576xf32, #tpu.memory_space<hbm>>
    %dma_start3A_348 = tpu.memref_slice %arg2[%add3A_346] : memref<25165824xf32, #tpu.memory_space<hbm>> -> memref<24576xf32, #tpu.memory_space<hbm>>
    tpu.enqueue_dma source(%dma_start3A_348 : memref<24576xf32, #tpu.memory_space<hbm>>) target(%arg6 : memref<24576xf32, #tpu.memory_space<vmem>>) target_semaphore(%arg10 : memref<!tpu.dma_semaphore, #tpu.memory_space<semaphore_mem>>)
    %add3A_349 = arith.constant 417792 : i32
    %add3A_350 = arith.addi %rem3A_3, %add3A_349 : i32
    %dma_start3A_351 = tpu.memref_slice %arg3[%add3A_350] : memref<6291456xf32, #tpu.memory_space<hbm>> -> memref<24576xf32, #tpu.memory_space<hbm>>
    %dma_start3A_352 = tpu.memref_slice %arg3[%add3A_350] : memref<6291456xf32, #tpu.memory_space<hbm>> -> memref<24576xf32, #tpu.memory_space<hbm>>
    tpu.enqueue_dma source(%dma_start3A_352 : memref<24576xf32, #tpu.memory_space<hbm>>) target(%arg8 : memref<24576xf32, #tpu.memory_space<vmem>>) target_semaphore(%arg12 : memref<!tpu.dma_semaphore, #tpu.memory_space<semaphore_mem>>)
    %dma_wait3A_353 = tpu.memref_slice %arg2[%add3A_325] : memref<25165824xf32, #tpu.memory_space<hbm>> -> memref<24576xf32, #tpu.memory_space<hbm>>
    %dma_wait3A_354 = tpu.memref_slice %arg2[%add3A_325] : memref<25165824xf32, #tpu.memory_space<hbm>> -> memref<24576xf32, #tpu.memory_space<hbm>>
    tpu.wait_dma2 semaphore(%arg9 : memref<!tpu.dma_semaphore, #tpu.memory_space<semaphore_mem>>) src(%dma_wait3A_354 : memref<24576xf32, #tpu.memory_space<hbm>>) dst(%arg5 : memref<24576xf32, #tpu.memory_space<vmem>>)
    %dma_wait3A_355 = tpu.memref_slice %arg3[%add3A_329] : memref<6291456xf32, #tpu.memory_space<hbm>> -> memref<24576xf32, #tpu.memory_space<hbm>>
    %dma_wait3A_356 = tpu.memref_slice %arg3[%add3A_329] : memref<6291456xf32, #tpu.memory_space<hbm>> -> memref<24576xf32, #tpu.memory_space<hbm>>
    tpu.wait_dma2 semaphore(%arg11 : memref<!tpu.dma_semaphore, #tpu.memory_space<semaphore_mem>>) src(%dma_wait3A_356 : memref<24576xf32, #tpu.memory_space<hbm>>) dst(%arg7 : memref<24576xf32, #tpu.memory_space<vmem>>)
    %parallel_loop3A_357 = arith.constant 0 : i32
    %parallel_loop3A_358 = arith.constant 24576 : i32
    %parallel_loop3A_359 = arith.constant 16 : i32
    scf.for %parallel_loop3A_673 = %parallel_loop3A_357 to %parallel_loop3A_358 step %parallel_loop3A_359  : i32 {
      %parallel_loop3A_674 = arith.index_cast %parallel_loop3A_673 : i32 to index
      %parallel_loop3A_675 = tpu.vector_load %arg7[%parallel_loop3A_674] {strides = array<i32>} : memref<24576xf32, #tpu.memory_space<vmem>>, vector<16xf32>,
      %parallel_loop3A_676 = vector.shape_cast %parallel_loop3A_675 : vector<16xf32> to vector<16xf32>
      %parallel_loop3A_677 = arith.index_cast %parallel_loop3A_673 : i32 to index
      %parallel_loop3A_678 = tpu.vector_load %arg5[%parallel_loop3A_677] {strides = array<i32>} : memref<24576xf32, #tpu.memory_space<vmem>>, vector<16xf32>,
      %parallel_loop3A_679 = vector.shape_cast %parallel_loop3A_678 : vector<16xf32> to vector<16xf32>
      %parallel_loop3A_680 = vector.shape_cast %parallel_loop3A_676 : vector<16xf32> to vector<16xf32>
      tpu.vector_store %arg5[%parallel_loop3A_677], %parallel_loop3A_680 {add = true, strides = array<i32>} : memref<24576xf32, #tpu.memory_space<vmem>>, vector<16xf32>,
    } {sc.loop_unroll_factor = 8 : i64, sc.parallel_access}
    %add3A_360 = arith.constant 393216 : i32
    %add3A_361 = arith.addi %mul3A_2, %add3A_360 : i32
    %dma_start3A_362 = tpu.memref_slice %arg4[%add3A_361] : memref<25165824xf32, #tpu.memory_space<hbm>> -> memref<24576xf32, #tpu.memory_space<hbm>>
    %dma_start3A_363 = tpu.memref_slice %arg4[%add3A_361] : memref<25165824xf32, #tpu.memory_space<hbm>> -> memref<24576xf32, #tpu.memory_space<hbm>>
    tpu.enqueue_dma source(%arg5 : memref<24576xf32, #tpu.memory_space<vmem>>) target(%dma_start3A_363 : memref<24576xf32, #tpu.memory_space<hbm>>) target_semaphore(%arg13 : memref<!tpu.dma_semaphore, #tpu.memory_space<semaphore_mem>>)
    %dma_wait3A_364 = tpu.memref_slice %arg4[%add3A_361] : memref<25165824xf32, #tpu.memory_space<hbm>> -> memref<24576xf32, #tpu.memory_space<hbm>>
    %dma_wait3A_365 = tpu.memref_slice %arg4[%add3A_361] : memref<25165824xf32, #tpu.memory_space<hbm>> -> memref<24576xf32, #tpu.memory_space<hbm>>
    tpu.wait_dma2 semaphore(%arg13 : memref<!tpu.dma_semaphore, #tpu.memory_space<semaphore_mem>>) src(%arg5 : memref<24576xf32, #tpu.memory_space<vmem>>) dst(%dma_wait3A_365 : memref<24576xf32, #tpu.memory_space<hbm>>)
    %add3A_366 = arith.constant 442368 : i32
    %add3A_367 = arith.addi %mul3A_2, %add3A_366 : i32
    %dma_start3A_368 = tpu.memref_slice %arg2[%add3A_367] : memref<25165824xf32, #tpu.memory_space<hbm>> -> memref<24576xf32, #tpu.memory_space<hbm>>
    %dma_start3A_369 = tpu.memref_slice %arg2[%add3A_367] : memref<25165824xf32, #tpu.memory_space<hbm>> -> memref<24576xf32, #tpu.memory_space<hbm>>
    tpu.enqueue_dma source(%dma_start3A_369 : memref<24576xf32, #tpu.memory_space<hbm>>) target(%arg5 : memref<24576xf32, #tpu.memory_space<vmem>>) target_semaphore(%arg9 : memref<!tpu.dma_semaphore, #tpu.memory_space<semaphore_mem>>)
    %add3A_370 = arith.constant 442368 : i32
    %add3A_371 = arith.addi %rem3A_3, %add3A_370 : i32
    %dma_start3A_372 = tpu.memref_slice %arg3[%add3A_371] : memref<6291456xf32, #tpu.memory_space<hbm>> -> memref<24576xf32, #tpu.memory_space<hbm>>
    %dma_start3A_373 = tpu.memref_slice %arg3[%add3A_371] : memref<6291456xf32, #tpu.memory_space<hbm>> -> memref<24576xf32, #tpu.memory_space<hbm>>
    tpu.enqueue_dma source(%dma_start3A_373 : memref<24576xf32, #tpu.memory_space<hbm>>) target(%arg7 : memref<24576xf32, #tpu.memory_space<vmem>>) target_semaphore(%arg11 : memref<!tpu.dma_semaphore, #tpu.memory_space<semaphore_mem>>)
    %dma_wait3A_374 = tpu.memref_slice %arg2[%add3A_346] : memref<25165824xf32, #tpu.memory_space<hbm>> -> memref<24576xf32, #tpu.memory_space<hbm>>
    %dma_wait3A_375 = tpu.memref_slice %arg2[%add3A_346] : memref<25165824xf32, #tpu.memory_space<hbm>> -> memref<24576xf32, #tpu.memory_space<hbm>>
    tpu.wait_dma2 semaphore(%arg10 : memref<!tpu.dma_semaphore, #tpu.memory_space<semaphore_mem>>) src(%dma_wait3A_375 : memref<24576xf32, #tpu.memory_space<hbm>>) dst(%arg6 : memref<24576xf32, #tpu.memory_space<vmem>>)
    %dma_wait3A_376 = tpu.memref_slice %arg3[%add3A_350] : memref<6291456xf32, #tpu.memory_space<hbm>> -> memref<24576xf32, #tpu.memory_space<hbm>>
    %dma_wait3A_377 = tpu.memref_slice %arg3[%add3A_350] : memref<6291456xf32, #tpu.memory_space<hbm>> -> memref<24576xf32, #tpu.memory_space<hbm>>
    tpu.wait_dma2 semaphore(%arg12 : memref<!tpu.dma_semaphore, #tpu.memory_space<semaphore_mem>>) src(%dma_wait3A_377 : memref<24576xf32, #tpu.memory_space<hbm>>) dst(%arg8 : memref<24576xf32, #tpu.memory_space<vmem>>)
    %parallel_loop3A_378 = arith.constant 0 : i32
    %parallel_loop3A_379 = arith.constant 24576 : i32
    %parallel_loop3A_380 = arith.constant 16 : i32
    scf.for %parallel_loop3A_673 = %parallel_loop3A_378 to %parallel_loop3A_379 step %parallel_loop3A_380  : i32 {
      %parallel_loop3A_674 = arith.index_cast %parallel_loop3A_673 : i32 to index
      %parallel_loop3A_675 = tpu.vector_load %arg8[%parallel_loop3A_674] {strides = array<i32>} : memref<24576xf32, #tpu.memory_space<vmem>>, vector<16xf32>,
      %parallel_loop3A_676 = vector.shape_cast %parallel_loop3A_675 : vector<16xf32> to vector<16xf32>
      %parallel_loop3A_677 = arith.index_cast %parallel_loop3A_673 : i32 to index
      %parallel_loop3A_678 = tpu.vector_load %arg6[%parallel_loop3A_677] {strides = array<i32>} : memref<24576xf32, #tpu.memory_space<vmem>>, vector<16xf32>,
      %parallel_loop3A_679 = vector.shape_cast %parallel_loop3A_678 : vector<16xf32> to vector<16xf32>
      %parallel_loop3A_680 = vector.shape_cast %parallel_loop3A_676 : vector<16xf32> to vector<16xf32>
      tpu.vector_store %arg6[%parallel_loop3A_677], %parallel_loop3A_680 {add = true, strides = array<i32>} : memref<24576xf32, #tpu.memory_space<vmem>>, vector<16xf32>,
    } {sc.loop_unroll_factor = 8 : i64, sc.parallel_access}
    %add3A_381 = arith.constant 417792 : i32
    %add3A_382 = arith.addi %mul3A_2, %add3A_381 : i32
    %dma_start3A_383 = tpu.memref_slice %arg4[%add3A_382] : memref<25165824xf32, #tpu.memory_space<hbm>> -> memref<24576xf32, #tpu.memory_space<hbm>>
    %dma_start3A_384 = tpu.memref_slice %arg4[%add3A_382] : memref<25165824xf32, #tpu.memory_space<hbm>> -> memref<24576xf32, #tpu.memory_space<hbm>>
    tpu.enqueue_dma source(%arg6 : memref<24576xf32, #tpu.memory_space<vmem>>) target(%dma_start3A_384 : memref<24576xf32, #tpu.memory_space<hbm>>) target_semaphore(%arg14 : memref<!tpu.dma_semaphore, #tpu.memory_space<semaphore_mem>>)
    %dma_wait3A_385 = tpu.memref_slice %arg4[%add3A_382] : memref<25165824xf32, #tpu.memory_space<hbm>> -> memref<24576xf32, #tpu.memory_space<hbm>>
    %dma_wait3A_386 = tpu.memref_slice %arg4[%add3A_382] : memref<25165824xf32, #tpu.memory_space<hbm>> -> memref<24576xf32, #tpu.memory_space<hbm>>
    tpu.wait_dma2 semaphore(%arg14 : memref<!tpu.dma_semaphore, #tpu.memory_space<semaphore_mem>>) src(%arg6 : memref<24576xf32, #tpu.memory_space<vmem>>) dst(%dma_wait3A_386 : memref<24576xf32, #tpu.memory_space<hbm>>)
    %add3A_387 = arith.constant 466944 : i32
    %add3A_388 = arith.addi %mul3A_2, %add3A_387 : i32
    %dma_start3A_389 = tpu.memref_slice %arg2[%add3A_388] : memref<25165824xf32, #tpu.memory_space<hbm>> -> memref<24576xf32, #tpu.memory_space<hbm>>
    %dma_start3A_390 = tpu.memref_slice %arg2[%add3A_388] : memref<25165824xf32, #tpu.memory_space<hbm>> -> memref<24576xf32, #tpu.memory_space<hbm>>
    tpu.enqueue_dma source(%dma_start3A_390 : memref<24576xf32, #tpu.memory_space<hbm>>) target(%arg6 : memref<24576xf32, #tpu.memory_space<vmem>>) target_semaphore(%arg10 : memref<!tpu.dma_semaphore, #tpu.memory_space<semaphore_mem>>)
    %add3A_391 = arith.constant 466944 : i32
    %add3A_392 = arith.addi %rem3A_3, %add3A_391 : i32
    %dma_start3A_393 = tpu.memref_slice %arg3[%add3A_392] : memref<6291456xf32, #tpu.memory_space<hbm>> -> memref<24576xf32, #tpu.memory_space<hbm>>
    %dma_start3A_394 = tpu.memref_slice %arg3[%add3A_392] : memref<6291456xf32, #tpu.memory_space<hbm>> -> memref<24576xf32, #tpu.memory_space<hbm>>
    tpu.enqueue_dma source(%dma_start3A_394 : memref<24576xf32, #tpu.memory_space<hbm>>) target(%arg8 : memref<24576xf32, #tpu.memory_space<vmem>>) target_semaphore(%arg12 : memref<!tpu.dma_semaphore, #tpu.memory_space<semaphore_mem>>)
    %dma_wait3A_395 = tpu.memref_slice %arg2[%add3A_367] : memref<25165824xf32, #tpu.memory_space<hbm>> -> memref<24576xf32, #tpu.memory_space<hbm>>
    %dma_wait3A_396 = tpu.memref_slice %arg2[%add3A_367] : memref<25165824xf32, #tpu.memory_space<hbm>> -> memref<24576xf32, #tpu.memory_space<hbm>>
    tpu.wait_dma2 semaphore(%arg9 : memref<!tpu.dma_semaphore, #tpu.memory_space<semaphore_mem>>) src(%dma_wait3A_396 : memref<24576xf32, #tpu.memory_space<hbm>>) dst(%arg5 : memref<24576xf32, #tpu.memory_space<vmem>>)
    %dma_wait3A_397 = tpu.memref_slice %arg3[%add3A_371] : memref<6291456xf32, #tpu.memory_space<hbm>> -> memref<24576xf32, #tpu.memory_space<hbm>>
    %dma_wait3A_398 = tpu.memref_slice %arg3[%add3A_371] : memref<6291456xf32, #tpu.memory_space<hbm>> -> memref<24576xf32, #tpu.memory_space<hbm>>
    tpu.wait_dma2 semaphore(%arg11 : memref<!tpu.dma_semaphore, #tpu.memory_space<semaphore_mem>>) src(%dma_wait3A_398 : memref<24576xf32, #tpu.memory_space<hbm>>) dst(%arg7 : memref<24576xf32, #tpu.memory_space<vmem>>)
    %parallel_loop3A_399 = arith.constant 0 : i32
    %parallel_loop3A_400 = arith.constant 24576 : i32
    %parallel_loop3A_401 = arith.constant 16 : i32
    scf.for %parallel_loop3A_673 = %parallel_loop3A_399 to %parallel_loop3A_400 step %parallel_loop3A_401  : i32 {
      %parallel_loop3A_674 = arith.index_cast %parallel_loop3A_673 : i32 to index
      %parallel_loop3A_675 = tpu.vector_load %arg7[%parallel_loop3A_674] {strides = array<i32>} : memref<24576xf32, #tpu.memory_space<vmem>>, vector<16xf32>,
      %parallel_loop3A_676 = vector.shape_cast %parallel_loop3A_675 : vector<16xf32> to vector<16xf32>
      %parallel_loop3A_677 = arith.index_cast %parallel_loop3A_673 : i32 to index
      %parallel_loop3A_678 = tpu.vector_load %arg5[%parallel_loop3A_677] {strides = array<i32>} : memref<24576xf32, #tpu.memory_space<vmem>>, vector<16xf32>,
      %parallel_loop3A_679 = vector.shape_cast %parallel_loop3A_678 : vector<16xf32> to vector<16xf32>
      %parallel_loop3A_680 = vector.shape_cast %parallel_loop3A_676 : vector<16xf32> to vector<16xf32>
      tpu.vector_store %arg5[%parallel_loop3A_677], %parallel_loop3A_680 {add = true, strides = array<i32>} : memref<24576xf32, #tpu.memory_space<vmem>>, vector<16xf32>,
    } {sc.loop_unroll_factor = 8 : i64, sc.parallel_access}
    %add3A_402 = arith.constant 442368 : i32
    %add3A_403 = arith.addi %mul3A_2, %add3A_402 : i32
    %dma_start3A_404 = tpu.memref_slice %arg4[%add3A_403] : memref<25165824xf32, #tpu.memory_space<hbm>> -> memref<24576xf32, #tpu.memory_space<hbm>>
    %dma_start3A_405 = tpu.memref_slice %arg4[%add3A_403] : memref<25165824xf32, #tpu.memory_space<hbm>> -> memref<24576xf32, #tpu.memory_space<hbm>>
    tpu.enqueue_dma source(%arg5 : memref<24576xf32, #tpu.memory_space<vmem>>) target(%dma_start3A_405 : memref<24576xf32, #tpu.memory_space<hbm>>) target_semaphore(%arg13 : memref<!tpu.dma_semaphore, #tpu.memory_space<semaphore_mem>>)
    %dma_wait3A_406 = tpu.memref_slice %arg4[%add3A_403] : memref<25165824xf32, #tpu.memory_space<hbm>> -> memref<24576xf32, #tpu.memory_space<hbm>>
    %dma_wait3A_407 = tpu.memref_slice %arg4[%add3A_403] : memref<25165824xf32, #tpu.memory_space<hbm>> -> memref<24576xf32, #tpu.memory_space<hbm>>
    tpu.wait_dma2 semaphore(%arg13 : memref<!tpu.dma_semaphore, #tpu.memory_space<semaphore_mem>>) src(%arg5 : memref<24576xf32, #tpu.memory_space<vmem>>) dst(%dma_wait3A_407 : memref<24576xf32, #tpu.memory_space<hbm>>)
    %add3A_408 = arith.constant 491520 : i32
    %add3A_409 = arith.addi %mul3A_2, %add3A_408 : i32
    %dma_start3A_410 = tpu.memref_slice %arg2[%add3A_409] : memref<25165824xf32, #tpu.memory_space<hbm>> -> memref<24576xf32, #tpu.memory_space<hbm>>
    %dma_start3A_411 = tpu.memref_slice %arg2[%add3A_409] : memref<25165824xf32, #tpu.memory_space<hbm>> -> memref<24576xf32, #tpu.memory_space<hbm>>
    tpu.enqueue_dma source(%dma_start3A_411 : memref<24576xf32, #tpu.memory_space<hbm>>) target(%arg5 : memref<24576xf32, #tpu.memory_space<vmem>>) target_semaphore(%arg9 : memref<!tpu.dma_semaphore, #tpu.memory_space<semaphore_mem>>)
    %add3A_412 = arith.constant 491520 : i32
    %add3A_413 = arith.addi %rem3A_3, %add3A_412 : i32
    %dma_start3A_414 = tpu.memref_slice %arg3[%add3A_413] : memref<6291456xf32, #tpu.memory_space<hbm>> -> memref<24576xf32, #tpu.memory_space<hbm>>
    %dma_start3A_415 = tpu.memref_slice %arg3[%add3A_413] : memref<6291456xf32, #tpu.memory_space<hbm>> -> memref<24576xf32, #tpu.memory_space<hbm>>
    tpu.enqueue_dma source(%dma_start3A_415 : memref<24576xf32, #tpu.memory_space<hbm>>) target(%arg7 : memref<24576xf32, #tpu.memory_space<vmem>>) target_semaphore(%arg11 : memref<!tpu.dma_semaphore, #tpu.memory_space<semaphore_mem>>)
    %dma_wait3A_416 = tpu.memref_slice %arg2[%add3A_388] : memref<25165824xf32, #tpu.memory_space<hbm>> -> memref<24576xf32, #tpu.memory_space<hbm>>
    %dma_wait3A_417 = tpu.memref_slice %arg2[%add3A_388] : memref<25165824xf32, #tpu.memory_space<hbm>> -> memref<24576xf32, #tpu.memory_space<hbm>>
    tpu.wait_dma2 semaphore(%arg10 : memref<!tpu.dma_semaphore, #tpu.memory_space<semaphore_mem>>) src(%dma_wait3A_417 : memref<24576xf32, #tpu.memory_space<hbm>>) dst(%arg6 : memref<24576xf32, #tpu.memory_space<vmem>>)
    %dma_wait3A_418 = tpu.memref_slice %arg3[%add3A_392] : memref<6291456xf32, #tpu.memory_space<hbm>> -> memref<24576xf32, #tpu.memory_space<hbm>>
    %dma_wait3A_419 = tpu.memref_slice %arg3[%add3A_392] : memref<6291456xf32, #tpu.memory_space<hbm>> -> memref<24576xf32, #tpu.memory_space<hbm>>
    tpu.wait_dma2 semaphore(%arg12 : memref<!tpu.dma_semaphore, #tpu.memory_space<semaphore_mem>>) src(%dma_wait3A_419 : memref<24576xf32, #tpu.memory_space<hbm>>) dst(%arg8 : memref<24576xf32, #tpu.memory_space<vmem>>)
    %parallel_loop3A_420 = arith.constant 0 : i32
    %parallel_loop3A_421 = arith.constant 24576 : i32
    %parallel_loop3A_422 = arith.constant 16 : i32
    scf.for %parallel_loop3A_673 = %parallel_loop3A_420 to %parallel_loop3A_421 step %parallel_loop3A_422  : i32 {
      %parallel_loop3A_674 = arith.index_cast %parallel_loop3A_673 : i32 to index
      %parallel_loop3A_675 = tpu.vector_load %arg8[%parallel_loop3A_674] {strides = array<i32>} : memref<24576xf32, #tpu.memory_space<vmem>>, vector<16xf32>,
      %parallel_loop3A_676 = vector.shape_cast %parallel_loop3A_675 : vector<16xf32> to vector<16xf32>
      %parallel_loop3A_677 = arith.index_cast %parallel_loop3A_673 : i32 to index
      %parallel_loop3A_678 = tpu.vector_load %arg6[%parallel_loop3A_677] {strides = array<i32>} : memref<24576xf32, #tpu.memory_space<vmem>>, vector<16xf32>,
      %parallel_loop3A_679 = vector.shape_cast %parallel_loop3A_678 : vector<16xf32> to vector<16xf32>
      %parallel_loop3A_680 = vector.shape_cast %parallel_loop3A_676 : vector<16xf32> to vector<16xf32>
      tpu.vector_store %arg6[%parallel_loop3A_677], %parallel_loop3A_680 {add = true, strides = array<i32>} : memref<24576xf32, #tpu.memory_space<vmem>>, vector<16xf32>,
    } {sc.loop_unroll_factor = 8 : i64, sc.parallel_access}
    %add3A_423 = arith.constant 466944 : i32
    %add3A_424 = arith.addi %mul3A_2, %add3A_423 : i32
    %dma_start3A_425 = tpu.memref_slice %arg4[%add3A_424] : memref<25165824xf32, #tpu.memory_space<hbm>> -> memref<24576xf32, #tpu.memory_space<hbm>>
    %dma_start3A_426 = tpu.memref_slice %arg4[%add3A_424] : memref<25165824xf32, #tpu.memory_space<hbm>> -> memref<24576xf32, #tpu.memory_space<hbm>>
    tpu.enqueue_dma source(%arg6 : memref<24576xf32, #tpu.memory_space<vmem>>) target(%dma_start3A_426 : memref<24576xf32, #tpu.memory_space<hbm>>) target_semaphore(%arg14 : memref<!tpu.dma_semaphore, #tpu.memory_space<semaphore_mem>>)
    %dma_wait3A_427 = tpu.memref_slice %arg4[%add3A_424] : memref<25165824xf32, #tpu.memory_space<hbm>> -> memref<24576xf32, #tpu.memory_space<hbm>>
    %dma_wait3A_428 = tpu.memref_slice %arg4[%add3A_424] : memref<25165824xf32, #tpu.memory_space<hbm>> -> memref<24576xf32, #tpu.memory_space<hbm>>
    tpu.wait_dma2 semaphore(%arg14 : memref<!tpu.dma_semaphore, #tpu.memory_space<semaphore_mem>>) src(%arg6 : memref<24576xf32, #tpu.memory_space<vmem>>) dst(%dma_wait3A_428 : memref<24576xf32, #tpu.memory_space<hbm>>)
    %add3A_429 = arith.constant 516096 : i32
    %add3A_430 = arith.addi %mul3A_2, %add3A_429 : i32
    %dma_start3A_431 = tpu.memref_slice %arg2[%add3A_430] : memref<25165824xf32, #tpu.memory_space<hbm>> -> memref<24576xf32, #tpu.memory_space<hbm>>
    %dma_start3A_432 = tpu.memref_slice %arg2[%add3A_430] : memref<25165824xf32, #tpu.memory_space<hbm>> -> memref<24576xf32, #tpu.memory_space<hbm>>
    tpu.enqueue_dma source(%dma_start3A_432 : memref<24576xf32, #tpu.memory_space<hbm>>) target(%arg6 : memref<24576xf32, #tpu.memory_space<vmem>>) target_semaphore(%arg10 : memref<!tpu.dma_semaphore, #tpu.memory_space<semaphore_mem>>)
    %add3A_433 = arith.constant 516096 : i32
    %add3A_434 = arith.addi %rem3A_3, %add3A_433 : i32
    %dma_start3A_435 = tpu.memref_slice %arg3[%add3A_434] : memref<6291456xf32, #tpu.memory_space<hbm>> -> memref<24576xf32, #tpu.memory_space<hbm>>
    %dma_start3A_436 = tpu.memref_slice %arg3[%add3A_434] : memref<6291456xf32, #tpu.memory_space<hbm>> -> memref<24576xf32, #tpu.memory_space<hbm>>
    tpu.enqueue_dma source(%dma_start3A_436 : memref<24576xf32, #tpu.memory_space<hbm>>) target(%arg8 : memref<24576xf32, #tpu.memory_space<vmem>>) target_semaphore(%arg12 : memref<!tpu.dma_semaphore, #tpu.memory_space<semaphore_mem>>)
    %dma_wait3A_437 = tpu.memref_slice %arg2[%add3A_409] : memref<25165824xf32, #tpu.memory_space<hbm>> -> memref<24576xf32, #tpu.memory_space<hbm>>
    %dma_wait3A_438 = tpu.memref_slice %arg2[%add3A_409] : memref<25165824xf32, #tpu.memory_space<hbm>> -> memref<24576xf32, #tpu.memory_space<hbm>>
    tpu.wait_dma2 semaphore(%arg9 : memref<!tpu.dma_semaphore, #tpu.memory_space<semaphore_mem>>) src(%dma_wait3A_438 : memref<24576xf32, #tpu.memory_space<hbm>>) dst(%arg5 : memref<24576xf32, #tpu.memory_space<vmem>>)
    %dma_wait3A_439 = tpu.memref_slice %arg3[%add3A_413] : memref<6291456xf32, #tpu.memory_space<hbm>> -> memref<24576xf32, #tpu.memory_space<hbm>>
    %dma_wait3A_440 = tpu.memref_slice %arg3[%add3A_413] : memref<6291456xf32, #tpu.memory_space<hbm>> -> memref<24576xf32, #tpu.memory_space<hbm>>
    tpu.wait_dma2 semaphore(%arg11 : memref<!tpu.dma_semaphore, #tpu.memory_space<semaphore_mem>>) src(%dma_wait3A_440 : memref<24576xf32, #tpu.memory_space<hbm>>) dst(%arg7 : memref<24576xf32, #tpu.memory_space<vmem>>)
    %parallel_loop3A_441 = arith.constant 0 : i32
    %parallel_loop3A_442 = arith.constant 24576 : i32
    %parallel_loop3A_443 = arith.constant 16 : i32
    scf.for %parallel_loop3A_673 = %parallel_loop3A_441 to %parallel_loop3A_442 step %parallel_loop3A_443  : i32 {
      %parallel_loop3A_674 = arith.index_cast %parallel_loop3A_673 : i32 to index
      %parallel_loop3A_675 = tpu.vector_load %arg7[%parallel_loop3A_674] {strides = array<i32>} : memref<24576xf32, #tpu.memory_space<vmem>>, vector<16xf32>,
      %parallel_loop3A_676 = vector.shape_cast %parallel_loop3A_675 : vector<16xf32> to vector<16xf32>
      %parallel_loop3A_677 = arith.index_cast %parallel_loop3A_673 : i32 to index
      %parallel_loop3A_678 = tpu.vector_load %arg5[%parallel_loop3A_677] {strides = array<i32>} : memref<24576xf32, #tpu.memory_space<vmem>>, vector<16xf32>,
      %parallel_loop3A_679 = vector.shape_cast %parallel_loop3A_678 : vector<16xf32> to vector<16xf32>
      %parallel_loop3A_680 = vector.shape_cast %parallel_loop3A_676 : vector<16xf32> to vector<16xf32>
      tpu.vector_store %arg5[%parallel_loop3A_677], %parallel_loop3A_680 {add = true, strides = array<i32>} : memref<24576xf32, #tpu.memory_space<vmem>>, vector<16xf32>,
    } {sc.loop_unroll_factor = 8 : i64, sc.parallel_access}
    %add3A_444 = arith.constant 491520 : i32
    %add3A_445 = arith.addi %mul3A_2, %add3A_444 : i32
    %dma_start3A_446 = tpu.memref_slice %arg4[%add3A_445] : memref<25165824xf32, #tpu.memory_space<hbm>> -> memref<24576xf32, #tpu.memory_space<hbm>>
    %dma_start3A_447 = tpu.memref_slice %arg4[%add3A_445] : memref<25165824xf32, #tpu.memory_space<hbm>> -> memref<24576xf32, #tpu.memory_space<hbm>>
    tpu.enqueue_dma source(%arg5 : memref<24576xf32, #tpu.memory_space<vmem>>) target(%dma_start3A_447 : memref<24576xf32, #tpu.memory_space<hbm>>) target_semaphore(%arg13 : memref<!tpu.dma_semaphore, #tpu.memory_space<semaphore_mem>>)
    %dma_wait3A_448 = tpu.memref_slice %arg4[%add3A_445] : memref<25165824xf32, #tpu.memory_space<hbm>> -> memref<24576xf32, #tpu.memory_space<hbm>>
    %dma_wait3A_449 = tpu.memref_slice %arg4[%add3A_445] : memref<25165824xf32, #tpu.memory_space<hbm>> -> memref<24576xf32, #tpu.memory_space<hbm>>
    tpu.wait_dma2 semaphore(%arg13 : memref<!tpu.dma_semaphore, #tpu.memory_space<semaphore_mem>>) src(%arg5 : memref<24576xf32, #tpu.memory_space<vmem>>) dst(%dma_wait3A_449 : memref<24576xf32, #tpu.memory_space<hbm>>)
    %add3A_450 = arith.constant 540672 : i32
    %add3A_451 = arith.addi %mul3A_2, %add3A_450 : i32
    %dma_start3A_452 = tpu.memref_slice %arg2[%add3A_451] : memref<25165824xf32, #tpu.memory_space<hbm>> -> memref<24576xf32, #tpu.memory_space<hbm>>
    %dma_start3A_453 = tpu.memref_slice %arg2[%add3A_451] : memref<25165824xf32, #tpu.memory_space<hbm>> -> memref<24576xf32, #tpu.memory_space<hbm>>
    tpu.enqueue_dma source(%dma_start3A_453 : memref<24576xf32, #tpu.memory_space<hbm>>) target(%arg5 : memref<24576xf32, #tpu.memory_space<vmem>>) target_semaphore(%arg9 : memref<!tpu.dma_semaphore, #tpu.memory_space<semaphore_mem>>)
    %add3A_454 = arith.constant 540672 : i32
    %add3A_455 = arith.addi %rem3A_3, %add3A_454 : i32
    %dma_start3A_456 = tpu.memref_slice %arg3[%add3A_455] : memref<6291456xf32, #tpu.memory_space<hbm>> -> memref<24576xf32, #tpu.memory_space<hbm>>
    %dma_start3A_457 = tpu.memref_slice %arg3[%add3A_455] : memref<6291456xf32, #tpu.memory_space<hbm>> -> memref<24576xf32, #tpu.memory_space<hbm>>
    tpu.enqueue_dma source(%dma_start3A_457 : memref<24576xf32, #tpu.memory_space<hbm>>) target(%arg7 : memref<24576xf32, #tpu.memory_space<vmem>>) target_semaphore(%arg11 : memref<!tpu.dma_semaphore, #tpu.memory_space<semaphore_mem>>)
    %dma_wait3A_458 = tpu.memref_slice %arg2[%add3A_430] : memref<25165824xf32, #tpu.memory_space<hbm>> -> memref<24576xf32, #tpu.memory_space<hbm>>
    %dma_wait3A_459 = tpu.memref_slice %arg2[%add3A_430] : memref<25165824xf32, #tpu.memory_space<hbm>> -> memref<24576xf32, #tpu.memory_space<hbm>>
    tpu.wait_dma2 semaphore(%arg10 : memref<!tpu.dma_semaphore, #tpu.memory_space<semaphore_mem>>) src(%dma_wait3A_459 : memref<24576xf32, #tpu.memory_space<hbm>>) dst(%arg6 : memref<24576xf32, #tpu.memory_space<vmem>>)
    %dma_wait3A_460 = tpu.memref_slice %arg3[%add3A_434] : memref<6291456xf32, #tpu.memory_space<hbm>> -> memref<24576xf32, #tpu.memory_space<hbm>>
    %dma_wait3A_461 = tpu.memref_slice %arg3[%add3A_434] : memref<6291456xf32, #tpu.memory_space<hbm>> -> memref<24576xf32, #tpu.memory_space<hbm>>
    tpu.wait_dma2 semaphore(%arg12 : memref<!tpu.dma_semaphore, #tpu.memory_space<semaphore_mem>>) src(%dma_wait3A_461 : memref<24576xf32, #tpu.memory_space<hbm>>) dst(%arg8 : memref<24576xf32, #tpu.memory_space<vmem>>)
    %parallel_loop3A_462 = arith.constant 0 : i32
    %parallel_loop3A_463 = arith.constant 24576 : i32
    %parallel_loop3A_464 = arith.constant 16 : i32
    scf.for %parallel_loop3A_673 = %parallel_loop3A_462 to %parallel_loop3A_463 step %parallel_loop3A_464  : i32 {
      %parallel_loop3A_674 = arith.index_cast %parallel_loop3A_673 : i32 to index
      %parallel_loop3A_675 = tpu.vector_load %arg8[%parallel_loop3A_674] {strides = array<i32>} : memref<24576xf32, #tpu.memory_space<vmem>>, vector<16xf32>,
      %parallel_loop3A_676 = vector.shape_cast %parallel_loop3A_675 : vector<16xf32> to vector<16xf32>
      %parallel_loop3A_677 = arith.index_cast %parallel_loop3A_673 : i32 to index
      %parallel_loop3A_678 = tpu.vector_load %arg6[%parallel_loop3A_677] {strides = array<i32>} : memref<24576xf32, #tpu.memory_space<vmem>>, vector<16xf32>,
      %parallel_loop3A_679 = vector.shape_cast %parallel_loop3A_678 : vector<16xf32> to vector<16xf32>
      %parallel_loop3A_680 = vector.shape_cast %parallel_loop3A_676 : vector<16xf32> to vector<16xf32>
      tpu.vector_store %arg6[%parallel_loop3A_677], %parallel_loop3A_680 {add = true, strides = array<i32>} : memref<24576xf32, #tpu.memory_space<vmem>>, vector<16xf32>,
    } {sc.loop_unroll_factor = 8 : i64, sc.parallel_access}
    %add3A_465 = arith.constant 516096 : i32
    %add3A_466 = arith.addi %mul3A_2, %add3A_465 : i32
    %dma_start3A_467 = tpu.memref_slice %arg4[%add3A_466] : memref<25165824xf32, #tpu.memory_space<hbm>> -> memref<24576xf32, #tpu.memory_space<hbm>>
    %dma_start3A_468 = tpu.memref_slice %arg4[%add3A_466] : memref<25165824xf32, #tpu.memory_space<hbm>> -> memref<24576xf32, #tpu.memory_space<hbm>>
    tpu.enqueue_dma source(%arg6 : memref<24576xf32, #tpu.memory_space<vmem>>) target(%dma_start3A_468 : memref<24576xf32, #tpu.memory_space<hbm>>) target_semaphore(%arg14 : memref<!tpu.dma_semaphore, #tpu.memory_space<semaphore_mem>>)
    %dma_wait3A_469 = tpu.memref_slice %arg4[%add3A_466] : memref<25165824xf32, #tpu.memory_space<hbm>> -> memref<24576xf32, #tpu.memory_space<hbm>>
    %dma_wait3A_470 = tpu.memref_slice %arg4[%add3A_466] : memref<25165824xf32, #tpu.memory_space<hbm>> -> memref<24576xf32, #tpu.memory_space<hbm>>
    tpu.wait_dma2 semaphore(%arg14 : memref<!tpu.dma_semaphore, #tpu.memory_space<semaphore_mem>>) src(%arg6 : memref<24576xf32, #tpu.memory_space<vmem>>) dst(%dma_wait3A_470 : memref<24576xf32, #tpu.memory_space<hbm>>)
    %add3A_471 = arith.constant 565248 : i32
    %add3A_472 = arith.addi %mul3A_2, %add3A_471 : i32
    %dma_start3A_473 = tpu.memref_slice %arg2[%add3A_472] : memref<25165824xf32, #tpu.memory_space<hbm>> -> memref<24576xf32, #tpu.memory_space<hbm>>
    %dma_start3A_474 = tpu.memref_slice %arg2[%add3A_472] : memref<25165824xf32, #tpu.memory_space<hbm>> -> memref<24576xf32, #tpu.memory_space<hbm>>
    tpu.enqueue_dma source(%dma_start3A_474 : memref<24576xf32, #tpu.memory_space<hbm>>) target(%arg6 : memref<24576xf32, #tpu.memory_space<vmem>>) target_semaphore(%arg10 : memref<!tpu.dma_semaphore, #tpu.memory_space<semaphore_mem>>)
    %add3A_475 = arith.constant 565248 : i32
    %add3A_476 = arith.addi %rem3A_3, %add3A_475 : i32
    %dma_start3A_477 = tpu.memref_slice %arg3[%add3A_476] : memref<6291456xf32, #tpu.memory_space<hbm>> -> memref<24576xf32, #tpu.memory_space<hbm>>
    %dma_start3A_478 = tpu.memref_slice %arg3[%add3A_476] : memref<6291456xf32, #tpu.memory_space<hbm>> -> memref<24576xf32, #tpu.memory_space<hbm>>
    tpu.enqueue_dma source(%dma_start3A_478 : memref<24576xf32, #tpu.memory_space<hbm>>) target(%arg8 : memref<24576xf32, #tpu.memory_space<vmem>>) target_semaphore(%arg12 : memref<!tpu.dma_semaphore, #tpu.memory_space<semaphore_mem>>)
    %dma_wait3A_479 = tpu.memref_slice %arg2[%add3A_451] : memref<25165824xf32, #tpu.memory_space<hbm>> -> memref<24576xf32, #tpu.memory_space<hbm>>
    %dma_wait3A_480 = tpu.memref_slice %arg2[%add3A_451] : memref<25165824xf32, #tpu.memory_space<hbm>> -> memref<24576xf32, #tpu.memory_space<hbm>>
    tpu.wait_dma2 semaphore(%arg9 : memref<!tpu.dma_semaphore, #tpu.memory_space<semaphore_mem>>) src(%dma_wait3A_480 : memref<24576xf32, #tpu.memory_space<hbm>>) dst(%arg5 : memref<24576xf32, #tpu.memory_space<vmem>>)
    %dma_wait3A_481 = tpu.memref_slice %arg3[%add3A_455] : memref<6291456xf32, #tpu.memory_space<hbm>> -> memref<24576xf32, #tpu.memory_space<hbm>>
    %dma_wait3A_482 = tpu.memref_slice %arg3[%add3A_455] : memref<6291456xf32, #tpu.memory_space<hbm>> -> memref<24576xf32, #tpu.memory_space<hbm>>
    tpu.wait_dma2 semaphore(%arg11 : memref<!tpu.dma_semaphore, #tpu.memory_space<semaphore_mem>>) src(%dma_wait3A_482 : memref<24576xf32, #tpu.memory_space<hbm>>) dst(%arg7 : memref<24576xf32, #tpu.memory_space<vmem>>)
    %parallel_loop3A_483 = arith.constant 0 : i32
    %parallel_loop3A_484 = arith.constant 24576 : i32
    %parallel_loop3A_485 = arith.constant 16 : i32
    scf.for %parallel_loop3A_673 = %parallel_loop3A_483 to %parallel_loop3A_484 step %parallel_loop3A_485  : i32 {
      %parallel_loop3A_674 = arith.index_cast %parallel_loop3A_673 : i32 to index
      %parallel_loop3A_675 = tpu.vector_load %arg7[%parallel_loop3A_674] {strides = array<i32>} : memref<24576xf32, #tpu.memory_space<vmem>>, vector<16xf32>,
      %parallel_loop3A_676 = vector.shape_cast %parallel_loop3A_675 : vector<16xf32> to vector<16xf32>
      %parallel_loop3A_677 = arith.index_cast %parallel_loop3A_673 : i32 to index
      %parallel_loop3A_678 = tpu.vector_load %arg5[%parallel_loop3A_677] {strides = array<i32>} : memref<24576xf32, #tpu.memory_space<vmem>>, vector<16xf32>,
      %parallel_loop3A_679 = vector.shape_cast %parallel_loop3A_678 : vector<16xf32> to vector<16xf32>
      %parallel_loop3A_680 = vector.shape_cast %parallel_loop3A_676 : vector<16xf32> to vector<16xf32>
      tpu.vector_store %arg5[%parallel_loop3A_677], %parallel_loop3A_680 {add = true, strides = array<i32>} : memref<24576xf32, #tpu.memory_space<vmem>>, vector<16xf32>,
    } {sc.loop_unroll_factor = 8 : i64, sc.parallel_access}
    %add3A_486 = arith.constant 540672 : i32
    %add3A_487 = arith.addi %mul3A_2, %add3A_486 : i32
    %dma_start3A_488 = tpu.memref_slice %arg4[%add3A_487] : memref<25165824xf32, #tpu.memory_space<hbm>> -> memref<24576xf32, #tpu.memory_space<hbm>>
    %dma_start3A_489 = tpu.memref_slice %arg4[%add3A_487] : memref<25165824xf32, #tpu.memory_space<hbm>> -> memref<24576xf32, #tpu.memory_space<hbm>>
    tpu.enqueue_dma source(%arg5 : memref<24576xf32, #tpu.memory_space<vmem>>) target(%dma_start3A_489 : memref<24576xf32, #tpu.memory_space<hbm>>) target_semaphore(%arg13 : memref<!tpu.dma_semaphore, #tpu.memory_space<semaphore_mem>>)
    %dma_wait3A_490 = tpu.memref_slice %arg4[%add3A_487] : memref<25165824xf32, #tpu.memory_space<hbm>> -> memref<24576xf32, #tpu.memory_space<hbm>>
    %dma_wait3A_491 = tpu.memref_slice %arg4[%add3A_487] : memref<25165824xf32, #tpu.memory_space<hbm>> -> memref<24576xf32, #tpu.memory_space<hbm>>
    tpu.wait_dma2 semaphore(%arg13 : memref<!tpu.dma_semaphore, #tpu.memory_space<semaphore_mem>>) src(%arg5 : memref<24576xf32, #tpu.memory_space<vmem>>) dst(%dma_wait3A_491 : memref<24576xf32, #tpu.memory_space<hbm>>)
    %add3A_492 = arith.constant 589824 : i32
    %add3A_493 = arith.addi %mul3A_2, %add3A_492 : i32
    %dma_start3A_494 = tpu.memref_slice %arg2[%add3A_493] : memref<25165824xf32, #tpu.memory_space<hbm>> -> memref<24576xf32, #tpu.memory_space<hbm>>
    %dma_start3A_495 = tpu.memref_slice %arg2[%add3A_493] : memref<25165824xf32, #tpu.memory_space<hbm>> -> memref<24576xf32, #tpu.memory_space<hbm>>
    tpu.enqueue_dma source(%dma_start3A_495 : memref<24576xf32, #tpu.memory_space<hbm>>) target(%arg5 : memref<24576xf32, #tpu.memory_space<vmem>>) target_semaphore(%arg9 : memref<!tpu.dma_semaphore, #tpu.memory_space<semaphore_mem>>)
    %add3A_496 = arith.constant 589824 : i32
    %add3A_497 = arith.addi %rem3A_3, %add3A_496 : i32
    %dma_start3A_498 = tpu.memref_slice %arg3[%add3A_497] : memref<6291456xf32, #tpu.memory_space<hbm>> -> memref<24576xf32, #tpu.memory_space<hbm>>
    %dma_start3A_499 = tpu.memref_slice %arg3[%add3A_497] : memref<6291456xf32, #tpu.memory_space<hbm>> -> memref<24576xf32, #tpu.memory_space<hbm>>
    tpu.enqueue_dma source(%dma_start3A_499 : memref<24576xf32, #tpu.memory_space<hbm>>) target(%arg7 : memref<24576xf32, #tpu.memory_space<vmem>>) target_semaphore(%arg11 : memref<!tpu.dma_semaphore, #tpu.memory_space<semaphore_mem>>)
    %dma_wait3A_500 = tpu.memref_slice %arg2[%add3A_472] : memref<25165824xf32, #tpu.memory_space<hbm>> -> memref<24576xf32, #tpu.memory_space<hbm>>
    %dma_wait3A_501 = tpu.memref_slice %arg2[%add3A_472] : memref<25165824xf32, #tpu.memory_space<hbm>> -> memref<24576xf32, #tpu.memory_space<hbm>>
    tpu.wait_dma2 semaphore(%arg10 : memref<!tpu.dma_semaphore, #tpu.memory_space<semaphore_mem>>) src(%dma_wait3A_501 : memref<24576xf32, #tpu.memory_space<hbm>>) dst(%arg6 : memref<24576xf32, #tpu.memory_space<vmem>>)
    %dma_wait3A_502 = tpu.memref_slice %arg3[%add3A_476] : memref<6291456xf32, #tpu.memory_space<hbm>> -> memref<24576xf32, #tpu.memory_space<hbm>>
    %dma_wait3A_503 = tpu.memref_slice %arg3[%add3A_476] : memref<6291456xf32, #tpu.memory_space<hbm>> -> memref<24576xf32, #tpu.memory_space<hbm>>
    tpu.wait_dma2 semaphore(%arg12 : memref<!tpu.dma_semaphore, #tpu.memory_space<semaphore_mem>>) src(%dma_wait3A_503 : memref<24576xf32, #tpu.memory_space<hbm>>) dst(%arg8 : memref<24576xf32, #tpu.memory_space<vmem>>)
    %parallel_loop3A_504 = arith.constant 0 : i32
    %parallel_loop3A_505 = arith.constant 24576 : i32
    %parallel_loop3A_506 = arith.constant 16 : i32
    scf.for %parallel_loop3A_673 = %parallel_loop3A_504 to %parallel_loop3A_505 step %parallel_loop3A_506  : i32 {
      %parallel_loop3A_674 = arith.index_cast %parallel_loop3A_673 : i32 to index
      %parallel_loop3A_675 = tpu.vector_load %arg8[%parallel_loop3A_674] {strides = array<i32>} : memref<24576xf32, #tpu.memory_space<vmem>>, vector<16xf32>,
      %parallel_loop3A_676 = vector.shape_cast %parallel_loop3A_675 : vector<16xf32> to vector<16xf32>
      %parallel_loop3A_677 = arith.index_cast %parallel_loop3A_673 : i32 to index
      %parallel_loop3A_678 = tpu.vector_load %arg6[%parallel_loop3A_677] {strides = array<i32>} : memref<24576xf32, #tpu.memory_space<vmem>>, vector<16xf32>,
      %parallel_loop3A_679 = vector.shape_cast %parallel_loop3A_678 : vector<16xf32> to vector<16xf32>
      %parallel_loop3A_680 = vector.shape_cast %parallel_loop3A_676 : vector<16xf32> to vector<16xf32>
      tpu.vector_store %arg6[%parallel_loop3A_677], %parallel_loop3A_680 {add = true, strides = array<i32>} : memref<24576xf32, #tpu.memory_space<vmem>>, vector<16xf32>,
    } {sc.loop_unroll_factor = 8 : i64, sc.parallel_access}
    %add3A_507 = arith.constant 565248 : i32
    %add3A_508 = arith.addi %mul3A_2, %add3A_507 : i32
    %dma_start3A_509 = tpu.memref_slice %arg4[%add3A_508] : memref<25165824xf32, #tpu.memory_space<hbm>> -> memref<24576xf32, #tpu.memory_space<hbm>>
    %dma_start3A_510 = tpu.memref_slice %arg4[%add3A_508] : memref<25165824xf32, #tpu.memory_space<hbm>> -> memref<24576xf32, #tpu.memory_space<hbm>>
    tpu.enqueue_dma source(%arg6 : memref<24576xf32, #tpu.memory_space<vmem>>) target(%dma_start3A_510 : memref<24576xf32, #tpu.memory_space<hbm>>) target_semaphore(%arg14 : memref<!tpu.dma_semaphore, #tpu.memory_space<semaphore_mem>>)
    %dma_wait3A_511 = tpu.memref_slice %arg4[%add3A_508] : memref<25165824xf32, #tpu.memory_space<hbm>> -> memref<24576xf32, #tpu.memory_space<hbm>>
    %dma_wait3A_512 = tpu.memref_slice %arg4[%add3A_508] : memref<25165824xf32, #tpu.memory_space<hbm>> -> memref<24576xf32, #tpu.memory_space<hbm>>
    tpu.wait_dma2 semaphore(%arg14 : memref<!tpu.dma_semaphore, #tpu.memory_space<semaphore_mem>>) src(%arg6 : memref<24576xf32, #tpu.memory_space<vmem>>) dst(%dma_wait3A_512 : memref<24576xf32, #tpu.memory_space<hbm>>)
    %add3A_513 = arith.constant 614400 : i32
    %add3A_514 = arith.addi %mul3A_2, %add3A_513 : i32
    %dma_start3A_515 = tpu.memref_slice %arg2[%add3A_514] : memref<25165824xf32, #tpu.memory_space<hbm>> -> memref<24576xf32, #tpu.memory_space<hbm>>
    %dma_start3A_516 = tpu.memref_slice %arg2[%add3A_514] : memref<25165824xf32, #tpu.memory_space<hbm>> -> memref<24576xf32, #tpu.memory_space<hbm>>
    tpu.enqueue_dma source(%dma_start3A_516 : memref<24576xf32, #tpu.memory_space<hbm>>) target(%arg6 : memref<24576xf32, #tpu.memory_space<vmem>>) target_semaphore(%arg10 : memref<!tpu.dma_semaphore, #tpu.memory_space<semaphore_mem>>)
    %add3A_517 = arith.constant 614400 : i32
    %add3A_518 = arith.addi %rem3A_3, %add3A_517 : i32
    %dma_start3A_519 = tpu.memref_slice %arg3[%add3A_518] : memref<6291456xf32, #tpu.memory_space<hbm>> -> memref<24576xf32, #tpu.memory_space<hbm>>
    %dma_start3A_520 = tpu.memref_slice %arg3[%add3A_518] : memref<6291456xf32, #tpu.memory_space<hbm>> -> memref<24576xf32, #tpu.memory_space<hbm>>
    tpu.enqueue_dma source(%dma_start3A_520 : memref<24576xf32, #tpu.memory_space<hbm>>) target(%arg8 : memref<24576xf32, #tpu.memory_space<vmem>>) target_semaphore(%arg12 : memref<!tpu.dma_semaphore, #tpu.memory_space<semaphore_mem>>)
    %dma_wait3A_521 = tpu.memref_slice %arg2[%add3A_493] : memref<25165824xf32, #tpu.memory_space<hbm>> -> memref<24576xf32, #tpu.memory_space<hbm>>
    %dma_wait3A_522 = tpu.memref_slice %arg2[%add3A_493] : memref<25165824xf32, #tpu.memory_space<hbm>> -> memref<24576xf32, #tpu.memory_space<hbm>>
    tpu.wait_dma2 semaphore(%arg9 : memref<!tpu.dma_semaphore, #tpu.memory_space<semaphore_mem>>) src(%dma_wait3A_522 : memref<24576xf32, #tpu.memory_space<hbm>>) dst(%arg5 : memref<24576xf32, #tpu.memory_space<vmem>>)
    %dma_wait3A_523 = tpu.memref_slice %arg3[%add3A_497] : memref<6291456xf32, #tpu.memory_space<hbm>> -> memref<24576xf32, #tpu.memory_space<hbm>>
    %dma_wait3A_524 = tpu.memref_slice %arg3[%add3A_497] : memref<6291456xf32, #tpu.memory_space<hbm>> -> memref<24576xf32, #tpu.memory_space<hbm>>
    tpu.wait_dma2 semaphore(%arg11 : memref<!tpu.dma_semaphore, #tpu.memory_space<semaphore_mem>>) src(%dma_wait3A_524 : memref<24576xf32, #tpu.memory_space<hbm>>) dst(%arg7 : memref<24576xf32, #tpu.memory_space<vmem>>)
    %parallel_loop3A_525 = arith.constant 0 : i32
    %parallel_loop3A_526 = arith.constant 24576 : i32
    %parallel_loop3A_527 = arith.constant 16 : i32
    scf.for %parallel_loop3A_673 = %parallel_loop3A_525 to %parallel_loop3A_526 step %parallel_loop3A_527  : i32 {
      %parallel_loop3A_674 = arith.index_cast %parallel_loop3A_673 : i32 to index
      %parallel_loop3A_675 = tpu.vector_load %arg7[%parallel_loop3A_674] {strides = array<i32>} : memref<24576xf32, #tpu.memory_space<vmem>>, vector<16xf32>,
      %parallel_loop3A_676 = vector.shape_cast %parallel_loop3A_675 : vector<16xf32> to vector<16xf32>
      %parallel_loop3A_677 = arith.index_cast %parallel_loop3A_673 : i32 to index
      %parallel_loop3A_678 = tpu.vector_load %arg5[%parallel_loop3A_677] {strides = array<i32>} : memref<24576xf32, #tpu.memory_space<vmem>>, vector<16xf32>,
      %parallel_loop3A_679 = vector.shape_cast %parallel_loop3A_678 : vector<16xf32> to vector<16xf32>
      %parallel_loop3A_680 = vector.shape_cast %parallel_loop3A_676 : vector<16xf32> to vector<16xf32>
      tpu.vector_store %arg5[%parallel_loop3A_677], %parallel_loop3A_680 {add = true, strides = array<i32>} : memref<24576xf32, #tpu.memory_space<vmem>>, vector<16xf32>,
    } {sc.loop_unroll_factor = 8 : i64, sc.parallel_access}
    %add3A_528 = arith.constant 589824 : i32
    %add3A_529 = arith.addi %mul3A_2, %add3A_528 : i32
    %dma_start3A_530 = tpu.memref_slice %arg4[%add3A_529] : memref<25165824xf32, #tpu.memory_space<hbm>> -> memref<24576xf32, #tpu.memory_space<hbm>>
    %dma_start3A_531 = tpu.memref_slice %arg4[%add3A_529] : memref<25165824xf32, #tpu.memory_space<hbm>> -> memref<24576xf32, #tpu.memory_space<hbm>>
    tpu.enqueue_dma source(%arg5 : memref<24576xf32, #tpu.memory_space<vmem>>) target(%dma_start3A_531 : memref<24576xf32, #tpu.memory_space<hbm>>) target_semaphore(%arg13 : memref<!tpu.dma_semaphore, #tpu.memory_space<semaphore_mem>>)
    %dma_wait3A_532 = tpu.memref_slice %arg4[%add3A_529] : memref<25165824xf32, #tpu.memory_space<hbm>> -> memref<24576xf32, #tpu.memory_space<hbm>>
    %dma_wait3A_533 = tpu.memref_slice %arg4[%add3A_529] : memref<25165824xf32, #tpu.memory_space<hbm>> -> memref<24576xf32, #tpu.memory_space<hbm>>
    tpu.wait_dma2 semaphore(%arg13 : memref<!tpu.dma_semaphore, #tpu.memory_space<semaphore_mem>>) src(%arg5 : memref<24576xf32, #tpu.memory_space<vmem>>) dst(%dma_wait3A_533 : memref<24576xf32, #tpu.memory_space<hbm>>)
    %add3A_534 = arith.constant 638976 : i32
    %add3A_535 = arith.addi %mul3A_2, %add3A_534 : i32
    %dma_start3A_536 = tpu.memref_slice %arg2[%add3A_535] : memref<25165824xf32, #tpu.memory_space<hbm>> -> memref<24576xf32, #tpu.memory_space<hbm>>
    %dma_start3A_537 = tpu.memref_slice %arg2[%add3A_535] : memref<25165824xf32, #tpu.memory_space<hbm>> -> memref<24576xf32, #tpu.memory_space<hbm>>
    tpu.enqueue_dma source(%dma_start3A_537 : memref<24576xf32, #tpu.memory_space<hbm>>) target(%arg5 : memref<24576xf32, #tpu.memory_space<vmem>>) target_semaphore(%arg9 : memref<!tpu.dma_semaphore, #tpu.memory_space<semaphore_mem>>)
    %add3A_538 = arith.constant 638976 : i32
    %add3A_539 = arith.addi %rem3A_3, %add3A_538 : i32
    %dma_start3A_540 = tpu.memref_slice %arg3[%add3A_539] : memref<6291456xf32, #tpu.memory_space<hbm>> -> memref<24576xf32, #tpu.memory_space<hbm>>
    %dma_start3A_541 = tpu.memref_slice %arg3[%add3A_539] : memref<6291456xf32, #tpu.memory_space<hbm>> -> memref<24576xf32, #tpu.memory_space<hbm>>
    tpu.enqueue_dma source(%dma_start3A_541 : memref<24576xf32, #tpu.memory_space<hbm>>) target(%arg7 : memref<24576xf32, #tpu.memory_space<vmem>>) target_semaphore(%arg11 : memref<!tpu.dma_semaphore, #tpu.memory_space<semaphore_mem>>)
    %dma_wait3A_542 = tpu.memref_slice %arg2[%add3A_514] : memref<25165824xf32, #tpu.memory_space<hbm>> -> memref<24576xf32, #tpu.memory_space<hbm>>
    %dma_wait3A_543 = tpu.memref_slice %arg2[%add3A_514] : memref<25165824xf32, #tpu.memory_space<hbm>> -> memref<24576xf32, #tpu.memory_space<hbm>>
    tpu.wait_dma2 semaphore(%arg10 : memref<!tpu.dma_semaphore, #tpu.memory_space<semaphore_mem>>) src(%dma_wait3A_543 : memref<24576xf32, #tpu.memory_space<hbm>>) dst(%arg6 : memref<24576xf32, #tpu.memory_space<vmem>>)
    %dma_wait3A_544 = tpu.memref_slice %arg3[%add3A_518] : memref<6291456xf32, #tpu.memory_space<hbm>> -> memref<24576xf32, #tpu.memory_space<hbm>>
    %dma_wait3A_545 = tpu.memref_slice %arg3[%add3A_518] : memref<6291456xf32, #tpu.memory_space<hbm>> -> memref<24576xf32, #tpu.memory_space<hbm>>
    tpu.wait_dma2 semaphore(%arg12 : memref<!tpu.dma_semaphore, #tpu.memory_space<semaphore_mem>>) src(%dma_wait3A_545 : memref<24576xf32, #tpu.memory_space<hbm>>) dst(%arg8 : memref<24576xf32, #tpu.memory_space<vmem>>)
    %parallel_loop3A_546 = arith.constant 0 : i32
    %parallel_loop3A_547 = arith.constant 24576 : i32
    %parallel_loop3A_548 = arith.constant 16 : i32
    scf.for %parallel_loop3A_673 = %parallel_loop3A_546 to %parallel_loop3A_547 step %parallel_loop3A_548  : i32 {
      %parallel_loop3A_674 = arith.index_cast %parallel_loop3A_673 : i32 to index
      %parallel_loop3A_675 = tpu.vector_load %arg8[%parallel_loop3A_674] {strides = array<i32>} : memref<24576xf32, #tpu.memory_space<vmem>>, vector<16xf32>,
      %parallel_loop3A_676 = vector.shape_cast %parallel_loop3A_675 : vector<16xf32> to vector<16xf32>
      %parallel_loop3A_677 = arith.index_cast %parallel_loop3A_673 : i32 to index
      %parallel_loop3A_678 = tpu.vector_load %arg6[%parallel_loop3A_677] {strides = array<i32>} : memref<24576xf32, #tpu.memory_space<vmem>>, vector<16xf32>,
      %parallel_loop3A_679 = vector.shape_cast %parallel_loop3A_678 : vector<16xf32> to vector<16xf32>
      %parallel_loop3A_680 = vector.shape_cast %parallel_loop3A_676 : vector<16xf32> to vector<16xf32>
      tpu.vector_store %arg6[%parallel_loop3A_677], %parallel_loop3A_680 {add = true, strides = array<i32>} : memref<24576xf32, #tpu.memory_space<vmem>>, vector<16xf32>,
    } {sc.loop_unroll_factor = 8 : i64, sc.parallel_access}
    %add3A_549 = arith.constant 614400 : i32
    %add3A_550 = arith.addi %mul3A_2, %add3A_549 : i32
    %dma_start3A_551 = tpu.memref_slice %arg4[%add3A_550] : memref<25165824xf32, #tpu.memory_space<hbm>> -> memref<24576xf32, #tpu.memory_space<hbm>>
    %dma_start3A_552 = tpu.memref_slice %arg4[%add3A_550] : memref<25165824xf32, #tpu.memory_space<hbm>> -> memref<24576xf32, #tpu.memory_space<hbm>>
    tpu.enqueue_dma source(%arg6 : memref<24576xf32, #tpu.memory_space<vmem>>) target(%dma_start3A_552 : memref<24576xf32, #tpu.memory_space<hbm>>) target_semaphore(%arg14 : memref<!tpu.dma_semaphore, #tpu.memory_space<semaphore_mem>>)
    %dma_wait3A_553 = tpu.memref_slice %arg4[%add3A_550] : memref<25165824xf32, #tpu.memory_space<hbm>> -> memref<24576xf32, #tpu.memory_space<hbm>>
    %dma_wait3A_554 = tpu.memref_slice %arg4[%add3A_550] : memref<25165824xf32, #tpu.memory_space<hbm>> -> memref<24576xf32, #tpu.memory_space<hbm>>
    tpu.wait_dma2 semaphore(%arg14 : memref<!tpu.dma_semaphore, #tpu.memory_space<semaphore_mem>>) src(%arg6 : memref<24576xf32, #tpu.memory_space<vmem>>) dst(%dma_wait3A_554 : memref<24576xf32, #tpu.memory_space<hbm>>)
    %add3A_555 = arith.constant 663552 : i32
    %add3A_556 = arith.addi %mul3A_2, %add3A_555 : i32
    %dma_start3A_557 = tpu.memref_slice %arg2[%add3A_556] : memref<25165824xf32, #tpu.memory_space<hbm>> -> memref<24576xf32, #tpu.memory_space<hbm>>
    %dma_start3A_558 = tpu.memref_slice %arg2[%add3A_556] : memref<25165824xf32, #tpu.memory_space<hbm>> -> memref<24576xf32, #tpu.memory_space<hbm>>
    tpu.enqueue_dma source(%dma_start3A_558 : memref<24576xf32, #tpu.memory_space<hbm>>) target(%arg6 : memref<24576xf32, #tpu.memory_space<vmem>>) target_semaphore(%arg10 : memref<!tpu.dma_semaphore, #tpu.memory_space<semaphore_mem>>)
    %add3A_559 = arith.constant 663552 : i32
    %add3A_560 = arith.addi %rem3A_3, %add3A_559 : i32
    %dma_start3A_561 = tpu.memref_slice %arg3[%add3A_560] : memref<6291456xf32, #tpu.memory_space<hbm>> -> memref<24576xf32, #tpu.memory_space<hbm>>
    %dma_start3A_562 = tpu.memref_slice %arg3[%add3A_560] : memref<6291456xf32, #tpu.memory_space<hbm>> -> memref<24576xf32, #tpu.memory_space<hbm>>
    tpu.enqueue_dma source(%dma_start3A_562 : memref<24576xf32, #tpu.memory_space<hbm>>) target(%arg8 : memref<24576xf32, #tpu.memory_space<vmem>>) target_semaphore(%arg12 : memref<!tpu.dma_semaphore, #tpu.memory_space<semaphore_mem>>)
    %dma_wait3A_563 = tpu.memref_slice %arg2[%add3A_535] : memref<25165824xf32, #tpu.memory_space<hbm>> -> memref<24576xf32, #tpu.memory_space<hbm>>
    %dma_wait3A_564 = tpu.memref_slice %arg2[%add3A_535] : memref<25165824xf32, #tpu.memory_space<hbm>> -> memref<24576xf32, #tpu.memory_space<hbm>>
    tpu.wait_dma2 semaphore(%arg9 : memref<!tpu.dma_semaphore, #tpu.memory_space<semaphore_mem>>) src(%dma_wait3A_564 : memref<24576xf32, #tpu.memory_space<hbm>>) dst(%arg5 : memref<24576xf32, #tpu.memory_space<vmem>>)
    %dma_wait3A_565 = tpu.memref_slice %arg3[%add3A_539] : memref<6291456xf32, #tpu.memory_space<hbm>> -> memref<24576xf32, #tpu.memory_space<hbm>>
    %dma_wait3A_566 = tpu.memref_slice %arg3[%add3A_539] : memref<6291456xf32, #tpu.memory_space<hbm>> -> memref<24576xf32, #tpu.memory_space<hbm>>
    tpu.wait_dma2 semaphore(%arg11 : memref<!tpu.dma_semaphore, #tpu.memory_space<semaphore_mem>>) src(%dma_wait3A_566 : memref<24576xf32, #tpu.memory_space<hbm>>) dst(%arg7 : memref<24576xf32, #tpu.memory_space<vmem>>)
    %parallel_loop3A_567 = arith.constant 0 : i32
    %parallel_loop3A_568 = arith.constant 24576 : i32
    %parallel_loop3A_569 = arith.constant 16 : i32
    scf.for %parallel_loop3A_673 = %parallel_loop3A_567 to %parallel_loop3A_568 step %parallel_loop3A_569  : i32 {
      %parallel_loop3A_674 = arith.index_cast %parallel_loop3A_673 : i32 to index
      %parallel_loop3A_675 = tpu.vector_load %arg7[%parallel_loop3A_674] {strides = array<i32>} : memref<24576xf32, #tpu.memory_space<vmem>>, vector<16xf32>,
      %parallel_loop3A_676 = vector.shape_cast %parallel_loop3A_675 : vector<16xf32> to vector<16xf32>
      %parallel_loop3A_677 = arith.index_cast %parallel_loop3A_673 : i32 to index
      %parallel_loop3A_678 = tpu.vector_load %arg5[%parallel_loop3A_677] {strides = array<i32>} : memref<24576xf32, #tpu.memory_space<vmem>>, vector<16xf32>,
      %parallel_loop3A_679 = vector.shape_cast %parallel_loop3A_678 : vector<16xf32> to vector<16xf32>
      %parallel_loop3A_680 = vector.shape_cast %parallel_loop3A_676 : vector<16xf32> to vector<16xf32>
      tpu.vector_store %arg5[%parallel_loop3A_677], %parallel_loop3A_680 {add = true, strides = array<i32>} : memref<24576xf32, #tpu.memory_space<vmem>>, vector<16xf32>,
    } {sc.loop_unroll_factor = 8 : i64, sc.parallel_access}
    %add3A_570 = arith.constant 638976 : i32
    %add3A_571 = arith.addi %mul3A_2, %add3A_570 : i32
    %dma_start3A_572 = tpu.memref_slice %arg4[%add3A_571] : memref<25165824xf32, #tpu.memory_space<hbm>> -> memref<24576xf32, #tpu.memory_space<hbm>>
    %dma_start3A_573 = tpu.memref_slice %arg4[%add3A_571] : memref<25165824xf32, #tpu.memory_space<hbm>> -> memref<24576xf32, #tpu.memory_space<hbm>>
    tpu.enqueue_dma source(%arg5 : memref<24576xf32, #tpu.memory_space<vmem>>) target(%dma_start3A_573 : memref<24576xf32, #tpu.memory_space<hbm>>) target_semaphore(%arg13 : memref<!tpu.dma_semaphore, #tpu.memory_space<semaphore_mem>>)
    %dma_wait3A_574 = tpu.memref_slice %arg4[%add3A_571] : memref<25165824xf32, #tpu.memory_space<hbm>> -> memref<24576xf32, #tpu.memory_space<hbm>>
    %dma_wait3A_575 = tpu.memref_slice %arg4[%add3A_571] : memref<25165824xf32, #tpu.memory_space<hbm>> -> memref<24576xf32, #tpu.memory_space<hbm>>
    tpu.wait_dma2 semaphore(%arg13 : memref<!tpu.dma_semaphore, #tpu.memory_space<semaphore_mem>>) src(%arg5 : memref<24576xf32, #tpu.memory_space<vmem>>) dst(%dma_wait3A_575 : memref<24576xf32, #tpu.memory_space<hbm>>)
    %add3A_576 = arith.constant 688128 : i32
    %add3A_577 = arith.addi %mul3A_2, %add3A_576 : i32
    %dma_start3A_578 = tpu.memref_slice %arg2[%add3A_577] : memref<25165824xf32, #tpu.memory_space<hbm>> -> memref<24576xf32, #tpu.memory_space<hbm>>
    %dma_start3A_579 = tpu.memref_slice %arg2[%add3A_577] : memref<25165824xf32, #tpu.memory_space<hbm>> -> memref<24576xf32, #tpu.memory_space<hbm>>
    tpu.enqueue_dma source(%dma_start3A_579 : memref<24576xf32, #tpu.memory_space<hbm>>) target(%arg5 : memref<24576xf32, #tpu.memory_space<vmem>>) target_semaphore(%arg9 : memref<!tpu.dma_semaphore, #tpu.memory_space<semaphore_mem>>)
    %add3A_580 = arith.constant 688128 : i32
    %add3A_581 = arith.addi %rem3A_3, %add3A_580 : i32
    %dma_start3A_582 = tpu.memref_slice %arg3[%add3A_581] : memref<6291456xf32, #tpu.memory_space<hbm>> -> memref<24576xf32, #tpu.memory_space<hbm>>
    %dma_start3A_583 = tpu.memref_slice %arg3[%add3A_581] : memref<6291456xf32, #tpu.memory_space<hbm>> -> memref<24576xf32, #tpu.memory_space<hbm>>
    tpu.enqueue_dma source(%dma_start3A_583 : memref<24576xf32, #tpu.memory_space<hbm>>) target(%arg7 : memref<24576xf32, #tpu.memory_space<vmem>>) target_semaphore(%arg11 : memref<!tpu.dma_semaphore, #tpu.memory_space<semaphore_mem>>)
    %dma_wait3A_584 = tpu.memref_slice %arg2[%add3A_556] : memref<25165824xf32, #tpu.memory_space<hbm>> -> memref<24576xf32, #tpu.memory_space<hbm>>
    %dma_wait3A_585 = tpu.memref_slice %arg2[%add3A_556] : memref<25165824xf32, #tpu.memory_space<hbm>> -> memref<24576xf32, #tpu.memory_space<hbm>>
    tpu.wait_dma2 semaphore(%arg10 : memref<!tpu.dma_semaphore, #tpu.memory_space<semaphore_mem>>) src(%dma_wait3A_585 : memref<24576xf32, #tpu.memory_space<hbm>>) dst(%arg6 : memref<24576xf32, #tpu.memory_space<vmem>>)
    %dma_wait3A_586 = tpu.memref_slice %arg3[%add3A_560] : memref<6291456xf32, #tpu.memory_space<hbm>> -> memref<24576xf32, #tpu.memory_space<hbm>>
    %dma_wait3A_587 = tpu.memref_slice %arg3[%add3A_560] : memref<6291456xf32, #tpu.memory_space<hbm>> -> memref<24576xf32, #tpu.memory_space<hbm>>
    tpu.wait_dma2 semaphore(%arg12 : memref<!tpu.dma_semaphore, #tpu.memory_space<semaphore_mem>>) src(%dma_wait3A_587 : memref<24576xf32, #tpu.memory_space<hbm>>) dst(%arg8 : memref<24576xf32, #tpu.memory_space<vmem>>)
    %parallel_loop3A_588 = arith.constant 0 : i32
    %parallel_loop3A_589 = arith.constant 24576 : i32
    %parallel_loop3A_590 = arith.constant 16 : i32
    scf.for %parallel_loop3A_673 = %parallel_loop3A_588 to %parallel_loop3A_589 step %parallel_loop3A_590  : i32 {
      %parallel_loop3A_674 = arith.index_cast %parallel_loop3A_673 : i32 to index
      %parallel_loop3A_675 = tpu.vector_load %arg8[%parallel_loop3A_674] {strides = array<i32>} : memref<24576xf32, #tpu.memory_space<vmem>>, vector<16xf32>,
      %parallel_loop3A_676 = vector.shape_cast %parallel_loop3A_675 : vector<16xf32> to vector<16xf32>
      %parallel_loop3A_677 = arith.index_cast %parallel_loop3A_673 : i32 to index
      %parallel_loop3A_678 = tpu.vector_load %arg6[%parallel_loop3A_677] {strides = array<i32>} : memref<24576xf32, #tpu.memory_space<vmem>>, vector<16xf32>,
      %parallel_loop3A_679 = vector.shape_cast %parallel_loop3A_678 : vector<16xf32> to vector<16xf32>
      %parallel_loop3A_680 = vector.shape_cast %parallel_loop3A_676 : vector<16xf32> to vector<16xf32>
      tpu.vector_store %arg6[%parallel_loop3A_677], %parallel_loop3A_680 {add = true, strides = array<i32>} : memref<24576xf32, #tpu.memory_space<vmem>>, vector<16xf32>,
    } {sc.loop_unroll_factor = 8 : i64, sc.parallel_access}
    %add3A_591 = arith.constant 663552 : i32
    %add3A_592 = arith.addi %mul3A_2, %add3A_591 : i32
    %dma_start3A_593 = tpu.memref_slice %arg4[%add3A_592] : memref<25165824xf32, #tpu.memory_space<hbm>> -> memref<24576xf32, #tpu.memory_space<hbm>>
    %dma_start3A_594 = tpu.memref_slice %arg4[%add3A_592] : memref<25165824xf32, #tpu.memory_space<hbm>> -> memref<24576xf32, #tpu.memory_space<hbm>>
    tpu.enqueue_dma source(%arg6 : memref<24576xf32, #tpu.memory_space<vmem>>) target(%dma_start3A_594 : memref<24576xf32, #tpu.memory_space<hbm>>) target_semaphore(%arg14 : memref<!tpu.dma_semaphore, #tpu.memory_space<semaphore_mem>>)
    %dma_wait3A_595 = tpu.memref_slice %arg4[%add3A_592] : memref<25165824xf32, #tpu.memory_space<hbm>> -> memref<24576xf32, #tpu.memory_space<hbm>>
    %dma_wait3A_596 = tpu.memref_slice %arg4[%add3A_592] : memref<25165824xf32, #tpu.memory_space<hbm>> -> memref<24576xf32, #tpu.memory_space<hbm>>
    tpu.wait_dma2 semaphore(%arg14 : memref<!tpu.dma_semaphore, #tpu.memory_space<semaphore_mem>>) src(%arg6 : memref<24576xf32, #tpu.memory_space<vmem>>) dst(%dma_wait3A_596 : memref<24576xf32, #tpu.memory_space<hbm>>)
    %add3A_597 = arith.constant 712704 : i32
    %add3A_598 = arith.addi %mul3A_2, %add3A_597 : i32
    %dma_start3A_599 = tpu.memref_slice %arg2[%add3A_598] : memref<25165824xf32, #tpu.memory_space<hbm>> -> memref<24576xf32, #tpu.memory_space<hbm>>
    %dma_start3A_600 = tpu.memref_slice %arg2[%add3A_598] : memref<25165824xf32, #tpu.memory_space<hbm>> -> memref<24576xf32, #tpu.memory_space<hbm>>
    tpu.enqueue_dma source(%dma_start3A_600 : memref<24576xf32, #tpu.memory_space<hbm>>) target(%arg6 : memref<24576xf32, #tpu.memory_space<vmem>>) target_semaphore(%arg10 : memref<!tpu.dma_semaphore, #tpu.memory_space<semaphore_mem>>)
    %add3A_601 = arith.constant 712704 : i32
    %add3A_602 = arith.addi %rem3A_3, %add3A_601 : i32
    %dma_start3A_603 = tpu.memref_slice %arg3[%add3A_602] : memref<6291456xf32, #tpu.memory_space<hbm>> -> memref<24576xf32, #tpu.memory_space<hbm>>
    %dma_start3A_604 = tpu.memref_slice %arg3[%add3A_602] : memref<6291456xf32, #tpu.memory_space<hbm>> -> memref<24576xf32, #tpu.memory_space<hbm>>
    tpu.enqueue_dma source(%dma_start3A_604 : memref<24576xf32, #tpu.memory_space<hbm>>) target(%arg8 : memref<24576xf32, #tpu.memory_space<vmem>>) target_semaphore(%arg12 : memref<!tpu.dma_semaphore, #tpu.memory_space<semaphore_mem>>)
    %dma_wait3A_605 = tpu.memref_slice %arg2[%add3A_577] : memref<25165824xf32, #tpu.memory_space<hbm>> -> memref<24576xf32, #tpu.memory_space<hbm>>
    %dma_wait3A_606 = tpu.memref_slice %arg2[%add3A_577] : memref<25165824xf32, #tpu.memory_space<hbm>> -> memref<24576xf32, #tpu.memory_space<hbm>>
    tpu.wait_dma2 semaphore(%arg9 : memref<!tpu.dma_semaphore, #tpu.memory_space<semaphore_mem>>) src(%dma_wait3A_606 : memref<24576xf32, #tpu.memory_space<hbm>>) dst(%arg5 : memref<24576xf32, #tpu.memory_space<vmem>>)
    %dma_wait3A_607 = tpu.memref_slice %arg3[%add3A_581] : memref<6291456xf32, #tpu.memory_space<hbm>> -> memref<24576xf32, #tpu.memory_space<hbm>>
    %dma_wait3A_608 = tpu.memref_slice %arg3[%add3A_581] : memref<6291456xf32, #tpu.memory_space<hbm>> -> memref<24576xf32, #tpu.memory_space<hbm>>
    tpu.wait_dma2 semaphore(%arg11 : memref<!tpu.dma_semaphore, #tpu.memory_space<semaphore_mem>>) src(%dma_wait3A_608 : memref<24576xf32, #tpu.memory_space<hbm>>) dst(%arg7 : memref<24576xf32, #tpu.memory_space<vmem>>)
    %parallel_loop3A_609 = arith.constant 0 : i32
    %parallel_loop3A_610 = arith.constant 24576 : i32
    %parallel_loop3A_611 = arith.constant 16 : i32
    scf.for %parallel_loop3A_673 = %parallel_loop3A_609 to %parallel_loop3A_610 step %parallel_loop3A_611  : i32 {
      %parallel_loop3A_674 = arith.index_cast %parallel_loop3A_673 : i32 to index
      %parallel_loop3A_675 = tpu.vector_load %arg7[%parallel_loop3A_674] {strides = array<i32>} : memref<24576xf32, #tpu.memory_space<vmem>>, vector<16xf32>,
      %parallel_loop3A_676 = vector.shape_cast %parallel_loop3A_675 : vector<16xf32> to vector<16xf32>
      %parallel_loop3A_677 = arith.index_cast %parallel_loop3A_673 : i32 to index
      %parallel_loop3A_678 = tpu.vector_load %arg5[%parallel_loop3A_677] {strides = array<i32>} : memref<24576xf32, #tpu.memory_space<vmem>>, vector<16xf32>,
      %parallel_loop3A_679 = vector.shape_cast %parallel_loop3A_678 : vector<16xf32> to vector<16xf32>
      %parallel_loop3A_680 = vector.shape_cast %parallel_loop3A_676 : vector<16xf32> to vector<16xf32>
      tpu.vector_store %arg5[%parallel_loop3A_677], %parallel_loop3A_680 {add = true, strides = array<i32>} : memref<24576xf32, #tpu.memory_space<vmem>>, vector<16xf32>,
    } {sc.loop_unroll_factor = 8 : i64, sc.parallel_access}
    %add3A_612 = arith.constant 688128 : i32
    %add3A_613 = arith.addi %mul3A_2, %add3A_612 : i32
    %dma_start3A_614 = tpu.memref_slice %arg4[%add3A_613] : memref<25165824xf32, #tpu.memory_space<hbm>> -> memref<24576xf32, #tpu.memory_space<hbm>>
    %dma_start3A_615 = tpu.memref_slice %arg4[%add3A_613] : memref<25165824xf32, #tpu.memory_space<hbm>> -> memref<24576xf32, #tpu.memory_space<hbm>>
    tpu.enqueue_dma source(%arg5 : memref<24576xf32, #tpu.memory_space<vmem>>) target(%dma_start3A_615 : memref<24576xf32, #tpu.memory_space<hbm>>) target_semaphore(%arg13 : memref<!tpu.dma_semaphore, #tpu.memory_space<semaphore_mem>>)
    %dma_wait3A_616 = tpu.memref_slice %arg4[%add3A_613] : memref<25165824xf32, #tpu.memory_space<hbm>> -> memref<24576xf32, #tpu.memory_space<hbm>>
    %dma_wait3A_617 = tpu.memref_slice %arg4[%add3A_613] : memref<25165824xf32, #tpu.memory_space<hbm>> -> memref<24576xf32, #tpu.memory_space<hbm>>
    tpu.wait_dma2 semaphore(%arg13 : memref<!tpu.dma_semaphore, #tpu.memory_space<semaphore_mem>>) src(%arg5 : memref<24576xf32, #tpu.memory_space<vmem>>) dst(%dma_wait3A_617 : memref<24576xf32, #tpu.memory_space<hbm>>)
    %add3A_618 = arith.constant 737280 : i32
    %add3A_619 = arith.addi %mul3A_2, %add3A_618 : i32
    %dma_start3A_620 = tpu.memref_slice %arg2[%add3A_619] : memref<25165824xf32, #tpu.memory_space<hbm>> -> memref<24576xf32, #tpu.memory_space<hbm>>
    %dma_start3A_621 = tpu.memref_slice %arg2[%add3A_619] : memref<25165824xf32, #tpu.memory_space<hbm>> -> memref<24576xf32, #tpu.memory_space<hbm>>
    tpu.enqueue_dma source(%dma_start3A_621 : memref<24576xf32, #tpu.memory_space<hbm>>) target(%arg5 : memref<24576xf32, #tpu.memory_space<vmem>>) target_semaphore(%arg9 : memref<!tpu.dma_semaphore, #tpu.memory_space<semaphore_mem>>)
    %add3A_622 = arith.constant 737280 : i32
    %add3A_623 = arith.addi %rem3A_3, %add3A_622 : i32
    %dma_start3A_624 = tpu.memref_slice %arg3[%add3A_623] : memref<6291456xf32, #tpu.memory_space<hbm>> -> memref<24576xf32, #tpu.memory_space<hbm>>
    %dma_start3A_625 = tpu.memref_slice %arg3[%add3A_623] : memref<6291456xf32, #tpu.memory_space<hbm>> -> memref<24576xf32, #tpu.memory_space<hbm>>
    tpu.enqueue_dma source(%dma_start3A_625 : memref<24576xf32, #tpu.memory_space<hbm>>) target(%arg7 : memref<24576xf32, #tpu.memory_space<vmem>>) target_semaphore(%arg11 : memref<!tpu.dma_semaphore, #tpu.memory_space<semaphore_mem>>)
    %dma_wait3A_626 = tpu.memref_slice %arg2[%add3A_598] : memref<25165824xf32, #tpu.memory_space<hbm>> -> memref<24576xf32, #tpu.memory_space<hbm>>
    %dma_wait3A_627 = tpu.memref_slice %arg2[%add3A_598] : memref<25165824xf32, #tpu.memory_space<hbm>> -> memref<24576xf32, #tpu.memory_space<hbm>>
    tpu.wait_dma2 semaphore(%arg10 : memref<!tpu.dma_semaphore, #tpu.memory_space<semaphore_mem>>) src(%dma_wait3A_627 : memref<24576xf32, #tpu.memory_space<hbm>>) dst(%arg6 : memref<24576xf32, #tpu.memory_space<vmem>>)
    %dma_wait3A_628 = tpu.memref_slice %arg3[%add3A_602] : memref<6291456xf32, #tpu.memory_space<hbm>> -> memref<24576xf32, #tpu.memory_space<hbm>>
    %dma_wait3A_629 = tpu.memref_slice %arg3[%add3A_602] : memref<6291456xf32, #tpu.memory_space<hbm>> -> memref<24576xf32, #tpu.memory_space<hbm>>
    tpu.wait_dma2 semaphore(%arg12 : memref<!tpu.dma_semaphore, #tpu.memory_space<semaphore_mem>>) src(%dma_wait3A_629 : memref<24576xf32, #tpu.memory_space<hbm>>) dst(%arg8 : memref<24576xf32, #tpu.memory_space<vmem>>)
    %parallel_loop3A_630 = arith.constant 0 : i32
    %parallel_loop3A_631 = arith.constant 24576 : i32
    %parallel_loop3A_632 = arith.constant 16 : i32
    scf.for %parallel_loop3A_673 = %parallel_loop3A_630 to %parallel_loop3A_631 step %parallel_loop3A_632  : i32 {
      %parallel_loop3A_674 = arith.index_cast %parallel_loop3A_673 : i32 to index
      %parallel_loop3A_675 = tpu.vector_load %arg8[%parallel_loop3A_674] {strides = array<i32>} : memref<24576xf32, #tpu.memory_space<vmem>>, vector<16xf32>,
      %parallel_loop3A_676 = vector.shape_cast %parallel_loop3A_675 : vector<16xf32> to vector<16xf32>
      %parallel_loop3A_677 = arith.index_cast %parallel_loop3A_673 : i32 to index
      %parallel_loop3A_678 = tpu.vector_load %arg6[%parallel_loop3A_677] {strides = array<i32>} : memref<24576xf32, #tpu.memory_space<vmem>>, vector<16xf32>,
      %parallel_loop3A_679 = vector.shape_cast %parallel_loop3A_678 : vector<16xf32> to vector<16xf32>
      %parallel_loop3A_680 = vector.shape_cast %parallel_loop3A_676 : vector<16xf32> to vector<16xf32>
      tpu.vector_store %arg6[%parallel_loop3A_677], %parallel_loop3A_680 {add = true, strides = array<i32>} : memref<24576xf32, #tpu.memory_space<vmem>>, vector<16xf32>,
    } {sc.loop_unroll_factor = 8 : i64, sc.parallel_access}
    %add3A_633 = arith.constant 712704 : i32
    %add3A_634 = arith.addi %mul3A_2, %add3A_633 : i32
    %dma_start3A_635 = tpu.memref_slice %arg4[%add3A_634] : memref<25165824xf32, #tpu.memory_space<hbm>> -> memref<24576xf32, #tpu.memory_space<hbm>>
    %dma_start3A_636 = tpu.memref_slice %arg4[%add3A_634] : memref<25165824xf32, #tpu.memory_space<hbm>> -> memref<24576xf32, #tpu.memory_space<hbm>>
    tpu.enqueue_dma source(%arg6 : memref<24576xf32, #tpu.memory_space<vmem>>) target(%dma_start3A_636 : memref<24576xf32, #tpu.memory_space<hbm>>) target_semaphore(%arg14 : memref<!tpu.dma_semaphore, #tpu.memory_space<semaphore_mem>>)
    %dma_wait3A_637 = tpu.memref_slice %arg4[%add3A_634] : memref<25165824xf32, #tpu.memory_space<hbm>> -> memref<24576xf32, #tpu.memory_space<hbm>>
    %dma_wait3A_638 = tpu.memref_slice %arg4[%add3A_634] : memref<25165824xf32, #tpu.memory_space<hbm>> -> memref<24576xf32, #tpu.memory_space<hbm>>
    tpu.wait_dma2 semaphore(%arg14 : memref<!tpu.dma_semaphore, #tpu.memory_space<semaphore_mem>>) src(%arg6 : memref<24576xf32, #tpu.memory_space<vmem>>) dst(%dma_wait3A_638 : memref<24576xf32, #tpu.memory_space<hbm>>)
    %add3A_639 = arith.constant 761856 : i32
    %add3A_640 = arith.addi %mul3A_2, %add3A_639 : i32
    %dma_start3A_641 = tpu.memref_slice %arg2[%add3A_640] : memref<25165824xf32, #tpu.memory_space<hbm>> -> memref<24576xf32, #tpu.memory_space<hbm>>
    %dma_start3A_642 = tpu.memref_slice %arg2[%add3A_640] : memref<25165824xf32, #tpu.memory_space<hbm>> -> memref<24576xf32, #tpu.memory_space<hbm>>
    tpu.enqueue_dma source(%dma_start3A_642 : memref<24576xf32, #tpu.memory_space<hbm>>) target(%arg6 : memref<24576xf32, #tpu.memory_space<vmem>>) target_semaphore(%arg10 : memref<!tpu.dma_semaphore, #tpu.memory_space<semaphore_mem>>)
    %add3A_643 = arith.constant 761856 : i32
    %add3A_644 = arith.addi %rem3A_3, %add3A_643 : i32
    %dma_start3A_645 = tpu.memref_slice %arg3[%add3A_644] : memref<6291456xf32, #tpu.memory_space<hbm>> -> memref<24576xf32, #tpu.memory_space<hbm>>
    %dma_start3A_646 = tpu.memref_slice %arg3[%add3A_644] : memref<6291456xf32, #tpu.memory_space<hbm>> -> memref<24576xf32, #tpu.memory_space<hbm>>
    tpu.enqueue_dma source(%dma_start3A_646 : memref<24576xf32, #tpu.memory_space<hbm>>) target(%arg8 : memref<24576xf32, #tpu.memory_space<vmem>>) target_semaphore(%arg12 : memref<!tpu.dma_semaphore, #tpu.memory_space<semaphore_mem>>)
    %dma_wait3A_647 = tpu.memref_slice %arg2[%add3A_619] : memref<25165824xf32, #tpu.memory_space<hbm>> -> memref<24576xf32, #tpu.memory_space<hbm>>
    %dma_wait3A_648 = tpu.memref_slice %arg2[%add3A_619] : memref<25165824xf32, #tpu.memory_space<hbm>> -> memref<24576xf32, #tpu.memory_space<hbm>>
    tpu.wait_dma2 semaphore(%arg9 : memref<!tpu.dma_semaphore, #tpu.memory_space<semaphore_mem>>) src(%dma_wait3A_648 : memref<24576xf32, #tpu.memory_space<hbm>>) dst(%arg5 : memref<24576xf32, #tpu.memory_space<vmem>>)
    %dma_wait3A_649 = tpu.memref_slice %arg3[%add3A_623] : memref<6291456xf32, #tpu.memory_space<hbm>> -> memref<24576xf32, #tpu.memory_space<hbm>>
    %dma_wait3A_650 = tpu.memref_slice %arg3[%add3A_623] : memref<6291456xf32, #tpu.memory_space<hbm>> -> memref<24576xf32, #tpu.memory_space<hbm>>
    tpu.wait_dma2 semaphore(%arg11 : memref<!tpu.dma_semaphore, #tpu.memory_space<semaphore_mem>>) src(%dma_wait3A_650 : memref<24576xf32, #tpu.memory_space<hbm>>) dst(%arg7 : memref<24576xf32, #tpu.memory_space<vmem>>)
    %parallel_loop3A_651 = arith.constant 0 : i32
    %parallel_loop3A_652 = arith.constant 24576 : i32
    %parallel_loop3A_653 = arith.constant 16 : i32
    scf.for %parallel_loop3A_673 = %parallel_loop3A_651 to %parallel_loop3A_652 step %parallel_loop3A_653  : i32 {
      %parallel_loop3A_674 = arith.index_cast %parallel_loop3A_673 : i32 to index
      %parallel_loop3A_675 = tpu.vector_load %arg7[%parallel_loop3A_674] {strides = array<i32>} : memref<24576xf32, #tpu.memory_space<vmem>>, vector<16xf32>,
      %parallel_loop3A_676 = vector.shape_cast %parallel_loop3A_675 : vector<16xf32> to vector<16xf32>
      %parallel_loop3A_677 = arith.index_cast %parallel_loop3A_673 : i32 to index
      %parallel_loop3A_678 = tpu.vector_load %arg5[%parallel_loop3A_677] {strides = array<i32>} : memref<24576xf32, #tpu.memory_space<vmem>>, vector<16xf32>,
      %parallel_loop3A_679 = vector.shape_cast %parallel_loop3A_678 : vector<16xf32> to vector<16xf32>
      %parallel_loop3A_680 = vector.shape_cast %parallel_loop3A_676 : vector<16xf32> to vector<16xf32>
      tpu.vector_store %arg5[%parallel_loop3A_677], %parallel_loop3A_680 {add = true, strides = array<i32>} : memref<24576xf32, #tpu.memory_space<vmem>>, vector<16xf32>,
    } {sc.loop_unroll_factor = 8 : i64, sc.parallel_access}
    %add3A_654 = arith.constant 737280 : i32
    %add3A_655 = arith.addi %mul3A_2, %add3A_654 : i32
    %dma_start3A_656 = tpu.memref_slice %arg4[%add3A_655] : memref<25165824xf32, #tpu.memory_space<hbm>> -> memref<24576xf32, #tpu.memory_space<hbm>>
    %dma_start3A_657 = tpu.memref_slice %arg4[%add3A_655] : memref<25165824xf32, #tpu.memory_space<hbm>> -> memref<24576xf32, #tpu.memory_space<hbm>>
    tpu.enqueue_dma source(%arg5 : memref<24576xf32, #tpu.memory_space<vmem>>) target(%dma_start3A_657 : memref<24576xf32, #tpu.memory_space<hbm>>) target_semaphore(%arg13 : memref<!tpu.dma_semaphore, #tpu.memory_space<semaphore_mem>>)
    %dma_wait3A_658 = tpu.memref_slice %arg2[%add3A_640] : memref<25165824xf32, #tpu.memory_space<hbm>> -> memref<24576xf32, #tpu.memory_space<hbm>>
    %dma_wait3A_659 = tpu.memref_slice %arg2[%add3A_640] : memref<25165824xf32, #tpu.memory_space<hbm>> -> memref<24576xf32, #tpu.memory_space<hbm>>
    tpu.wait_dma2 semaphore(%arg10 : memref<!tpu.dma_semaphore, #tpu.memory_space<semaphore_mem>>) src(%dma_wait3A_659 : memref<24576xf32, #tpu.memory_space<hbm>>) dst(%arg6 : memref<24576xf32, #tpu.memory_space<vmem>>)
    %dma_wait3A_660 = tpu.memref_slice %arg3[%add3A_644] : memref<6291456xf32, #tpu.memory_space<hbm>> -> memref<24576xf32, #tpu.memory_space<hbm>>
    %dma_wait3A_661 = tpu.memref_slice %arg3[%add3A_644] : memref<6291456xf32, #tpu.memory_space<hbm>> -> memref<24576xf32, #tpu.memory_space<hbm>>
    tpu.wait_dma2 semaphore(%arg12 : memref<!tpu.dma_semaphore, #tpu.memory_space<semaphore_mem>>) src(%dma_wait3A_661 : memref<24576xf32, #tpu.memory_space<hbm>>) dst(%arg8 : memref<24576xf32, #tpu.memory_space<vmem>>)
    %parallel_loop3A_662 = arith.constant 0 : i32
    %parallel_loop3A_663 = arith.constant 24576 : i32
    %parallel_loop3A_664 = arith.constant 16 : i32
    scf.for %parallel_loop3A_673 = %parallel_loop3A_662 to %parallel_loop3A_663 step %parallel_loop3A_664  : i32 {
      %parallel_loop3A_674 = arith.index_cast %parallel_loop3A_673 : i32 to index
      %parallel_loop3A_675 = tpu.vector_load %arg8[%parallel_loop3A_674] {strides = array<i32>} : memref<24576xf32, #tpu.memory_space<vmem>>, vector<16xf32>,
      %parallel_loop3A_676 = vector.shape_cast %parallel_loop3A_675 : vector<16xf32> to vector<16xf32>
      %parallel_loop3A_677 = arith.index_cast %parallel_loop3A_673 : i32 to index
      %parallel_loop3A_678 = tpu.vector_load %arg6[%parallel_loop3A_677] {strides = array<i32>} : memref<24576xf32, #tpu.memory_space<vmem>>, vector<16xf32>,
      %parallel_loop3A_679 = vector.shape_cast %parallel_loop3A_678 : vector<16xf32> to vector<16xf32>
      %parallel_loop3A_680 = vector.shape_cast %parallel_loop3A_676 : vector<16xf32> to vector<16xf32>
      tpu.vector_store %arg6[%parallel_loop3A_677], %parallel_loop3A_680 {add = true, strides = array<i32>} : memref<24576xf32, #tpu.memory_space<vmem>>, vector<16xf32>,
    } {sc.loop_unroll_factor = 8 : i64, sc.parallel_access}
    %add3A_665 = arith.constant 761856 : i32
    %add3A_666 = arith.addi %mul3A_2, %add3A_665 : i32
    %dma_start3A_667 = tpu.memref_slice %arg4[%add3A_666] : memref<25165824xf32, #tpu.memory_space<hbm>> -> memref<24576xf32, #tpu.memory_space<hbm>>
    %dma_start3A_668 = tpu.memref_slice %arg4[%add3A_666] : memref<25165824xf32, #tpu.memory_space<hbm>> -> memref<24576xf32, #tpu.memory_space<hbm>>
    tpu.enqueue_dma source(%arg6 : memref<24576xf32, #tpu.memory_space<vmem>>) target(%dma_start3A_668 : memref<24576xf32, #tpu.memory_space<hbm>>) target_semaphore(%arg14 : memref<!tpu.dma_semaphore, #tpu.memory_space<semaphore_mem>>)
    %dma_wait3A_669 = tpu.memref_slice %arg4[%add3A_655] : memref<25165824xf32, #tpu.memory_space<hbm>> -> memref<24576xf32, #tpu.memory_space<hbm>>
    %dma_wait3A_670 = tpu.memref_slice %arg4[%add3A_655] : memref<25165824xf32, #tpu.memory_space<hbm>> -> memref<24576xf32, #tpu.memory_space<hbm>>
    tpu.wait_dma2 semaphore(%arg13 : memref<!tpu.dma_semaphore, #tpu.memory_space<semaphore_mem>>) src(%arg5 : memref<24576xf32, #tpu.memory_space<vmem>>) dst(%dma_wait3A_670 : memref<24576xf32, #tpu.memory_space<hbm>>)
    %dma_wait3A_671 = tpu.memref_slice %arg4[%add3A_666] : memref<25165824xf32, #tpu.memory_space<hbm>> -> memref<24576xf32, #tpu.memory_space<hbm>>
    %dma_wait3A_672 = tpu.memref_slice %arg4[%add3A_666] : memref<25165824xf32, #tpu.memory_space<hbm>> -> memref<24576xf32, #tpu.memory_space<hbm>>
    tpu.wait_dma2 semaphore(%arg14 : memref<!tpu.dma_semaphore, #tpu.memory_space<semaphore_mem>>) src(%arg6 : memref<24576xf32, #tpu.memory_space<vmem>>) dst(%dma_wait3A_672 : memref<24576xf32, #tpu.memory_space<hbm>>)
    return
  }
}

</mosaic_0001>

<sc_bundles>
// kernel: kernel.3.cloned.1.call-start
scs
__scs_entry_jumppad:
0x0: {  	(pc) =	sbr.rel $0x88, $3  }
0x1: {  	(tag) =	ssettag $0x0;
	lr =	simm.s32 $0x1  }
0x2: {  	[smem:$0x3F9F] =	sst lr;
	_ =	strace $0xD0000000  }
0x3: {  	_ = 	snop  }
0x4: {  	_ = 	snop  }
0x5: {  	_ = 	snop  }
0x6: {  	_ = 	snop  }
0x7: {  	_ = 	snop  }
__scs_overlays_trampoline_lowered:
0x8: {  	[smem:$0x3FAE] =	sst s0  }
0x9: {  	[smem:$0x3FAF] =	sst s1  }
0xa: {  	[smem:$0x3FB0] =	sst s2  }
0xb: {  	[smem:$0x3FB1] =	sst s3  }
0xc: {  	[smem:$0x3FB2] =	sst s4  }
0xd: {  	[smem:$0x3FB3] =	sst s5  }
0xe: {  	[smem:$0x3FB4] =	sst s6  }
0xf: {  	[smem:$0x3FB5] =	sst s7  }
0x10: {  	[smem:$0x3FB6] =	sst s8  }
0x11: {  	[smem:$0x3FB7] =	sst s9;
	s0 =	simm.s32 @!p0 $0x0  }
0x12: {  	s1 =	sld [smem:$0x3F9D];
	s0 =	simm.s32 @p0 $0x1  }
0x13: {  	[smem:$0x3FB8] =	sst s0;
	s0 =	simm.s32 @!p1 $0x0  }
0x14: {  	s2 =	sld [smem:$0x3F9C];
	s0 =	simm.s32 @p1 $0x1  }
0x15: {  	[smem:$0x3FB9] =	sst s0;
	s0 =	simm.s32 @!p2 $0x0  }
0x16: {  	s3 =	sld [smem:$0x3FDB];
	s0 =	simm.s32 @p2 $0x1  }
0x17: {  	s4 =	simm.s32 $0x1BF5;
	[smem:$0x3FBB] =	sst s0  }
0x18: {  	s0 =	sld [smem:$0x3F9E];
	_ =	swait.ge [sflag:s4], $0x0  }
0x19: {  	s7 =	sld [smem:$0x3F9F]  }
0x1a: {  	s8 =	sadd.s32 $0xFFFFE003, lr  }
0x1b: {  	s9 =	sadd.s32 $0xFFFFFEF7, lr;
	s5 =	simm.s32 $0xFFFFFFFF;
	p2 =	slt.u32 s8, $0xFFFFF086  }
0x1c: {  	p1 =	slt.u32 s9, $0xF7A;
	s5 =	simm.s32 @!p2 $0x0  }
0x1d: {  	s5 =	simm.s32 @p1 $0x1;
	p0 =	seq.s32 s7, s2  }
0x1e: {  	s7 =	smul.u32 @!p0 $0xF7A, s2;
	p2 =	seq.s32 @!p0 s5, $0x0  }
0x1f: {  	s9 =	smul.u32 $0xF7A, s1;
	s8 =	simm.s32 @!p0 $0x1BF5;
	p2 =	por !p2, p0  }
0x20: {  	[sflag:s8] =	ssyncset.s32 @!p0 $0xFFFFF086;
	s6 =	sadd.s32 @!p0 s3, s7;
	s7 =	simm.s32 @!p0 $0x108  }
0x21: {  	s3 =	sadd.s32 s3, s9;
	s6 =	sadd.s32 @!p0 $0x88, s6;
	s7 =	simm.s32 @p2 $0x1082  }
0x22: {  	[simem:s7], [sflag:s8] =	dma.local @!p0 [hbm:s6], $0xF7A  }
0x23: {  	s9 =	sor.u32 $0xD0000000, s2;
	s6 =	simm.s32 $0x108;
	_ =	swait.ge @!p0 [sflag:s8], $0x0  }
0x24: {  	s3 =	sadd.s32 $0x88, s3;
	s6 =	simm.s32 @!p1 $0x1082;
	[sflag:s4] =	ssyncset.s32 $0xFFFFF086  }
0x25: {  	[simem:s6], [sflag:s4] =	dma.local [hbm:s3], $0xF7A  }
0x26: {  	[smem:$0x3F9F] =	sst s1;
	(tag) =	ssettag s2;
	_ =	strace s9  }
0x27: {  	s1 =	sld [smem:$0x3FAF]  }
0x28: {  	s2 =	sld [smem:$0x3FB0]  }
0x29: {  	s4 =	sld [smem:$0x3FB2]  }
0x2a: {  	p0 =	seq.s32 s5, $0x0;
	s5 =	sld [smem:$0x3FB3]  }
0x2b: {  	s6 =	sld [smem:$0x3FB4]  }
0x2c: {  	s7 =	sld [smem:$0x3FB5]  }
0x2d: {  	s3 =	simm.s32 $0x108;
	s8 =	sld [smem:$0x3FB6]  }
0x2e: {  	s3 =	simm.s32 @!p0 $0x1082;
	s9 =	sld [smem:$0x3FB7]  }
0x2f: {  	lr =	sadd.s32 s0, s3;
	s0 =	sld [smem:$0x3FAE]  }
0x30: {  	s3 =	sld [smem:$0x3FB1]  }
0x31: {  	[smem:$0x3FBA] =	sst s10  }
0x32: {  	s10 =	sld [smem:$0x3FB8];
	_ =	sdelay $0x3  }
0x33: {  	p0 =	seq.s32 s10, $0x1;
	s10 =	sld [smem:$0x3FBA];
	_ =	sdelay $0x3  }
0x34: {  	[smem:$0x3FBA] =	sst s10  }
0x35: {  	s10 =	sld [smem:$0x3FB9];
	_ =	sdelay $0x3  }
0x36: {  	p1 =	seq.s32 s10, $0x1;
	s10 =	sld [smem:$0x3FBA];
	_ =	sdelay $0x3  }
0x37: {  	[smem:$0x3FBA] =	sst s10  }
0x38: {  	s10 =	sld [smem:$0x3FBB]  }
0x39: {  	_ = 	snop;
	(pc) =	sbr.ind lr, $3  }
0x3a: {  	_ = 	snop  }
0x3b: {  	_ = 	snop  }
0x3c: {  	p2 =	seq.s32 s10, $0x1;
	s10 =	sld [smem:$0x3FBA]  }
0x3d: {  	_ =	shalt  }
0x3e: {  	_ =	shalt  }
0x3f: {  	_ =	shalt  }
0x40: {  	_ =	shalt  }
0x41: {  	_ =	shalt  }
0x42: {  	_ =	shalt  }
0x43: {  	_ =	shalt  }
0x44: {  	_ =	shalt  }
0x45: {  	_ =	shalt  }
0x46: {  	_ =	shalt  }
0x47: {  	_ =	shalt  }
0x48: {  	_ =	shalt  }
0x49: {  	_ =	shalt  }
0x4a: {  	_ =	shalt  }
0x4b: {  	_ =	shalt  }
0x4c: {  	_ =	shalt  }
0x4d: {  	_ =	shalt  }
0x4e: {  	_ =	shalt  }
0x4f: {  	_ =	shalt  }
0x50: {  	_ =	shalt  }
0x51: {  	_ =	shalt  }
0x52: {  	_ =	shalt  }
0x53: {  	_ =	shalt  }
0x54: {  	_ =	shalt  }
0x55: {  	_ =	shalt  }
0x56: {  	_ =	shalt  }
0x57: {  	_ =	shalt  }
0x58: {  	_ =	shalt  }
0x59: {  	_ =	shalt  }
0x5a: {  	_ =	shalt  }
0x5b: {  	_ =	shalt  }
0x5c: {  	_ =	shalt  }
0x5d: {  	_ =	shalt  }
0x5e: {  	_ =	shalt  }
0x5f: {  	_ =	shalt  }
0x60: {  	_ =	shalt  }
0x61: {  	_ =	shalt  }
0x62: {  	_ =	shalt  }
0x63: {  	_ =	shalt  }
0x64: {  	_ =	shalt  }
0x65: {  	_ =	shalt  }
0x66: {  	_ =	shalt  }
0x67: {  	_ =	shalt  }
0x68: {  	_ =	shalt  }
0x69: {  	_ =	shalt  }
0x6a: {  	_ =	shalt  }
0x6b: {  	_ =	shalt  }
0x6c: {  	_ =	shalt  }
0x6d: {  	_ =	shalt  }
0x6e: {  	_ =	shalt  }
0x6f: {  	_ =	shalt  }
0x70: {  	_ =	shalt  }
0x71: {  	_ =	shalt  }
0x72: {  	_ =	shalt  }
0x73: {  	_ =	shalt  }
0x74: {  	_ =	shalt  }
0x75: {  	_ =	shalt  }
0x76: {  	_ =	shalt  }
0x77: {  	_ =	shalt  }
0x78: {  	_ =	shalt  }
0x79: {  	_ =	shalt  }
0x7a: {  	_ =	shalt  }
0x7b: {  	_ =	shalt  }
0x7c: {  	_ =	shalt  }
0x7d: {  	_ =	shalt  }
0x7e: {  	_ =	shalt  }
0x7f: {  	_ =	shalt  }
0x80: {  	_ =	shalt  }
0x81: {  	_ =	shalt  }
0x82: {  	_ =	shalt  }
0x83: {  	_ =	shalt  }
0x84: {  	_ =	shalt  }
0x85: {  	_ =	shalt  }
0x86: {  	_ =	shalt  }
0x87: {  	_ =	shalt  }
.Lfunc_end0:
.L_simem_size_0:
called_computation_lowered:
.L_overlay_start_0:
0x88: {  	s2 =	sld [smem:$0x3FD9]  }
0x89: {  	s3 =	sld [smem:$0x3FFE];
	_ =	sdelay $0x1  }
0x8a: {  	s1 =	srdreg.scid  }
0x8b: {  	s0 =	sand.u32 $0x1, s1  }
0x8c: {  	s17 =	sshll.u32 s0, $0xA;
	s2 =	sadd.s32 s3, s2  }
0x8d: {  	s2 =	sadd.s32 s2, s17  }
0x8e: {  	[smem:$0x3FC6] =	sst s2  }
0x8f: {  	_ = 	snop  }
0x90: {  	s2 =	sld [smem:$0x3FD0];
	(tm) =	ssettm $0x1  }
0x91: {  	s18 =	sld [smem:$0x3FFB];
	_ =	sdelay $0x3  }
0x92: {  	_ =	strace s18  }
0x93: {  	s3 =	sld [smem:$0x3FFC];
	_ =	sdelay $0x3  }
0x94: {  	_ =	strace s3  }
0x95: {  	s3 =	sld [smem:$0x3FFD];
	_ =	sdelay $0x3  }
0x96: {  	_ =	strace s3  }
0x97: {  	_ =	strace $0x8FFFFFFF  }
0x98: {  	s19 =	sld [smem:$0x3FDB];
	_ =	sdelay $0x1  }
0x99: {  	s4 =	simm.s32 $_scs_section_size  }
0x9a: {  	s5 =	simm.s32 $_size__tile_overlayer_lowered;
	s6 =	simm.s32 $_tile_overlayer_lowered  }
0x9b: {  	s22 =	simm.s32 $0x1BFF;
	s21 =	sshll.u32 s6, $0x1;
	s3 =	sadd.s32 s4, s19  }
0x9c: {  	s7 =	simm.s32 $0x0;
	s20 =	sshll.u32 s5, $0x1;
	s5 =	sadd.s32 s21, s3  }
0x9d: {  	[timem:s7], [sflag:s22] =	dma.local [hbm:s5], s20  }
0x9e: {  	_ =	swait.ge [sflag:s22], s20  }
0x9f: {  	s4 =	ssub.s32 $0x0, s20;
	[sflag:s22] =	ssyncset.done $0x0  }
0xa0: {  	[sflag:s22] =	ssyncadd.s32 s4;
	_ =	sdelay $0x1  }
0xa1: {  	s23 =	simm.s32 $0x1B8B  }
0xa2: {  	_ =	swait.ge [sflag:s23], $0x1  }
0xa3: {  	[sflag:s23] =	ssyncset.done $0x0  }
0xa4: {  	s25 =	simm.s32 $0x1B8E;
	s24 =	sld [smem:$0x3FFE];
	[sflag:s23] =	ssyncadd.s32 $0xFFFFFFFF  }
0xa5: {  	s26 =	simm.s32 $execute0_lowered;
	[smem:$0x3FD2] =	sst s25  }
0xa6: {  	s5 =	sshll.u32 s26, $0x1;
	_ =	strace $0x80000046;
	[dreg:$0x1] =	wrdreg $0xFFFFFFFF  }
0xa7: {  	s28 =	simm.s32 $_size_execute0_lowered;
	s3 =	sadd.s32 s3, s5;
	[dreg:$0x0] =	wrdreg $0x0  }
0xa8: {  	s5 =	sshll.u32 s28, $0x1;
	[dreg:$0x2] =	wrdreg s3  }
0xa9: {  	[dreg:$0x3] =	wrdreg s5  }
0xaa: {  	[dreg:$0x4] =	wrdreg $0xC0  }
0xab: {  	_ =	task [dreg:s7], $0x5FFFF  }
0xac: {  	[dreg:$0x1] =	wrdreg $0xFFFFFFFF  }
0xad: {  	[dreg:$0x0] =	wrdreg $0x60  }
0xae: {  	[dreg:$0x2] =	wrdreg s2  }
0xaf: {  	[dreg:$0x3] =	wrdreg s24  }
0xb0: {  	[dreg:$0x4] =	wrdreg $0x9  }
0xb1: {  	_ =	task.clear_ibuf [dreg:s7], $0x5FFFF;
	_ =	strace $0x90000046  }
0xb2: {  	s29 =	simm.s32 $0x9;
	_ =	strace $0x80000048  }
0xb3: {  	_ =	swait.ge [sflag:s29], $0x1  }
0xb4: {  	[sflag:s29] =	ssyncadd.s32 $0xFFFFFFFF  }
0xb5: {  	_ =	strace $0x90000048  }
0xb6: {  	_ =	sfence  }
0xb7: {  	s30 =	sld [smem:$0x0];
	_ =	sdelay $0x2  }
0xb8: {  	s31 =	sshll.u32 s1, $0xD;
	s1 =	sshrl.u32 s1, $0x2  }
0xb9: {  	s3 =	sand.u32 $0x4000, s31;
	s1 =	sadd.s32 s1, s30  }
0xba: {  	s0 =	sor.u32 s3, s0;
	s1 =	sshll.u32 s1, $0x11  }
0xbb: {  	s0 =	sor.u32 s1, s0  }
0xbc: {  	s0 =	sadd.s32 $0x8F2B, s0  }
0xbd: {  	[sflag:s0] =	ssyncadd.remote.s32 $0x1  }
0xbe: {  	_ =	sfence.sel $0xFFFF  }
0xbf: {  	[dreg:$0x0] =	wrdreg $0xFFFFFFFF;
	(pc) =	sbr.abs _section_cstart, $3  }
0xc0: {  	[dreg:$0x1] =	wrdreg $0xFFFFFFFF  }
0xc1: {  	_ =	task.clear_ibuf [dreg:s7], $0x2FFFF;
	_ =	strace $0x9FFFFFFF  }
0xc2: {  	(tm) =	ssettm $0x7FFFFFFF  }
0xc3: {  	_ =	shalt  }
tec
execute0_lowered:
.L_overlay_start_1:
0x0: {  	(tag) =	ssettag $0x1  }
0x1: {  	s0 =	srdreg.scid;
	s1 =	stileid.u32  }
0x2: {  	s2 =	sand.u32 $0x1, s0;
	s7 =	sshll.u32 s1, $0x1  }
0x3: {  	s0 =	sor.u32 s2, s7  }
0x4: {  	s3 =	smul.u32 $0xC0000, s0;
	_ =	sdelay $0x1  }
0x5: {  	s0 =	smulhi.u32 $0xAAAAAB, s3;
	_ =	sdelay $0x1  }
0x6: {  	s0 =	sshrl.u32 s0, $0xE  }
0x7: {  	s5 =	rddreg [dreg:$0x1];
	s1 =	simm.s32 $0x0;
	s8 =	smul.u32 $0x600000, s0  }
0x8: {  	[smem:$0x7FF] =	sst s1  }
0x9: {  	s9 =	ssub.s32 $0x2, s2;
	s4 =	ssub.s32 s3, s8;
	s3 =	sshrl.u32 s3, $0x3  }
0xa: {  	s2 =	sadd.s32 $0xC0400, s5;
	s0 =	rddreg [dreg:$0x0];
	s11 =	sor.u32 $0xC00, s3  }
0xb: {  	s4 =	sshrl.u32 s4, $0x3;
	s12 =	sor.u32 $0x1800, s3;
	s6 =	sadd.s32 s0, s11  }
0xc: {  	s14 =	sor.u32 $0x2400, s3;
	s13 =	sadd.s32 s0, s12;
	[dreg:$0x3] =	wrdreg s6  }
0xd: {  	s7 =	sadd.s32 s4, s5;
	s4 =	sadd.s32 s2, s11;
	[dreg:$0x4] =	wrdreg s13  }
0xe: {  	s10 =	sshrl.u32 s9, $0x1;
	s15 =	sadd.s32 s0, s14;
	[dreg:$0x5] =	wrdreg s4  }
0xf: {  	s16 =	sor.u32 $0x3000, s3;
	s5 =	sadd.s32 s2, s12;
	[dreg:$0x6] =	wrdreg s15  }
0x10: {  	s18 =	sor.u32 $0x3C00, s3;
	s17 =	sadd.s32 s0, s16;
	[dreg:$0x7] =	wrdreg s5  }
0x11: {  	s20 =	sor.u32 $0x4800, s3;
	s19 =	sadd.s32 s0, s18;
	[dreg:$0x8] =	wrdreg s17  }
0x12: {  	s22 =	sor.u32 $0x5400, s3;
	s21 =	sadd.s32 s0, s20;
	[dreg:$0xa] =	wrdreg s19  }
0x13: {  	s24 =	sor.u32 $0x6000, s3;
	s23 =	sadd.s32 s0, s22;
	[dreg:$0xc] =	wrdreg s21  }
0x14: {  	s26 =	sor.u32 $0x6C00, s3;
	s25 =	sadd.s32 s0, s24;
	[dreg:$0xe] =	wrdreg s23  }
0x15: {  	s8 =	ssub.s32 s9, s10;
	s9 =	sadd.s32 s0, s26;
	[dreg:$0x10] =	wrdreg s25  }
0x16: {  	s10 =	sadd.s32 s2, s24;
	[dreg:$0x12] =	wrdreg s9  }
0x17: {  	s12 =	sadd.s32 s2, s26;
	[dreg:$0x13] =	wrdreg s10  }
0x18: {  	s6 =	sadd.s32 s2, s14;
	[dreg:$0x14] =	wrdreg s12  }
0x19: {  	s4 =	sadd.s32 s2, s16;
	[dreg:$0x9] =	wrdreg s6  }
0x1a: {  	s11 =	sor.u32 $0x7800, s3;
	s5 =	sadd.s32 s2, s18;
	[dreg:$0xb] =	wrdreg s4  }
0x1b: {  	s14 =	sadd.s32 s0, s11;
	[dreg:$0xd] =	wrdreg s5  }
0x1c: {  	s6 =	sadd.s32 s2, s20;
	[dreg:$0x15] =	wrdreg s14  }
0x1d: {  	s13 =	sadd.s32 $0x8400, s3;
	s4 =	sadd.s32 s2, s22;
	[dreg:$0xf] =	wrdreg s6  }
0x1e: {  	s15 =	sadd.s32 s0, s13;
	[dreg:$0x11] =	wrdreg s4  }
0x1f: {  	s17 =	sadd.s32 $0x9000, s3;
	s16 =	sadd.s32 s2, s13;
	[dreg:$0x17] =	wrdreg s15  }
0x20: {  	s18 =	sadd.s32 $0x9C00, s3;
	s19 =	sadd.s32 s0, s17;
	[dreg:$0x18] =	wrdreg s16  }
0x21: {  	s20 =	sadd.s32 s0, s18;
	[dreg:$0x19] =	wrdreg s19  }
0x22: {  	s23 =	sadd.s32 $0xB400, s3;
	s21 =	sadd.s32 s2, s18;
	[dreg:$0x1b] =	wrdreg s20  }
0x23: {  	s25 =	sadd.s32 s0, s23;
	[dreg:$0x1c] =	wrdreg s21  }
0x24: {  	s9 =	sadd.s32 $0xCC00, s3;
	s26 =	sadd.s32 s2, s23;
	[dreg:$0x1f] =	wrdreg s25  }
0x25: {  	s12 =	sadd.s32 s2, s9;
	[smem:$0x7CB] =	sst s26  }
0x26: {  	s22 =	sadd.s32 $0xA800, s3;
	s4 =	sadd.s32 s2, s11;
	[smem:$0x7CF] =	sst s12  }
0x27: {  	s5 =	sadd.s32 $0xC000, s3;
	s24 =	sadd.s32 s0, s22;
	[dreg:$0x16] =	wrdreg s4  }
0x28: {  	s10 =	sadd.s32 s0, s5;
	[dreg:$0x1d] =	wrdreg s24  }
0x29: {  	s13 =	sadd.s32 $0xD800, s3;
	s11 =	sadd.s32 s0, s9;
	[smem:$0x7CC] =	sst s10  }
0x2a: {  	s14 =	sadd.s32 $0xE400, s3;
	s15 =	sadd.s32 s0, s13;
	[smem:$0x7CE] =	sst s11  }
0x2b: {  	s18 =	sadd.s32 $0xF000, s3;
	s16 =	sadd.s32 s0, s14;
	[smem:$0x7D0] =	sst s15  }
0x2c: {  	s23 =	sadd.s32 $0x10800, s3;
	s20 =	sadd.s32 s0, s18;
	[smem:$0x7D2] =	sst s16  }
0x2d: {  	s25 =	sadd.s32 s0, s23;
	[smem:$0x7D4] =	sst s20  }
0x2e: {  	s4 =	sadd.s32 s2, s17;
	[smem:$0x7D8] =	sst s25  }
0x2f: {  	s19 =	sadd.s32 $0xFC00, s3;
	s17 =	sadd.s32 s2, s14;
	[dreg:$0x1a] =	wrdreg s4  }
0x30: {  	s9 =	sadd.s32 $0x12000, s3;
	s21 =	sadd.s32 s0, s19;
	[smem:$0x7D3] =	sst s17  }
0x31: {  	s11 =	sadd.s32 s0, s9;
	[smem:$0x7D6] =	sst s21  }
0x32: {  	s4 =	sadd.s32 s2, s22;
	[smem:$0x7DC] =	sst s11  }
0x33: {  	s24 =	sadd.s32 $0x11400, s3;
	s22 =	sadd.s32 s2, s19;
	[dreg:$0x1e] =	wrdreg s4  }
0x34: {  	s26 =	sadd.s32 s0, s24;
	[smem:$0x7D7] =	sst s22  }
0x35: {  	s10 =	sadd.s32 $0x12C00, s3;
	s6 =	sadd.s32 s2, s24;
	[smem:$0x7DA] =	sst s26  }
0x36: {  	s14 =	sadd.s32 $0x13800, s3;
	s12 =	sadd.s32 s0, s10;
	[smem:$0x7DB] =	sst s6  }
0x37: {  	s15 =	sadd.s32 $0x14400, s3;
	s16 =	sadd.s32 s0, s14;
	[smem:$0x7DE] =	sst s12  }
0x38: {  	s17 =	sadd.s32 s0, s15;
	[smem:$0x7E0] =	sst s16  }
0x39: {  	s24 =	sadd.s32 s0, s3;
	[smem:$0x7E2] =	sst s17  }
0x3a: {  	s19 =	sadd.s32 $0x15000, s3;
	s4 =	sadd.s32 s2, s5;
	[smem:$0x7E8] =	sst s24  }
0x3b: {  	s20 =	sadd.s32 $0x15C00, s3;
	s21 =	sadd.s32 s0, s19;
	[smem:$0x7CD] =	sst s4  }
0x3c: {  	s22 =	sadd.s32 s0, s20;
	[smem:$0x7E4] =	sst s21  }
0x3d: {  	s25 =	sadd.s32 $0x16800, s3;
	s26 =	sadd.s32 s2, s3;
	[smem:$0x7E6] =	sst s22  }
0x3e: {  	s6 =	sadd.s32 s0, s25;
	[smem:$0x7E9] =	sst s26  }
0x3f: {  	s4 =	sadd.s32 s2, s13;
	[smem:$0x7EA] =	sst s6  }
0x40: {  	s3 =	sadd.s32 $0x17400, s3;
	s13 =	sadd.s32 s2, s10;
	[smem:$0x7D1] =	sst s4  }
0x41: {  	s0 =	sadd.s32 s0, s3;
	[smem:$0x7DF] =	sst s13  }
0x42: {  	s10 =	sadd.s32 s2, s3;
	[smem:$0x7EB] =	sst s0  }
0x43: {  	s4 =	sadd.s32 s2, s18;
	[smem:$0x7ED] =	sst s10  }
0x44: {  	s18 =	sadd.s32 s2, s15;
	[smem:$0x7D5] =	sst s4  }
0x45: {  	s4 =	sadd.s32 s2, s23;
	[smem:$0x7E3] =	sst s18  }
0x46: {  	s23 =	sadd.s32 s2, s20;
	[smem:$0x7D9] =	sst s4  }
0x47: {  	s4 =	sadd.s32 s2, s9;
	[smem:$0x7E7] =	sst s23  }
0x48: {  	s9 =	sadd.s32 s2, s25;
	[smem:$0x7DD] =	sst s4  }
0x49: {  	s4 =	sadd.s32 s2, s14;
	[smem:$0x7EC] =	sst s9  }
0x4a: {  	[smem:$0x7E1] =	sst s4;
	s4 =	sadd.s32 s2, s19  }
0x4b: {  	s11 =	sadd.s32 $0x400, s7;
	[smem:$0x7E5] =	sst s4  }
0x4c: {  	s12 =	sadd.s32 $0x1000, s7;
	_ =	strace $0x80000047;
	[smem:$0x7EE] =	sst s11  }
0x4d: {  	s13 =	sadd.s32 $0x1C00, s7;
	[smem:$0x7EF] =	sst s12  }
0x4e: {  	s8 =	smax.u32 s8, $0x1;
	s14 =	sadd.s32 $0x2800, s7;
	[smem:$0x7F0] =	sst s13  }
0x4f: {  	s28 =	sadd.s32 $0x10000, s7;
	s15 =	sadd.s32 $0x3400, s7;
	[smem:$0x7F1] =	sst s14  }
0x50: {  	s29 =	sadd.s32 $0x10C00, s7;
	s16 =	sadd.s32 $0x4000, s7;
	[smem:$0x7F2] =	sst s15  }
0x51: {  	s30 =	sadd.s32 $0x11800, s7;
	s17 =	sadd.s32 $0x4C00, s7;
	[smem:$0x7F3] =	sst s16  }
0x52: {  	s31 =	sadd.s32 $0x12400, s7;
	s18 =	sadd.s32 $0x5800, s7;
	[smem:$0x7F4] =	sst s17  }
0x53: {  	s24 =	sadd.s32 $0xA000, s7;
	s19 =	sadd.s32 $0x6400, s7;
	[smem:$0x7F5] =	sst s18  }
0x54: {  	s5 =	sadd.s32 $0x16000, s7;
	s20 =	sadd.s32 $0x7000, s7;
	[smem:$0x7F6] =	sst s19  }
0x55: {  	s21 =	sadd.s32 $0x7C00, s7;
	s22 =	sadd.s32 $0x8800, s7;
	[smem:$0x7F7] =	sst s20  }
0x56: {  	s26 =	sadd.s32 $0xB800, s7;
	s3 =	sadd.s32 $0x14800, s7;
	[smem:$0x7F8] =	sst s21  }
0x57: {  	s6 =	sadd.s32 $0x16C00, s7;
	s23 =	sadd.s32 $0x9400, s7;
	[smem:$0x7F9] =	sst s22  }
0x58: {  	s0 =	sadd.s32 $0x13000, s7;
	s10 =	simm.s32 $0x6000;
	[smem:$0x7FA] =	sst s23  }
0x59: {  	s25 =	sadd.s32 $0xAC00, s7;
	s9 =	simm.s32 $0xC000;
	[smem:$0x7FB] =	sst s24  }
0x5a: {  	s2 =	sadd.s32 $0x13C00, s7;
	s4 =	sadd.s32 $0x15400, s7;
	[smem:$0x7FC] =	sst s25  }
0x5b: {  	[smem:$0x7FD] =	sst s26;
	s22 =	sadd.s32 $0xC400, s7;
	s23 =	sadd.s32 $0xD000, s7  }
0x5c: {  	s24 =	sadd.s32 $0xDC00, s7;
	s25 =	sadd.s32 $0xE800, s7;
	s26 =	sadd.s32 $0xF400, s7  }
0x5d: {  	s7 =	sadd.s32 $0x17800, s7;
	s11 =	simm.s32 $0x12000;
	s12 =	simm.s32 $0x1  }
0x5e: {  	s13 =	simm.s32 $0x3;
	s14 =	simm.s32 $0x5;
	s15 =	simm.s32 $0x2  }
0x5f: {  	s16 =	simm.s32 $0x4;
	s17 =	simm.s32 $0x6;
	s18 =	simm.s32 $0x0  }
.LBB2_1:
0x60: {  	s19 =	sld [smem:$0x7E8];
	_ =	sdelay $0x1  }
0x61: {  	s21 =	sld [smem:$0x7EE]  }
0x62: {  	[tilespmem:s1], [sflag:$0x1] =	stream.linear.gather [hbm4b:s19+s1], $0x6000, $0x38;
	[tilespmem:$0x18000] =	vst v63  }
0x63: {  	s20 =	rddreg [dreg:$0x3]  }
0x64: {  	[tilespmem:s9], [sflag:$0x3] =	stream.linear.gather [hbm4b:s21+s1], $0x6000, $0x38;
	[tilespmem:$0x18000] =	vst v63  }
0x65: {  	s21 =	sld [smem:$0x7EF]  }
0x66: {  	[tilespmem:s10], [sflag:$0x2] =	stream.linear.gather [hbm4b:s20+s1], $0x6000, $0x38;
	[tilespmem:$0x18000] =	vst v63  }
0x67: {  	_ = 	snop  }
0x68: {  	[tilespmem:s11], [sflag:$0x4] =	stream.linear.gather [hbm4b:s21+s1], $0x6000, $0x38;
	[tilespmem:$0x18000] =	vst v63  }
0x69: {  	_ =	swait.ge [sflag:s12], $0x6000  }
0x6a: {  	[sflag:s12] =	ssyncset.done $0x0  }
0x6b: {  	[sflag:s12] =	ssyncadd.s32 $0xFFFFA000  }
0x6c: {  	_ =	swait.ge [sflag:s13], $0x6000  }
0x6d: {  	[sflag:s13] =	ssyncset.done $0x0  }
0x6e: {  	s19 =	simm.s32 $0x0;
	[sflag:s13] =	ssyncadd.s32 $0xFFFFA000  }
0x6f: {  	v0 =	vld [tilespmem:s19+$0xC070]  }
0x70: {  	v1 =	vld [tilespmem:s19+$0xC000]  }
0x71: {  	v2 =	vld [tilespmem:s19+$0xC010]  }
0x72: {  	v3 =	vld [tilespmem:s19+$0xC020]  }
0x73: {  	v4 =	vld [tilespmem:s19+$0xC030]  }
0x74: {  	v5 =	vld [tilespmem:s19+$0xC040]  }
0x75: {  	v6 =	vld [tilespmem:s19+$0xC050]  }
0x76: {  	[tilespmem:s19+$0x70] =	vst.add.f32.msk $0xffff, v0  }
0x77: {  	v0 =	vld [tilespmem:s19+$0xC060]  }
0x78: {  	[tilespmem:s19+$0x0] =	vst.add.f32.msk $0xffff, v1  }
0x79: {  	[tilespmem:s19+$0x10] =	vst.add.f32.msk $0xffff, v2  }
0x7a: {  	[tilespmem:s19+$0x20] =	vst.add.f32.msk $0xffff, v3  }
0x7b: {  	[tilespmem:s19+$0x30] =	vst.add.f32.msk $0xffff, v4  }
0x7c: {  	[tilespmem:s19+$0x40] =	vst.add.f32.msk $0xffff, v5  }
0x7d: {  	s20 =	simm.s32 $0x0;
	s21 =	simm.s32 $0x200;
	[tilespmem:s19+$0x50] =	vst.add.f32.msk $0xffff, v6  }
.LBB2_2:
0x7e: {  	s20 =	sadd.s32 $0x80, s20;
	[tilespmem:s19+$0x60] =	vst.add.f32.msk $0xffff, v0;
	s19 =	sshra.s32 s21, $0x2  }
0x7f: {  	v0 =	vld [tilespmem:s19+$0xC070];
	p0 =	slt.u32 s20, $0x5F80  }
0x80: {  	v1 =	vld [tilespmem:s19+$0xC000]  }
0x81: {  	v2 =	vld [tilespmem:s19+$0xC010]  }
0x82: {  	v3 =	vld [tilespmem:s19+$0xC020]  }
0x83: {  	v4 =	vld [tilespmem:s19+$0xC030]  }
0x84: {  	[tilespmem:s19+$0x70] =	vst.add.f32.msk $0xffff, v0  }
0x85: {  	v5 =	vld [tilespmem:s19+$0xC040]  }
0x86: {  	v6 =	vld [tilespmem:s19+$0xC050]  }
0x87: {  	v0 =	vld [tilespmem:s19+$0xC060]  }
0x88: {  	[tilespmem:s19+$0x0] =	vst.add.f32.msk $0xffff, v1  }
.Ltmp0:
0x89: {  	[tilespmem:s19+$0x10] =	vst.add.f32.msk $0xffff, v2;
	(pc) =	sbr.rel @p0 .LBB2_2-.Ltmp0, $4  }
0x8a: {  	[tilespmem:s19+$0x20] =	vst.add.f32.msk $0xffff, v3  }
0x8b: {  	[tilespmem:s19+$0x30] =	vst.add.f32.msk $0xffff, v4  }
0x8c: {  	[tilespmem:s19+$0x40] =	vst.add.f32.msk $0xffff, v5  }
0x8d: {  	s21 =	sadd.s32 $0x200, s21;
	[tilespmem:s19+$0x50] =	vst.add.f32.msk $0xffff, v6  }
0x8e: {  	[tilespmem:s19+$0x60] =	vst.add.f32.msk $0xffff, v0  }
0x8f: {  	s20 =	sld [smem:$0x7E9];
	_ =	sdelay $0x1  }
0x90: {  	s19 =	simm.s32 $0x0  }
0x91: {  	[hbm4b:s20+s19] =	stream.linear.scatter [tilespmem:s19], [sflag:$0x5], $0x6000, $0x38;
	[tilespmem:$0x18000] =	vst v63  }
0x92: {  	_ =	swait.ge [sflag:s14], $0x6000  }
0x93: {  	[sflag:s14] =	ssyncset.done $0x0  }
0x94: {  	s21 =	rddreg [dreg:$0x4];
	[sflag:s14] =	ssyncadd.s32 $0xFFFFA000  }
0x95: {  	[tilespmem:s19], [sflag:$0x1] =	stream.linear.gather [hbm4b:s21+s19], $0x6000, $0x38;
	[tilespmem:$0x18000] =	vst v63  }
0x96: {  	s21 =	sld [smem:$0x7F0];
	_ =	sdelay $0x2  }
0x97: {  	[tilespmem:s9], [sflag:$0x3] =	stream.linear.gather [hbm4b:s21+s19], $0x6000, $0x38;
	[tilespmem:$0x18000] =	vst v63  }
0x98: {  	_ =	swait.ge [sflag:s15], $0x6000  }
0x99: {  	[sflag:s15] =	ssyncset.done $0x0  }
0x9a: {  	[sflag:s15] =	ssyncadd.s32 $0xFFFFA000  }
0x9b: {  	_ =	swait.ge [sflag:s16], $0x6000  }
0x9c: {  	[sflag:s16] =	ssyncset.done $0x0  }
0x9d: {  	s19 =	simm.s32 $0x0;
	[sflag:s16] =	ssyncadd.s32 $0xFFFFA000  }
0x9e: {  	v0 =	vld [tilespmem:s19+$0x12070]  }
0x9f: {  	v1 =	vld [tilespmem:s19+$0x12000]  }
0xa0: {  	v2 =	vld [tilespmem:s19+$0x12010]  }
0xa1: {  	v3 =	vld [tilespmem:s19+$0x12020]  }
0xa2: {  	v4 =	vld [tilespmem:s19+$0x12030]  }
0xa3: {  	v5 =	vld [tilespmem:s19+$0x12040]  }
0xa4: {  	v6 =	vld [tilespmem:s19+$0x12050]  }
0xa5: {  	[tilespmem:s19+$0x6070] =	vst.add.f32.msk $0xffff, v0  }
0xa6: {  	v0 =	vld [tilespmem:s19+$0x12060]  }
0xa7: {  	[tilespmem:s19+$0x6000] =	vst.add.f32.msk $0xffff, v1  }
0xa8: {  	[tilespmem:s19+$0x6010] =	vst.add.f32.msk $0xffff, v2  }
0xa9: {  	[tilespmem:s19+$0x6020] =	vst.add.f32.msk $0xffff, v3  }
0xaa: {  	[tilespmem:s19+$0x6030] =	vst.add.f32.msk $0xffff, v4  }
0xab: {  	[tilespmem:s19+$0x6040] =	vst.add.f32.msk $0xffff, v5  }
0xac: {  	s20 =	simm.s32 $0x0;
	s21 =	simm.s32 $0x200;
	[tilespmem:s19+$0x6050] =	vst.add.f32.msk $0xffff, v6  }
.LBB2_4:
0xad: {  	s20 =	sadd.s32 $0x80, s20;
	[tilespmem:s19+$0x6060] =	vst.add.f32.msk $0xffff, v0;
	s19 =	sshra.s32 s21, $0x2  }
0xae: {  	v0 =	vld [tilespmem:s19+$0x12070];
	p0 =	slt.u32 s20, $0x5F80  }
0xaf: {  	v1 =	vld [tilespmem:s19+$0x12000]  }
0xb0: {  	v2 =	vld [tilespmem:s19+$0x12010]  }
0xb1: {  	v3 =	vld [tilespmem:s19+$0x12020]  }
0xb2: {  	v4 =	vld [tilespmem:s19+$0x12030]  }
0xb3: {  	[tilespmem:s19+$0x6070] =	vst.add.f32.msk $0xffff, v0  }
0xb4: {  	v5 =	vld [tilespmem:s19+$0x12040]  }
0xb5: {  	v6 =	vld [tilespmem:s19+$0x12050]  }
0xb6: {  	v0 =	vld [tilespmem:s19+$0x12060]  }
0xb7: {  	[tilespmem:s19+$0x6000] =	vst.add.f32.msk $0xffff, v1  }
.Ltmp1:
0xb8: {  	[tilespmem:s19+$0x6010] =	vst.add.f32.msk $0xffff, v2;
	(pc) =	sbr.rel @p0 .LBB2_4-.Ltmp1, $4  }
0xb9: {  	[tilespmem:s19+$0x6020] =	vst.add.f32.msk $0xffff, v3  }
0xba: {  	[tilespmem:s19+$0x6030] =	vst.add.f32.msk $0xffff, v4  }
0xbb: {  	[tilespmem:s19+$0x6040] =	vst.add.f32.msk $0xffff, v5  }
0xbc: {  	s21 =	sadd.s32 $0x200, s21;
	[tilespmem:s19+$0x6050] =	vst.add.f32.msk $0xffff, v6  }
0xbd: {  	[tilespmem:s19+$0x6060] =	vst.add.f32.msk $0xffff, v0  }
0xbe: {  	s19 =	simm.s32 $0x0;
	s20 =	rddreg [dreg:$0x5]  }
0xbf: {  	[hbm4b:s20+s19] =	stream.linear.scatter [tilespmem:s10], [sflag:$0x6], $0x6000, $0x38;
	[tilespmem:$0x18000] =	vst v63  }
0xc0: {  	_ =	swait.ge [sflag:s17], $0x6000  }
0xc1: {  	[sflag:s17] =	ssyncset.done $0x0  }
0xc2: {  	s21 =	rddreg [dreg:$0x6];
	[sflag:s17] =	ssyncadd.s32 $0xFFFFA000  }
0xc3: {  	[tilespmem:s10], [sflag:$0x2] =	stream.linear.gather [hbm4b:s21+s19], $0x6000, $0x38;
	[tilespmem:$0x18000] =	vst v63  }
0xc4: {  	s21 =	sld [smem:$0x7F1];
	_ =	sdelay $0x2  }
0xc5: {  	[tilespmem:s11], [sflag:$0x4] =	stream.linear.gather [hbm4b:s21+s19], $0x6000, $0x38;
	[tilespmem:$0x18000] =	vst v63  }
0xc6: {  	_ =	swait.ge [sflag:s12], $0x6000  }
0xc7: {  	[sflag:s12] =	ssyncset.done $0x0  }
0xc8: {  	[sflag:s12] =	ssyncadd.s32 $0xFFFFA000  }
0xc9: {  	_ =	swait.ge [sflag:s13], $0x6000  }
0xca: {  	[sflag:s13] =	ssyncset.done $0x0  }
0xcb: {  	s19 =	simm.s32 $0x0;
	[sflag:s13] =	ssyncadd.s32 $0xFFFFA000  }
0xcc: {  	v0 =	vld [tilespmem:s19+$0xC070]  }
0xcd: {  	v1 =	vld [tilespmem:s19+$0xC000]  }
0xce: {  	v2 =	vld [tilespmem:s19+$0xC010]  }
0xcf: {  	v3 =	vld [tilespmem:s19+$0xC020]  }
0xd0: {  	v4 =	vld [tilespmem:s19+$0xC030]  }
0xd1: {  	v5 =	vld [tilespmem:s19+$0xC040]  }
0xd2: {  	v6 =	vld [tilespmem:s19+$0xC050]  }
0xd3: {  	[tilespmem:s19+$0x70] =	vst.add.f32.msk $0xffff, v0  }
0xd4: {  	v0 =	vld [tilespmem:s19+$0xC060]  }
0xd5: {  	[tilespmem:s19+$0x0] =	vst.add.f32.msk $0xffff, v1  }
0xd6: {  	[tilespmem:s19+$0x10] =	vst.add.f32.msk $0xffff, v2  }
0xd7: {  	[tilespmem:s19+$0x20] =	vst.add.f32.msk $0xffff, v3  }
0xd8: {  	[tilespmem:s19+$0x30] =	vst.add.f32.msk $0xffff, v4  }
0xd9: {  	[tilespmem:s19+$0x40] =	vst.add.f32.msk $0xffff, v5  }
0xda: {  	s20 =	simm.s32 $0x0;
	s21 =	simm.s32 $0x200;
	[tilespmem:s19+$0x50] =	vst.add.f32.msk $0xffff, v6  }
.LBB2_6:
0xdb: {  	s20 =	sadd.s32 $0x80, s20;
	[tilespmem:s19+$0x60] =	vst.add.f32.msk $0xffff, v0;
	s19 =	sshra.s32 s21, $0x2  }
0xdc: {  	v0 =	vld [tilespmem:s19+$0xC070];
	p0 =	slt.u32 s20, $0x5F80  }
0xdd: {  	v1 =	vld [tilespmem:s19+$0xC000]  }
0xde: {  	v2 =	vld [tilespmem:s19+$0xC010]  }
0xdf: {  	v3 =	vld [tilespmem:s19+$0xC020]  }
0xe0: {  	v4 =	vld [tilespmem:s19+$0xC030]  }
0xe1: {  	[tilespmem:s19+$0x70] =	vst.add.f32.msk $0xffff, v0  }
0xe2: {  	v5 =	vld [tilespmem:s19+$0xC040]  }
0xe3: {  	v6 =	vld [tilespmem:s19+$0xC050]  }
0xe4: {  	v0 =	vld [tilespmem:s19+$0xC060]  }
0xe5: {  	[tilespmem:s19+$0x0] =	vst.add.f32.msk $0xffff, v1  }
.Ltmp2:
0xe6: {  	[tilespmem:s19+$0x10] =	vst.add.f32.msk $0xffff, v2;
	(pc) =	sbr.rel @p0 .LBB2_6-.Ltmp2, $4  }
0xe7: {  	[tilespmem:s19+$0x20] =	vst.add.f32.msk $0xffff, v3  }
0xe8: {  	[tilespmem:s19+$0x30] =	vst.add.f32.msk $0xffff, v4  }
0xe9: {  	[tilespmem:s19+$0x40] =	vst.add.f32.msk $0xffff, v5  }
0xea: {  	s21 =	sadd.s32 $0x200, s21;
	[tilespmem:s19+$0x50] =	vst.add.f32.msk $0xffff, v6  }
0xeb: {  	[tilespmem:s19+$0x60] =	vst.add.f32.msk $0xffff, v0  }
0xec: {  	s19 =	simm.s32 $0x0;
	s20 =	rddreg [dreg:$0x7]  }
0xed: {  	[hbm4b:s20+s19] =	stream.linear.scatter [tilespmem:s19], [sflag:$0x5], $0x6000, $0x38;
	[tilespmem:$0x18000] =	vst v63  }
0xee: {  	_ =	swait.ge [sflag:s14], $0x6000  }
0xef: {  	[sflag:s14] =	ssyncset.done $0x0  }
0xf0: {  	s21 =	rddreg [dreg:$0x8];
	[sflag:s14] =	ssyncadd.s32 $0xFFFFA000  }
0xf1: {  	[tilespmem:s19], [sflag:$0x1] =	stream.linear.gather [hbm4b:s21+s19], $0x6000, $0x38;
	[tilespmem:$0x18000] =	vst v63  }
0xf2: {  	s21 =	sld [smem:$0x7F2];
	_ =	sdelay $0x2  }
0xf3: {  	[tilespmem:s9], [sflag:$0x3] =	stream.linear.gather [hbm4b:s21+s19], $0x6000, $0x38;
	[tilespmem:$0x18000] =	vst v63  }
0xf4: {  	_ =	swait.ge [sflag:s15], $0x6000  }
0xf5: {  	[sflag:s15] =	ssyncset.done $0x0  }
0xf6: {  	[sflag:s15] =	ssyncadd.s32 $0xFFFFA000  }
0xf7: {  	_ =	swait.ge [sflag:s16], $0x6000  }
0xf8: {  	[sflag:s16] =	ssyncset.done $0x0  }
0xf9: {  	s19 =	simm.s32 $0x0;
	[sflag:s16] =	ssyncadd.s32 $0xFFFFA000  }
0xfa: {  	v0 =	vld [tilespmem:s19+$0x12070]  }
0xfb: {  	v1 =	vld [tilespmem:s19+$0x12000]  }
0xfc: {  	v2 =	vld [tilespmem:s19+$0x12010]  }
0xfd: {  	v3 =	vld [tilespmem:s19+$0x12020]  }
0xfe: {  	v4 =	vld [tilespmem:s19+$0x12030]  }
0xff: {  	v5 =	vld [tilespmem:s19+$0x12040]  }
0x100: {  	v6 =	vld [tilespmem:s19+$0x12050]  }
0x101: {  	[tilespmem:s19+$0x6070] =	vst.add.f32.msk $0xffff, v0  }
0x102: {  	v0 =	vld [tilespmem:s19+$0x12060]  }
0x103: {  	[tilespmem:s19+$0x6000] =	vst.add.f32.msk $0xffff, v1  }
0x104: {  	[tilespmem:s19+$0x6010] =	vst.add.f32.msk $0xffff, v2  }
0x105: {  	[tilespmem:s19+$0x6020] =	vst.add.f32.msk $0xffff, v3  }
0x106: {  	[tilespmem:s19+$0x6030] =	vst.add.f32.msk $0xffff, v4  }
0x107: {  	[tilespmem:s19+$0x6040] =	vst.add.f32.msk $0xffff, v5  }
0x108: {  	s20 =	simm.s32 $0x0;
	s21 =	simm.s32 $0x200;
	[tilespmem:s19+$0x6050] =	vst.add.f32.msk $0xffff, v6  }
.LBB2_8:
0x109: {  	s20 =	sadd.s32 $0x80, s20;
	[tilespmem:s19+$0x6060] =	vst.add.f32.msk $0xffff, v0;
	s19 =	sshra.s32 s21, $0x2  }
0x10a: {  	v0 =	vld [tilespmem:s19+$0x12070];
	p0 =	slt.u32 s20, $0x5F80  }
0x10b: {  	v1 =	vld [tilespmem:s19+$0x12000]  }
0x10c: {  	v2 =	vld [tilespmem:s19+$0x12010]  }
0x10d: {  	v3 =	vld [tilespmem:s19+$0x12020]  }
0x10e: {  	v4 =	vld [tilespmem:s19+$0x12030]  }
0x10f: {  	[tilespmem:s19+$0x6070] =	vst.add.f32.msk $0xffff, v0  }
0x110: {  	v5 =	vld [tilespmem:s19+$0x12040]  }
0x111: {  	v6 =	vld [tilespmem:s19+$0x12050]  }
0x112: {  	v0 =	vld [tilespmem:s19+$0x12060]  }
0x113: {  	[tilespmem:s19+$0x6000] =	vst.add.f32.msk $0xffff, v1  }
.Ltmp3:
0x114: {  	[tilespmem:s19+$0x6010] =	vst.add.f32.msk $0xffff, v2;
	(pc) =	sbr.rel @p0 .LBB2_8-.Ltmp3, $4  }
0x115: {  	[tilespmem:s19+$0x6020] =	vst.add.f32.msk $0xffff, v3  }
0x116: {  	[tilespmem:s19+$0x6030] =	vst.add.f32.msk $0xffff, v4  }
0x117: {  	[tilespmem:s19+$0x6040] =	vst.add.f32.msk $0xffff, v5  }
0x118: {  	s21 =	sadd.s32 $0x200, s21;
	[tilespmem:s19+$0x6050] =	vst.add.f32.msk $0xffff, v6  }
0x119: {  	[tilespmem:s19+$0x6060] =	vst.add.f32.msk $0xffff, v0  }
0x11a: {  	s19 =	simm.s32 $0x0;
	s20 =	rddreg [dreg:$0x9]  }
0x11b: {  	[hbm4b:s20+s19] =	stream.linear.scatter [tilespmem:s10], [sflag:$0x6], $0x6000, $0x38;
	[tilespmem:$0x18000] =	vst v63  }
0x11c: {  	_ =	swait.ge [sflag:s17], $0x6000  }
0x11d: {  	[sflag:s17] =	ssyncset.done $0x0  }
0x11e: {  	s21 =	rddreg [dreg:$0xa];
	[sflag:s17] =	ssyncadd.s32 $0xFFFFA000  }
0x11f: {  	[tilespmem:s10], [sflag:$0x2] =	stream.linear.gather [hbm4b:s21+s19], $0x6000, $0x38;
	[tilespmem:$0x18000] =	vst v63  }
0x120: {  	s21 =	sld [smem:$0x7F3];
	_ =	sdelay $0x2  }
0x121: {  	[tilespmem:s11], [sflag:$0x4] =	stream.linear.gather [hbm4b:s21+s19], $0x6000, $0x38;
	[tilespmem:$0x18000] =	vst v63  }
0x122: {  	_ =	swait.ge [sflag:s12], $0x6000  }
0x123: {  	[sflag:s12] =	ssyncset.done $0x0  }
0x124: {  	[sflag:s12] =	ssyncadd.s32 $0xFFFFA000  }
0x125: {  	_ =	swait.ge [sflag:s13], $0x6000  }
0x126: {  	[sflag:s13] =	ssyncset.done $0x0  }
0x127: {  	s19 =	simm.s32 $0x0;
	[sflag:s13] =	ssyncadd.s32 $0xFFFFA000  }
0x128: {  	v0 =	vld [tilespmem:s19+$0xC070]  }
0x129: {  	v1 =	vld [tilespmem:s19+$0xC000]  }
0x12a: {  	v2 =	vld [tilespmem:s19+$0xC010]  }
0x12b: {  	v3 =	vld [tilespmem:s19+$0xC020]  }
0x12c: {  	v4 =	vld [tilespmem:s19+$0xC030]  }
0x12d: {  	v5 =	vld [tilespmem:s19+$0xC040]  }
0x12e: {  	v6 =	vld [tilespmem:s19+$0xC050]  }
0x12f: {  	[tilespmem:s19+$0x70] =	vst.add.f32.msk $0xffff, v0  }
0x130: {  	v0 =	vld [tilespmem:s19+$0xC060]  }
0x131: {  	[tilespmem:s19+$0x0] =	vst.add.f32.msk $0xffff, v1  }
0x132: {  	[tilespmem:s19+$0x10] =	vst.add.f32.msk $0xffff, v2  }
0x133: {  	[tilespmem:s19+$0x20] =	vst.add.f32.msk $0xffff, v3  }
0x134: {  	[tilespmem:s19+$0x30] =	vst.add.f32.msk $0xffff, v4  }
0x135: {  	[tilespmem:s19+$0x40] =	vst.add.f32.msk $0xffff, v5  }
0x136: {  	s20 =	simm.s32 $0x0;
	s21 =	simm.s32 $0x200;
	[tilespmem:s19+$0x50] =	vst.add.f32.msk $0xffff, v6  }
.LBB2_10:
0x137: {  	s20 =	sadd.s32 $0x80, s20;
	[tilespmem:s19+$0x60] =	vst.add.f32.msk $0xffff, v0;
	s19 =	sshra.s32 s21, $0x2  }
0x138: {  	v0 =	vld [tilespmem:s19+$0xC070];
	p0 =	slt.u32 s20, $0x5F80  }
0x139: {  	v1 =	vld [tilespmem:s19+$0xC000]  }
0x13a: {  	v2 =	vld [tilespmem:s19+$0xC010]  }
0x13b: {  	v3 =	vld [tilespmem:s19+$0xC020]  }
0x13c: {  	v4 =	vld [tilespmem:s19+$0xC030]  }
0x13d: {  	[tilespmem:s19+$0x70] =	vst.add.f32.msk $0xffff, v0  }
0x13e: {  	v5 =	vld [tilespmem:s19+$0xC040]  }
0x13f: {  	v6 =	vld [tilespmem:s19+$0xC050]  }
0x140: {  	v0 =	vld [tilespmem:s19+$0xC060]  }
0x141: {  	[tilespmem:s19+$0x0] =	vst.add.f32.msk $0xffff, v1  }
.Ltmp4:
0x142: {  	[tilespmem:s19+$0x10] =	vst.add.f32.msk $0xffff, v2;
	(pc) =	sbr.rel @p0 .LBB2_10-.Ltmp4, $4  }
0x143: {  	[tilespmem:s19+$0x20] =	vst.add.f32.msk $0xffff, v3  }
0x144: {  	[tilespmem:s19+$0x30] =	vst.add.f32.msk $0xffff, v4  }
0x145: {  	[tilespmem:s19+$0x40] =	vst.add.f32.msk $0xffff, v5  }
0x146: {  	s21 =	sadd.s32 $0x200, s21;
	[tilespmem:s19+$0x50] =	vst.add.f32.msk $0xffff, v6  }
0x147: {  	[tilespmem:s19+$0x60] =	vst.add.f32.msk $0xffff, v0  }
0x148: {  	s19 =	simm.s32 $0x0;
	s20 =	rddreg [dreg:$0xb]  }
0x149: {  	[hbm4b:s20+s19] =	stream.linear.scatter [tilespmem:s19], [sflag:$0x5], $0x6000, $0x38;
	[tilespmem:$0x18000] =	vst v63  }
0x14a: {  	_ =	swait.ge [sflag:s14], $0x6000  }
0x14b: {  	[sflag:s14] =	ssyncset.done $0x0  }
0x14c: {  	s21 =	rddreg [dreg:$0xc];
	[sflag:s14] =	ssyncadd.s32 $0xFFFFA000  }
0x14d: {  	[tilespmem:s19], [sflag:$0x1] =	stream.linear.gather [hbm4b:s21+s19], $0x6000, $0x38;
	[tilespmem:$0x18000] =	vst v63  }
0x14e: {  	s21 =	sld [smem:$0x7F4];
	_ =	sdelay $0x2  }
0x14f: {  	[tilespmem:s9], [sflag:$0x3] =	stream.linear.gather [hbm4b:s21+s19], $0x6000, $0x38;
	[tilespmem:$0x18000] =	vst v63  }
0x150: {  	_ =	swait.ge [sflag:s15], $0x6000  }
0x151: {  	[sflag:s15] =	ssyncset.done $0x0  }
0x152: {  	[sflag:s15] =	ssyncadd.s32 $0xFFFFA000  }
0x153: {  	_ =	swait.ge [sflag:s16], $0x6000  }
0x154: {  	[sflag:s16] =	ssyncset.done $0x0  }
0x155: {  	s19 =	simm.s32 $0x0;
	[sflag:s16] =	ssyncadd.s32 $0xFFFFA000  }
0x156: {  	v0 =	vld [tilespmem:s19+$0x12070]  }
0x157: {  	v1 =	vld [tilespmem:s19+$0x12000]  }
0x158: {  	v2 =	vld [tilespmem:s19+$0x12010]  }
0x159: {  	v3 =	vld [tilespmem:s19+$0x12020]  }
0x15a: {  	v4 =	vld [tilespmem:s19+$0x12030]  }
0x15b: {  	v5 =	vld [tilespmem:s19+$0x12040]  }
0x15c: {  	v6 =	vld [tilespmem:s19+$0x12050]  }
0x15d: {  	[tilespmem:s19+$0x6070] =	vst.add.f32.msk $0xffff, v0  }
0x15e: {  	v0 =	vld [tilespmem:s19+$0x12060]  }
0x15f: {  	[tilespmem:s19+$0x6000] =	vst.add.f32.msk $0xffff, v1  }
0x160: {  	[tilespmem:s19+$0x6010] =	vst.add.f32.msk $0xffff, v2  }
0x161: {  	[tilespmem:s19+$0x6020] =	vst.add.f32.msk $0xffff, v3  }
0x162: {  	[tilespmem:s19+$0x6030] =	vst.add.f32.msk $0xffff, v4  }
0x163: {  	[tilespmem:s19+$0x6040] =	vst.add.f32.msk $0xffff, v5  }
0x164: {  	s20 =	simm.s32 $0x0;
	s21 =	simm.s32 $0x200;
	[tilespmem:s19+$0x6050] =	vst.add.f32.msk $0xffff, v6  }
.LBB2_12:
0x165: {  	s20 =	sadd.s32 $0x80, s20;
	[tilespmem:s19+$0x6060] =	vst.add.f32.msk $0xffff, v0;
	s19 =	sshra.s32 s21, $0x2  }
0x166: {  	v0 =	vld [tilespmem:s19+$0x12070];
	p0 =	slt.u32 s20, $0x5F80  }
0x167: {  	v1 =	vld [tilespmem:s19+$0x12000]  }
0x168: {  	v2 =	vld [tilespmem:s19+$0x12010]  }
0x169: {  	v3 =	vld [tilespmem:s19+$0x12020]  }
0x16a: {  	v4 =	vld [tilespmem:s19+$0x12030]  }
0x16b: {  	[tilespmem:s19+$0x6070] =	vst.add.f32.msk $0xffff, v0  }
0x16c: {  	v5 =	vld [tilespmem:s19+$0x12040]  }
0x16d: {  	v6 =	vld [tilespmem:s19+$0x12050]  }
0x16e: {  	v0 =	vld [tilespmem:s19+$0x12060]  }
0x16f: {  	[tilespmem:s19+$0x6000] =	vst.add.f32.msk $0xffff, v1  }
.Ltmp5:
0x170: {  	[tilespmem:s19+$0x6010] =	vst.add.f32.msk $0xffff, v2;
	(pc) =	sbr.rel @p0 .LBB2_12-.Ltmp5, $4  }
0x171: {  	[tilespmem:s19+$0x6020] =	vst.add.f32.msk $0xffff, v3  }
0x172: {  	[tilespmem:s19+$0x6030] =	vst.add.f32.msk $0xffff, v4  }
0x173: {  	[tilespmem:s19+$0x6040] =	vst.add.f32.msk $0xffff, v5  }
0x174: {  	s21 =	sadd.s32 $0x200, s21;
	[tilespmem:s19+$0x6050] =	vst.add.f32.msk $0xffff, v6  }
0x175: {  	[tilespmem:s19+$0x6060] =	vst.add.f32.msk $0xffff, v0  }
0x176: {  	s19 =	simm.s32 $0x0;
	s20 =	rddreg [dreg:$0xd]  }
0x177: {  	[hbm4b:s20+s19] =	stream.linear.scatter [tilespmem:s10], [sflag:$0x6], $0x6000, $0x38;
	[tilespmem:$0x18000] =	vst v63  }
0x178: {  	_ =	swait.ge [sflag:s17], $0x6000  }
0x179: {  	[sflag:s17] =	ssyncset.done $0x0  }
0x17a: {  	s21 =	rddreg [dreg:$0xe];
	[sflag:s17] =	ssyncadd.s32 $0xFFFFA000  }
0x17b: {  	[tilespmem:s10], [sflag:$0x2] =	stream.linear.gather [hbm4b:s21+s19], $0x6000, $0x38;
	[tilespmem:$0x18000] =	vst v63  }
0x17c: {  	s21 =	sld [smem:$0x7F5];
	_ =	sdelay $0x2  }
0x17d: {  	[tilespmem:s11], [sflag:$0x4] =	stream.linear.gather [hbm4b:s21+s19], $0x6000, $0x38;
	[tilespmem:$0x18000] =	vst v63  }
0x17e: {  	_ =	swait.ge [sflag:s12], $0x6000  }
0x17f: {  	[sflag:s12] =	ssyncset.done $0x0  }
0x180: {  	[sflag:s12] =	ssyncadd.s32 $0xFFFFA000  }
0x181: {  	_ =	swait.ge [sflag:s13], $0x6000  }
0x182: {  	[sflag:s13] =	ssyncset.done $0x0  }
0x183: {  	s19 =	simm.s32 $0x0;
	[sflag:s13] =	ssyncadd.s32 $0xFFFFA000  }
0x184: {  	v0 =	vld [tilespmem:s19+$0xC070]  }
0x185: {  	v1 =	vld [tilespmem:s19+$0xC000]  }
0x186: {  	v2 =	vld [tilespmem:s19+$0xC010]  }
0x187: {  	v3 =	vld [tilespmem:s19+$0xC020]  }
0x188: {  	v4 =	vld [tilespmem:s19+$0xC030]  }
0x189: {  	v5 =	vld [tilespmem:s19+$0xC040]  }
0x18a: {  	v6 =	vld [tilespmem:s19+$0xC050]  }
0x18b: {  	[tilespmem:s19+$0x70] =	vst.add.f32.msk $0xffff, v0  }
0x18c: {  	v0 =	vld [tilespmem:s19+$0xC060]  }
0x18d: {  	[tilespmem:s19+$0x0] =	vst.add.f32.msk $0xffff, v1  }
0x18e: {  	[tilespmem:s19+$0x10] =	vst.add.f32.msk $0xffff, v2  }
0x18f: {  	[tilespmem:s19+$0x20] =	vst.add.f32.msk $0xffff, v3  }
0x190: {  	[tilespmem:s19+$0x30] =	vst.add.f32.msk $0xffff, v4  }
0x191: {  	[tilespmem:s19+$0x40] =	vst.add.f32.msk $0xffff, v5  }
0x192: {  	s20 =	simm.s32 $0x0;
	s21 =	simm.s32 $0x200;
	[tilespmem:s19+$0x50] =	vst.add.f32.msk $0xffff, v6  }
.LBB2_14:
0x193: {  	s20 =	sadd.s32 $0x80, s20;
	[tilespmem:s19+$0x60] =	vst.add.f32.msk $0xffff, v0;
	s19 =	sshra.s32 s21, $0x2  }
0x194: {  	v0 =	vld [tilespmem:s19+$0xC070];
	p0 =	slt.u32 s20, $0x5F80  }
0x195: {  	v1 =	vld [tilespmem:s19+$0xC000]  }
0x196: {  	v2 =	vld [tilespmem:s19+$0xC010]  }
0x197: {  	v3 =	vld [tilespmem:s19+$0xC020]  }
0x198: {  	v4 =	vld [tilespmem:s19+$0xC030]  }
0x199: {  	[tilespmem:s19+$0x70] =	vst.add.f32.msk $0xffff, v0  }
0x19a: {  	v5 =	vld [tilespmem:s19+$0xC040]  }
0x19b: {  	v6 =	vld [tilespmem:s19+$0xC050]  }
0x19c: {  	v0 =	vld [tilespmem:s19+$0xC060]  }
0x19d: {  	[tilespmem:s19+$0x0] =	vst.add.f32.msk $0xffff, v1  }
.Ltmp6:
0x19e: {  	[tilespmem:s19+$0x10] =	vst.add.f32.msk $0xffff, v2;
	(pc) =	sbr.rel @p0 .LBB2_14-.Ltmp6, $4  }
0x19f: {  	[tilespmem:s19+$0x20] =	vst.add.f32.msk $0xffff, v3  }
0x1a0: {  	[tilespmem:s19+$0x30] =	vst.add.f32.msk $0xffff, v4  }
0x1a1: {  	[tilespmem:s19+$0x40] =	vst.add.f32.msk $0xffff, v5  }
0x1a2: {  	s21 =	sadd.s32 $0x200, s21;
	[tilespmem:s19+$0x50] =	vst.add.f32.msk $0xffff, v6  }
0x1a3: {  	[tilespmem:s19+$0x60] =	vst.add.f32.msk $0xffff, v0  }
0x1a4: {  	s19 =	simm.s32 $0x0;
	s20 =	rddreg [dreg:$0xf]  }
0x1a5: {  	[hbm4b:s20+s19] =	stream.linear.scatter [tilespmem:s19], [sflag:$0x5], $0x6000, $0x38;
	[tilespmem:$0x18000] =	vst v63  }
0x1a6: {  	_ =	swait.ge [sflag:s14], $0x6000  }
0x1a7: {  	[sflag:s14] =	ssyncset.done $0x0  }
0x1a8: {  	s21 =	rddreg [dreg:$0x10];
	[sflag:s14] =	ssyncadd.s32 $0xFFFFA000  }
0x1a9: {  	[tilespmem:s19], [sflag:$0x1] =	stream.linear.gather [hbm4b:s21+s19], $0x6000, $0x38;
	[tilespmem:$0x18000] =	vst v63  }
0x1aa: {  	s21 =	sld [smem:$0x7F6];
	_ =	sdelay $0x2  }
0x1ab: {  	[tilespmem:s9], [sflag:$0x3] =	stream.linear.gather [hbm4b:s21+s19], $0x6000, $0x38;
	[tilespmem:$0x18000] =	vst v63  }
0x1ac: {  	_ =	swait.ge [sflag:s15], $0x6000  }
0x1ad: {  	[sflag:s15] =	ssyncset.done $0x0  }
0x1ae: {  	[sflag:s15] =	ssyncadd.s32 $0xFFFFA000  }
0x1af: {  	_ =	swait.ge [sflag:s16], $0x6000  }
0x1b0: {  	[sflag:s16] =	ssyncset.done $0x0  }
0x1b1: {  	s19 =	simm.s32 $0x0;
	[sflag:s16] =	ssyncadd.s32 $0xFFFFA000  }
0x1b2: {  	v0 =	vld [tilespmem:s19+$0x12070]  }
0x1b3: {  	v1 =	vld [tilespmem:s19+$0x12000]  }
0x1b4: {  	v2 =	vld [tilespmem:s19+$0x12010]  }
0x1b5: {  	v3 =	vld [tilespmem:s19+$0x12020]  }
0x1b6: {  	v4 =	vld [tilespmem:s19+$0x12030]  }
0x1b7: {  	v5 =	vld [tilespmem:s19+$0x12040]  }
0x1b8: {  	v6 =	vld [tilespmem:s19+$0x12050]  }
0x1b9: {  	[tilespmem:s19+$0x6070] =	vst.add.f32.msk $0xffff, v0  }
0x1ba: {  	v0 =	vld [tilespmem:s19+$0x12060]  }
0x1bb: {  	[tilespmem:s19+$0x6000] =	vst.add.f32.msk $0xffff, v1  }
0x1bc: {  	[tilespmem:s19+$0x6010] =	vst.add.f32.msk $0xffff, v2  }
0x1bd: {  	[tilespmem:s19+$0x6020] =	vst.add.f32.msk $0xffff, v3  }
0x1be: {  	[tilespmem:s19+$0x6030] =	vst.add.f32.msk $0xffff, v4  }
0x1bf: {  	[tilespmem:s19+$0x6040] =	vst.add.f32.msk $0xffff, v5  }
0x1c0: {  	s20 =	simm.s32 $0x0;
	s21 =	simm.s32 $0x200;
	[tilespmem:s19+$0x6050] =	vst.add.f32.msk $0xffff, v6  }
.LBB2_16:
0x1c1: {  	s20 =	sadd.s32 $0x80, s20;
	[tilespmem:s19+$0x6060] =	vst.add.f32.msk $0xffff, v0;
	s19 =	sshra.s32 s21, $0x2  }
0x1c2: {  	v0 =	vld [tilespmem:s19+$0x12070];
	p0 =	slt.u32 s20, $0x5F80  }
0x1c3: {  	v1 =	vld [tilespmem:s19+$0x12000]  }
0x1c4: {  	v2 =	vld [tilespmem:s19+$0x12010]  }
0x1c5: {  	v3 =	vld [tilespmem:s19+$0x12020]  }
0x1c6: {  	v4 =	vld [tilespmem:s19+$0x12030]  }
0x1c7: {  	[tilespmem:s19+$0x6070] =	vst.add.f32.msk $0xffff, v0  }
0x1c8: {  	v5 =	vld [tilespmem:s19+$0x12040]  }
0x1c9: {  	v6 =	vld [tilespmem:s19+$0x12050]  }
0x1ca: {  	v0 =	vld [tilespmem:s19+$0x12060]  }
0x1cb: {  	[tilespmem:s19+$0x6000] =	vst.add.f32.msk $0xffff, v1  }
.Ltmp7:
0x1cc: {  	[tilespmem:s19+$0x6010] =	vst.add.f32.msk $0xffff, v2;
	(pc) =	sbr.rel @p0 .LBB2_16-.Ltmp7, $4  }
0x1cd: {  	[tilespmem:s19+$0x6020] =	vst.add.f32.msk $0xffff, v3  }
0x1ce: {  	[tilespmem:s19+$0x6030] =	vst.add.f32.msk $0xffff, v4  }
0x1cf: {  	[tilespmem:s19+$0x6040] =	vst.add.f32.msk $0xffff, v5  }
0x1d0: {  	s21 =	sadd.s32 $0x200, s21;
	[tilespmem:s19+$0x6050] =	vst.add.f32.msk $0xffff, v6  }
0x1d1: {  	[tilespmem:s19+$0x6060] =	vst.add.f32.msk $0xffff, v0  }
0x1d2: {  	s19 =	simm.s32 $0x0;
	s20 =	rddreg [dreg:$0x11]  }
0x1d3: {  	[hbm4b:s20+s19] =	stream.linear.scatter [tilespmem:s10], [sflag:$0x6], $0x6000, $0x38;
	[tilespmem:$0x18000] =	vst v63  }
0x1d4: {  	_ =	swait.ge [sflag:s17], $0x6000  }
0x1d5: {  	[sflag:s17] =	ssyncset.done $0x0  }
0x1d6: {  	s21 =	rddreg [dreg:$0x12];
	[sflag:s17] =	ssyncadd.s32 $0xFFFFA000  }
0x1d7: {  	[tilespmem:s10], [sflag:$0x2] =	stream.linear.gather [hbm4b:s21+s19], $0x6000, $0x38;
	[tilespmem:$0x18000] =	vst v63  }
0x1d8: {  	s21 =	sld [smem:$0x7F7];
	_ =	sdelay $0x2  }
0x1d9: {  	[tilespmem:s11], [sflag:$0x4] =	stream.linear.gather [hbm4b:s21+s19], $0x6000, $0x38;
	[tilespmem:$0x18000] =	vst v63  }
0x1da: {  	_ =	swait.ge [sflag:s12], $0x6000  }
0x1db: {  	[sflag:s12] =	ssyncset.done $0x0  }
0x1dc: {  	[sflag:s12] =	ssyncadd.s32 $0xFFFFA000  }
0x1dd: {  	_ =	swait.ge [sflag:s13], $0x6000  }
0x1de: {  	[sflag:s13] =	ssyncset.done $0x0  }
0x1df: {  	s19 =	simm.s32 $0x0;
	[sflag:s13] =	ssyncadd.s32 $0xFFFFA000  }
0x1e0: {  	v0 =	vld [tilespmem:s19+$0xC070]  }
0x1e1: {  	v1 =	vld [tilespmem:s19+$0xC000]  }
0x1e2: {  	v2 =	vld [tilespmem:s19+$0xC010]  }
0x1e3: {  	v3 =	vld [tilespmem:s19+$0xC020]  }
0x1e4: {  	v4 =	vld [tilespmem:s19+$0xC030]  }
0x1e5: {  	v5 =	vld [tilespmem:s19+$0xC040]  }
0x1e6: {  	v6 =	vld [tilespmem:s19+$0xC050]  }
0x1e7: {  	[tilespmem:s19+$0x70] =	vst.add.f32.msk $0xffff, v0  }
0x1e8: {  	v0 =	vld [tilespmem:s19+$0xC060]  }
0x1e9: {  	[tilespmem:s19+$0x0] =	vst.add.f32.msk $0xffff, v1  }
0x1ea: {  	[tilespmem:s19+$0x10] =	vst.add.f32.msk $0xffff, v2  }
0x1eb: {  	[tilespmem:s19+$0x20] =	vst.add.f32.msk $0xffff, v3  }
0x1ec: {  	[tilespmem:s19+$0x30] =	vst.add.f32.msk $0xffff, v4  }
0x1ed: {  	[tilespmem:s19+$0x40] =	vst.add.f32.msk $0xffff, v5  }
0x1ee: {  	s20 =	simm.s32 $0x0;
	s21 =	simm.s32 $0x200;
	[tilespmem:s19+$0x50] =	vst.add.f32.msk $0xffff, v6  }
.LBB2_18:
0x1ef: {  	s20 =	sadd.s32 $0x80, s20;
	[tilespmem:s19+$0x60] =	vst.add.f32.msk $0xffff, v0;
	s19 =	sshra.s32 s21, $0x2  }
0x1f0: {  	v0 =	vld [tilespmem:s19+$0xC070];
	p0 =	slt.u32 s20, $0x5F80  }
0x1f1: {  	v1 =	vld [tilespmem:s19+$0xC000]  }
0x1f2: {  	v2 =	vld [tilespmem:s19+$0xC010]  }
0x1f3: {  	v3 =	vld [tilespmem:s19+$0xC020]  }
0x1f4: {  	v4 =	vld [tilespmem:s19+$0xC030]  }
0x1f5: {  	[tilespmem:s19+$0x70] =	vst.add.f32.msk $0xffff, v0  }
0x1f6: {  	v5 =	vld [tilespmem:s19+$0xC040]  }
0x1f7: {  	v6 =	vld [tilespmem:s19+$0xC050]  }
0x1f8: {  	v0 =	vld [tilespmem:s19+$0xC060]  }
0x1f9: {  	[tilespmem:s19+$0x0] =	vst.add.f32.msk $0xffff, v1  }
.Ltmp8:
0x1fa: {  	[tilespmem:s19+$0x10] =	vst.add.f32.msk $0xffff, v2;
	(pc) =	sbr.rel @p0 .LBB2_18-.Ltmp8, $4  }
0x1fb: {  	[tilespmem:s19+$0x20] =	vst.add.f32.msk $0xffff, v3  }
0x1fc: {  	[tilespmem:s19+$0x30] =	vst.add.f32.msk $0xffff, v4  }
0x1fd: {  	[tilespmem:s19+$0x40] =	vst.add.f32.msk $0xffff, v5  }
0x1fe: {  	s21 =	sadd.s32 $0x200, s21;
	[tilespmem:s19+$0x50] =	vst.add.f32.msk $0xffff, v6  }
0x1ff: {  	[tilespmem:s19+$0x60] =	vst.add.f32.msk $0xffff, v0  }
0x200: {  	s19 =	simm.s32 $0x0;
	s20 =	rddreg [dreg:$0x13]  }
0x201: {  	[hbm4b:s20+s19] =	stream.linear.scatter [tilespmem:s19], [sflag:$0x5], $0x6000, $0x38;
	[tilespmem:$0x18000] =	vst v63  }
0x202: {  	_ =	swait.ge [sflag:s14], $0x6000  }
0x203: {  	[sflag:s14] =	ssyncset.done $0x0  }
0x204: {  	s21 =	rddreg [dreg:$0x15];
	[sflag:s14] =	ssyncadd.s32 $0xFFFFA000  }
0x205: {  	[tilespmem:s19], [sflag:$0x1] =	stream.linear.gather [hbm4b:s21+s19], $0x6000, $0x38;
	[tilespmem:$0x18000] =	vst v63  }
0x206: {  	s21 =	sld [smem:$0x7F8];
	_ =	sdelay $0x2  }
0x207: {  	[tilespmem:s9], [sflag:$0x3] =	stream.linear.gather [hbm4b:s21+s19], $0x6000, $0x38;
	[tilespmem:$0x18000] =	vst v63  }
0x208: {  	_ =	swait.ge [sflag:s15], $0x6000  }
0x209: {  	[sflag:s15] =	ssyncset.done $0x0  }
0x20a: {  	[sflag:s15] =	ssyncadd.s32 $0xFFFFA000  }
0x20b: {  	_ =	swait.ge [sflag:s16], $0x6000  }
0x20c: {  	[sflag:s16] =	ssyncset.done $0x0  }
0x20d: {  	s19 =	simm.s32 $0x0;
	[sflag:s16] =	ssyncadd.s32 $0xFFFFA000  }
0x20e: {  	v0 =	vld [tilespmem:s19+$0x12070]  }
0x20f: {  	v1 =	vld [tilespmem:s19+$0x12000]  }
0x210: {  	v2 =	vld [tilespmem:s19+$0x12010]  }
0x211: {  	v3 =	vld [tilespmem:s19+$0x12020]  }
0x212: {  	v4 =	vld [tilespmem:s19+$0x12030]  }
0x213: {  	v5 =	vld [tilespmem:s19+$0x12040]  }
0x214: {  	v6 =	vld [tilespmem:s19+$0x12050]  }
0x215: {  	[tilespmem:s19+$0x6070] =	vst.add.f32.msk $0xffff, v0  }
0x216: {  	v0 =	vld [tilespmem:s19+$0x12060]  }
0x217: {  	[tilespmem:s19+$0x6000] =	vst.add.f32.msk $0xffff, v1  }
0x218: {  	[tilespmem:s19+$0x6010] =	vst.add.f32.msk $0xffff, v2  }
0x219: {  	[tilespmem:s19+$0x6020] =	vst.add.f32.msk $0xffff, v3  }
0x21a: {  	[tilespmem:s19+$0x6030] =	vst.add.f32.msk $0xffff, v4  }
0x21b: {  	[tilespmem:s19+$0x6040] =	vst.add.f32.msk $0xffff, v5  }
0x21c: {  	s20 =	simm.s32 $0x0;
	s21 =	simm.s32 $0x200;
	[tilespmem:s19+$0x6050] =	vst.add.f32.msk $0xffff, v6  }
.LBB2_20:
0x21d: {  	s20 =	sadd.s32 $0x80, s20;
	[tilespmem:s19+$0x6060] =	vst.add.f32.msk $0xffff, v0;
	s19 =	sshra.s32 s21, $0x2  }
0x21e: {  	v0 =	vld [tilespmem:s19+$0x12070];
	p0 =	slt.u32 s20, $0x5F80  }
0x21f: {  	v1 =	vld [tilespmem:s19+$0x12000]  }
0x220: {  	v2 =	vld [tilespmem:s19+$0x12010]  }
0x221: {  	v3 =	vld [tilespmem:s19+$0x12020]  }
0x222: {  	v4 =	vld [tilespmem:s19+$0x12030]  }
0x223: {  	[tilespmem:s19+$0x6070] =	vst.add.f32.msk $0xffff, v0  }
0x224: {  	v5 =	vld [tilespmem:s19+$0x12040]  }
0x225: {  	v6 =	vld [tilespmem:s19+$0x12050]  }
0x226: {  	v0 =	vld [tilespmem:s19+$0x12060]  }
0x227: {  	[tilespmem:s19+$0x6000] =	vst.add.f32.msk $0xffff, v1  }
.Ltmp9:
0x228: {  	[tilespmem:s19+$0x6010] =	vst.add.f32.msk $0xffff, v2;
	(pc) =	sbr.rel @p0 .LBB2_20-.Ltmp9, $4  }
0x229: {  	[tilespmem:s19+$0x6020] =	vst.add.f32.msk $0xffff, v3  }
0x22a: {  	[tilespmem:s19+$0x6030] =	vst.add.f32.msk $0xffff, v4  }
0x22b: {  	[tilespmem:s19+$0x6040] =	vst.add.f32.msk $0xffff, v5  }
0x22c: {  	s21 =	sadd.s32 $0x200, s21;
	[tilespmem:s19+$0x6050] =	vst.add.f32.msk $0xffff, v6  }
0x22d: {  	[tilespmem:s19+$0x6060] =	vst.add.f32.msk $0xffff, v0  }
0x22e: {  	s19 =	simm.s32 $0x0;
	s20 =	rddreg [dreg:$0x14]  }
0x22f: {  	[hbm4b:s20+s19] =	stream.linear.scatter [tilespmem:s10], [sflag:$0x6], $0x6000, $0x38;
	[tilespmem:$0x18000] =	vst v63  }
0x230: {  	_ =	swait.ge [sflag:s17], $0x6000  }
0x231: {  	[sflag:s17] =	ssyncset.done $0x0  }
0x232: {  	s21 =	rddreg [dreg:$0x17];
	[sflag:s17] =	ssyncadd.s32 $0xFFFFA000  }
0x233: {  	[tilespmem:s10], [sflag:$0x2] =	stream.linear.gather [hbm4b:s21+s19], $0x6000, $0x38;
	[tilespmem:$0x18000] =	vst v63  }
0x234: {  	s21 =	sld [smem:$0x7F9];
	_ =	sdelay $0x2  }
0x235: {  	[tilespmem:s11], [sflag:$0x4] =	stream.linear.gather [hbm4b:s21+s19], $0x6000, $0x38;
	[tilespmem:$0x18000] =	vst v63  }
0x236: {  	_ =	swait.ge [sflag:s12], $0x6000  }
0x237: {  	[sflag:s12] =	ssyncset.done $0x0  }
0x238: {  	[sflag:s12] =	ssyncadd.s32 $0xFFFFA000  }
0x239: {  	_ =	swait.ge [sflag:s13], $0x6000  }
0x23a: {  	[sflag:s13] =	ssyncset.done $0x0  }
0x23b: {  	s19 =	simm.s32 $0x0;
	[sflag:s13] =	ssyncadd.s32 $0xFFFFA000  }
0x23c: {  	v0 =	vld [tilespmem:s19+$0xC070]  }
0x23d: {  	v1 =	vld [tilespmem:s19+$0xC000]  }
0x23e: {  	v2 =	vld [tilespmem:s19+$0xC010]  }
0x23f: {  	v3 =	vld [tilespmem:s19+$0xC020]  }
0x240: {  	v4 =	vld [tilespmem:s19+$0xC030]  }
0x241: {  	v5 =	vld [tilespmem:s19+$0xC040]  }
0x242: {  	v6 =	vld [tilespmem:s19+$0xC050]  }
0x243: {  	[tilespmem:s19+$0x70] =	vst.add.f32.msk $0xffff, v0  }
0x244: {  	v0 =	vld [tilespmem:s19+$0xC060]  }
0x245: {  	[tilespmem:s19+$0x0] =	vst.add.f32.msk $0xffff, v1  }
0x246: {  	[tilespmem:s19+$0x10] =	vst.add.f32.msk $0xffff, v2  }
0x247: {  	[tilespmem:s19+$0x20] =	vst.add.f32.msk $0xffff, v3  }
0x248: {  	[tilespmem:s19+$0x30] =	vst.add.f32.msk $0xffff, v4  }
0x249: {  	[tilespmem:s19+$0x40] =	vst.add.f32.msk $0xffff, v5  }
0x24a: {  	s20 =	simm.s32 $0x0;
	s21 =	simm.s32 $0x200;
	[tilespmem:s19+$0x50] =	vst.add.f32.msk $0xffff, v6  }
.LBB2_22:
0x24b: {  	s20 =	sadd.s32 $0x80, s20;
	[tilespmem:s19+$0x60] =	vst.add.f32.msk $0xffff, v0;
	s19 =	sshra.s32 s21, $0x2  }
0x24c: {  	v0 =	vld [tilespmem:s19+$0xC070];
	p0 =	slt.u32 s20, $0x5F80  }
0x24d: {  	v1 =	vld [tilespmem:s19+$0xC000]  }
0x24e: {  	v2 =	vld [tilespmem:s19+$0xC010]  }
0x24f: {  	v3 =	vld [tilespmem:s19+$0xC020]  }
0x250: {  	v4 =	vld [tilespmem:s19+$0xC030]  }
0x251: {  	[tilespmem:s19+$0x70] =	vst.add.f32.msk $0xffff, v0  }
0x252: {  	v5 =	vld [tilespmem:s19+$0xC040]  }
0x253: {  	v6 =	vld [tilespmem:s19+$0xC050]  }
0x254: {  	v0 =	vld [tilespmem:s19+$0xC060]  }
0x255: {  	[tilespmem:s19+$0x0] =	vst.add.f32.msk $0xffff, v1  }
.Ltmp10:
0x256: {  	[tilespmem:s19+$0x10] =	vst.add.f32.msk $0xffff, v2;
	(pc) =	sbr.rel @p0 .LBB2_22-.Ltmp10, $4  }
0x257: {  	[tilespmem:s19+$0x20] =	vst.add.f32.msk $0xffff, v3  }
0x258: {  	[tilespmem:s19+$0x30] =	vst.add.f32.msk $0xffff, v4  }
0x259: {  	[tilespmem:s19+$0x40] =	vst.add.f32.msk $0xffff, v5  }
0x25a: {  	s21 =	sadd.s32 $0x200, s21;
	[tilespmem:s19+$0x50] =	vst.add.f32.msk $0xffff, v6  }
0x25b: {  	[tilespmem:s19+$0x60] =	vst.add.f32.msk $0xffff, v0  }
0x25c: {  	s19 =	simm.s32 $0x0;
	s20 =	rddreg [dreg:$0x16]  }
0x25d: {  	[hbm4b:s20+s19] =	stream.linear.scatter [tilespmem:s19], [sflag:$0x5], $0x6000, $0x38;
	[tilespmem:$0x18000] =	vst v63  }
0x25e: {  	_ =	swait.ge [sflag:s14], $0x6000  }
0x25f: {  	[sflag:s14] =	ssyncset.done $0x0  }
0x260: {  	s21 =	rddreg [dreg:$0x19];
	[sflag:s14] =	ssyncadd.s32 $0xFFFFA000  }
0x261: {  	[tilespmem:s19], [sflag:$0x1] =	stream.linear.gather [hbm4b:s21+s19], $0x6000, $0x38;
	[tilespmem:$0x18000] =	vst v63  }
0x262: {  	s21 =	sld [smem:$0x7FA];
	_ =	sdelay $0x2  }
0x263: {  	[tilespmem:s9], [sflag:$0x3] =	stream.linear.gather [hbm4b:s21+s19], $0x6000, $0x38;
	[tilespmem:$0x18000] =	vst v63  }
0x264: {  	_ =	swait.ge [sflag:s15], $0x6000  }
0x265: {  	[sflag:s15] =	ssyncset.done $0x0  }
0x266: {  	[sflag:s15] =	ssyncadd.s32 $0xFFFFA000  }
0x267: {  	_ =	swait.ge [sflag:s16], $0x6000  }
0x268: {  	[sflag:s16] =	ssyncset.done $0x0  }
0x269: {  	s19 =	simm.s32 $0x0;
	[sflag:s16] =	ssyncadd.s32 $0xFFFFA000  }
0x26a: {  	v0 =	vld [tilespmem:s19+$0x12070]  }
0x26b: {  	v1 =	vld [tilespmem:s19+$0x12000]  }
0x26c: {  	v2 =	vld [tilespmem:s19+$0x12010]  }
0x26d: {  	v3 =	vld [tilespmem:s19+$0x12020]  }
0x26e: {  	v4 =	vld [tilespmem:s19+$0x12030]  }
0x26f: {  	v5 =	vld [tilespmem:s19+$0x12040]  }
0x270: {  	v6 =	vld [tilespmem:s19+$0x12050]  }
0x271: {  	[tilespmem:s19+$0x6070] =	vst.add.f32.msk $0xffff, v0  }
0x272: {  	v0 =	vld [tilespmem:s19+$0x12060]  }
0x273: {  	[tilespmem:s19+$0x6000] =	vst.add.f32.msk $0xffff, v1  }
0x274: {  	[tilespmem:s19+$0x6010] =	vst.add.f32.msk $0xffff, v2  }
0x275: {  	[tilespmem:s19+$0x6020] =	vst.add.f32.msk $0xffff, v3  }
0x276: {  	[tilespmem:s19+$0x6030] =	vst.add.f32.msk $0xffff, v4  }
0x277: {  	[tilespmem:s19+$0x6040] =	vst.add.f32.msk $0xffff, v5  }
0x278: {  	s20 =	simm.s32 $0x0;
	s21 =	simm.s32 $0x200;
	[tilespmem:s19+$0x6050] =	vst.add.f32.msk $0xffff, v6  }
.LBB2_24:
0x279: {  	s20 =	sadd.s32 $0x80, s20;
	[tilespmem:s19+$0x6060] =	vst.add.f32.msk $0xffff, v0;
	s19 =	sshra.s32 s21, $0x2  }
0x27a: {  	v0 =	vld [tilespmem:s19+$0x12070];
	p0 =	slt.u32 s20, $0x5F80  }
0x27b: {  	v1 =	vld [tilespmem:s19+$0x12000]  }
0x27c: {  	v2 =	vld [tilespmem:s19+$0x12010]  }
0x27d: {  	v3 =	vld [tilespmem:s19+$0x12020]  }
0x27e: {  	v4 =	vld [tilespmem:s19+$0x12030]  }
0x27f: {  	[tilespmem:s19+$0x6070] =	vst.add.f32.msk $0xffff, v0  }
0x280: {  	v5 =	vld [tilespmem:s19+$0x12040]  }
0x281: {  	v6 =	vld [tilespmem:s19+$0x12050]  }
0x282: {  	v0 =	vld [tilespmem:s19+$0x12060]  }
0x283: {  	[tilespmem:s19+$0x6000] =	vst.add.f32.msk $0xffff, v1  }
.Ltmp11:
0x284: {  	[tilespmem:s19+$0x6010] =	vst.add.f32.msk $0xffff, v2;
	(pc) =	sbr.rel @p0 .LBB2_24-.Ltmp11, $4  }
0x285: {  	[tilespmem:s19+$0x6020] =	vst.add.f32.msk $0xffff, v3  }
0x286: {  	[tilespmem:s19+$0x6030] =	vst.add.f32.msk $0xffff, v4  }
0x287: {  	[tilespmem:s19+$0x6040] =	vst.add.f32.msk $0xffff, v5  }
0x288: {  	s21 =	sadd.s32 $0x200, s21;
	[tilespmem:s19+$0x6050] =	vst.add.f32.msk $0xffff, v6  }
0x289: {  	[tilespmem:s19+$0x6060] =	vst.add.f32.msk $0xffff, v0  }
0x28a: {  	s19 =	simm.s32 $0x0;
	s20 =	rddreg [dreg:$0x18]  }
0x28b: {  	[hbm4b:s20+s19] =	stream.linear.scatter [tilespmem:s10], [sflag:$0x6], $0x6000, $0x38;
	[tilespmem:$0x18000] =	vst v63  }
0x28c: {  	_ =	swait.ge [sflag:s17], $0x6000  }
0x28d: {  	[sflag:s17] =	ssyncset.done $0x0  }
0x28e: {  	s21 =	rddreg [dreg:$0x1b];
	[sflag:s17] =	ssyncadd.s32 $0xFFFFA000  }
0x28f: {  	[tilespmem:s10], [sflag:$0x2] =	stream.linear.gather [hbm4b:s21+s19], $0x6000, $0x38;
	[tilespmem:$0x18000] =	vst v63  }
0x290: {  	s21 =	sld [smem:$0x7FB];
	_ =	sdelay $0x2  }
0x291: {  	[tilespmem:s11], [sflag:$0x4] =	stream.linear.gather [hbm4b:s21+s19], $0x6000, $0x38;
	[tilespmem:$0x18000] =	vst v63  }
0x292: {  	_ =	swait.ge [sflag:s12], $0x6000  }
0x293: {  	[sflag:s12] =	ssyncset.done $0x0  }
0x294: {  	[sflag:s12] =	ssyncadd.s32 $0xFFFFA000  }
0x295: {  	_ =	swait.ge [sflag:s13], $0x6000  }
0x296: {  	[sflag:s13] =	ssyncset.done $0x0  }
0x297: {  	s19 =	simm.s32 $0x0;
	[sflag:s13] =	ssyncadd.s32 $0xFFFFA000  }
0x298: {  	v0 =	vld [tilespmem:s19+$0xC070]  }
0x299: {  	v1 =	vld [tilespmem:s19+$0xC000]  }
0x29a: {  	v2 =	vld [tilespmem:s19+$0xC010]  }
0x29b: {  	v3 =	vld [tilespmem:s19+$0xC020]  }
0x29c: {  	v4 =	vld [tilespmem:s19+$0xC030]  }
0x29d: {  	v5 =	vld [tilespmem:s19+$0xC040]  }
0x29e: {  	v6 =	vld [tilespmem:s19+$0xC050]  }
0x29f: {  	[tilespmem:s19+$0x70] =	vst.add.f32.msk $0xffff, v0  }
0x2a0: {  	v0 =	vld [tilespmem:s19+$0xC060]  }
0x2a1: {  	[tilespmem:s19+$0x0] =	vst.add.f32.msk $0xffff, v1  }
0x2a2: {  	[tilespmem:s19+$0x10] =	vst.add.f32.msk $0xffff, v2  }
0x2a3: {  	[tilespmem:s19+$0x20] =	vst.add.f32.msk $0xffff, v3  }
0x2a4: {  	[tilespmem:s19+$0x30] =	vst.add.f32.msk $0xffff, v4  }
0x2a5: {  	[tilespmem:s19+$0x40] =	vst.add.f32.msk $0xffff, v5  }
0x2a6: {  	s20 =	simm.s32 $0x0;
	s21 =	simm.s32 $0x200;
	[tilespmem:s19+$0x50] =	vst.add.f32.msk $0xffff, v6  }
.LBB2_26:
0x2a7: {  	s20 =	sadd.s32 $0x80, s20;
	[tilespmem:s19+$0x60] =	vst.add.f32.msk $0xffff, v0;
	s19 =	sshra.s32 s21, $0x2  }
0x2a8: {  	v0 =	vld [tilespmem:s19+$0xC070];
	p0 =	slt.u32 s20, $0x5F80  }
0x2a9: {  	v1 =	vld [tilespmem:s19+$0xC000]  }
0x2aa: {  	v2 =	vld [tilespmem:s19+$0xC010]  }
0x2ab: {  	v3 =	vld [tilespmem:s19+$0xC020]  }
0x2ac: {  	v4 =	vld [tilespmem:s19+$0xC030]  }
0x2ad: {  	[tilespmem:s19+$0x70] =	vst.add.f32.msk $0xffff, v0  }
0x2ae: {  	v5 =	vld [tilespmem:s19+$0xC040]  }
0x2af: {  	v6 =	vld [tilespmem:s19+$0xC050]  }
0x2b0: {  	v0 =	vld [tilespmem:s19+$0xC060]  }
0x2b1: {  	[tilespmem:s19+$0x0] =	vst.add.f32.msk $0xffff, v1  }
.Ltmp12:
0x2b2: {  	[tilespmem:s19+$0x10] =	vst.add.f32.msk $0xffff, v2;
	(pc) =	sbr.rel @p0 .LBB2_26-.Ltmp12, $4  }
0x2b3: {  	[tilespmem:s19+$0x20] =	vst.add.f32.msk $0xffff, v3  }
0x2b4: {  	[tilespmem:s19+$0x30] =	vst.add.f32.msk $0xffff, v4  }
0x2b5: {  	[tilespmem:s19+$0x40] =	vst.add.f32.msk $0xffff, v5  }
0x2b6: {  	s21 =	sadd.s32 $0x200, s21;
	[tilespmem:s19+$0x50] =	vst.add.f32.msk $0xffff, v6  }
0x2b7: {  	[tilespmem:s19+$0x60] =	vst.add.f32.msk $0xffff, v0  }
0x2b8: {  	s19 =	simm.s32 $0x0;
	s20 =	rddreg [dreg:$0x1a]  }
0x2b9: {  	[hbm4b:s20+s19] =	stream.linear.scatter [tilespmem:s19], [sflag:$0x5], $0x6000, $0x38;
	[tilespmem:$0x18000] =	vst v63  }
0x2ba: {  	_ =	swait.ge [sflag:s14], $0x6000  }
0x2bb: {  	[sflag:s14] =	ssyncset.done $0x0  }
0x2bc: {  	s21 =	rddreg [dreg:$0x1d];
	[sflag:s14] =	ssyncadd.s32 $0xFFFFA000  }
0x2bd: {  	[tilespmem:s19], [sflag:$0x1] =	stream.linear.gather [hbm4b:s21+s19], $0x6000, $0x38;
	[tilespmem:$0x18000] =	vst v63  }
0x2be: {  	s21 =	sld [smem:$0x7FC];
	_ =	sdelay $0x2  }
0x2bf: {  	[tilespmem:s9], [sflag:$0x3] =	stream.linear.gather [hbm4b:s21+s19], $0x6000, $0x38;
	[tilespmem:$0x18000] =	vst v63  }
0x2c0: {  	_ =	swait.ge [sflag:s15], $0x6000  }
0x2c1: {  	[sflag:s15] =	ssyncset.done $0x0  }
0x2c2: {  	[sflag:s15] =	ssyncadd.s32 $0xFFFFA000  }
0x2c3: {  	_ =	swait.ge [sflag:s16], $0x6000  }
0x2c4: {  	[sflag:s16] =	ssyncset.done $0x0  }
0x2c5: {  	s19 =	simm.s32 $0x0;
	[sflag:s16] =	ssyncadd.s32 $0xFFFFA000  }
0x2c6: {  	v0 =	vld [tilespmem:s19+$0x12070]  }
0x2c7: {  	v1 =	vld [tilespmem:s19+$0x12000]  }
0x2c8: {  	v2 =	vld [tilespmem:s19+$0x12010]  }
0x2c9: {  	v3 =	vld [tilespmem:s19+$0x12020]  }
0x2ca: {  	v4 =	vld [tilespmem:s19+$0x12030]  }
0x2cb: {  	v5 =	vld [tilespmem:s19+$0x12040]  }
0x2cc: {  	v6 =	vld [tilespmem:s19+$0x12050]  }
0x2cd: {  	[tilespmem:s19+$0x6070] =	vst.add.f32.msk $0xffff, v0  }
0x2ce: {  	v0 =	vld [tilespmem:s19+$0x12060]  }
0x2cf: {  	[tilespmem:s19+$0x6000] =	vst.add.f32.msk $0xffff, v1  }
0x2d0: {  	[tilespmem:s19+$0x6010] =	vst.add.f32.msk $0xffff, v2  }
0x2d1: {  	[tilespmem:s19+$0x6020] =	vst.add.f32.msk $0xffff, v3  }
0x2d2: {  	[tilespmem:s19+$0x6030] =	vst.add.f32.msk $0xffff, v4  }
0x2d3: {  	[tilespmem:s19+$0x6040] =	vst.add.f32.msk $0xffff, v5  }
0x2d4: {  	s20 =	simm.s32 $0x0;
	s21 =	simm.s32 $0x200;
	[tilespmem:s19+$0x6050] =	vst.add.f32.msk $0xffff, v6  }
.LBB2_28:
0x2d5: {  	s20 =	sadd.s32 $0x80, s20;
	[tilespmem:s19+$0x6060] =	vst.add.f32.msk $0xffff, v0;
	s19 =	sshra.s32 s21, $0x2  }
0x2d6: {  	v0 =	vld [tilespmem:s19+$0x12070];
	p0 =	slt.u32 s20, $0x5F80  }
0x2d7: {  	v1 =	vld [tilespmem:s19+$0x12000]  }
0x2d8: {  	v2 =	vld [tilespmem:s19+$0x12010]  }
0x2d9: {  	v3 =	vld [tilespmem:s19+$0x12020]  }
0x2da: {  	v4 =	vld [tilespmem:s19+$0x12030]  }
0x2db: {  	[tilespmem:s19+$0x6070] =	vst.add.f32.msk $0xffff, v0  }
0x2dc: {  	v5 =	vld [tilespmem:s19+$0x12040]  }
0x2dd: {  	v6 =	vld [tilespmem:s19+$0x12050]  }
0x2de: {  	v0 =	vld [tilespmem:s19+$0x12060]  }
0x2df: {  	[tilespmem:s19+$0x6000] =	vst.add.f32.msk $0xffff, v1  }
.Ltmp13:
0x2e0: {  	[tilespmem:s19+$0x6010] =	vst.add.f32.msk $0xffff, v2;
	(pc) =	sbr.rel @p0 .LBB2_28-.Ltmp13, $4  }
0x2e1: {  	[tilespmem:s19+$0x6020] =	vst.add.f32.msk $0xffff, v3  }
0x2e2: {  	[tilespmem:s19+$0x6030] =	vst.add.f32.msk $0xffff, v4  }
0x2e3: {  	[tilespmem:s19+$0x6040] =	vst.add.f32.msk $0xffff, v5  }
0x2e4: {  	s21 =	sadd.s32 $0x200, s21;
	[tilespmem:s19+$0x6050] =	vst.add.f32.msk $0xffff, v6  }
0x2e5: {  	[tilespmem:s19+$0x6060] =	vst.add.f32.msk $0xffff, v0  }
0x2e6: {  	s19 =	simm.s32 $0x0;
	s20 =	rddreg [dreg:$0x1c]  }
0x2e7: {  	[hbm4b:s20+s19] =	stream.linear.scatter [tilespmem:s10], [sflag:$0x6], $0x6000, $0x38;
	[tilespmem:$0x18000] =	vst v63  }
0x2e8: {  	_ =	swait.ge [sflag:s17], $0x6000  }
0x2e9: {  	[sflag:s17] =	ssyncset.done $0x0  }
0x2ea: {  	s21 =	rddreg [dreg:$0x1f];
	[sflag:s17] =	ssyncadd.s32 $0xFFFFA000  }
0x2eb: {  	[tilespmem:s10], [sflag:$0x2] =	stream.linear.gather [hbm4b:s21+s19], $0x6000, $0x38;
	[tilespmem:$0x18000] =	vst v63  }
0x2ec: {  	s21 =	sld [smem:$0x7FD];
	_ =	sdelay $0x2  }
0x2ed: {  	[tilespmem:s11], [sflag:$0x4] =	stream.linear.gather [hbm4b:s21+s19], $0x6000, $0x38;
	[tilespmem:$0x18000] =	vst v63  }
0x2ee: {  	_ =	swait.ge [sflag:s12], $0x6000  }
0x2ef: {  	[sflag:s12] =	ssyncset.done $0x0  }
0x2f0: {  	[sflag:s12] =	ssyncadd.s32 $0xFFFFA000  }
0x2f1: {  	_ =	swait.ge [sflag:s13], $0x6000  }
0x2f2: {  	[sflag:s13] =	ssyncset.done $0x0  }
0x2f3: {  	s19 =	simm.s32 $0x0;
	[sflag:s13] =	ssyncadd.s32 $0xFFFFA000  }
0x2f4: {  	v0 =	vld [tilespmem:s19+$0xC070]  }
0x2f5: {  	v1 =	vld [tilespmem:s19+$0xC000]  }
0x2f6: {  	v2 =	vld [tilespmem:s19+$0xC010]  }
0x2f7: {  	v3 =	vld [tilespmem:s19+$0xC020]  }
0x2f8: {  	v4 =	vld [tilespmem:s19+$0xC030]  }
0x2f9: {  	v5 =	vld [tilespmem:s19+$0xC040]  }
0x2fa: {  	v6 =	vld [tilespmem:s19+$0xC050]  }
0x2fb: {  	[tilespmem:s19+$0x70] =	vst.add.f32.msk $0xffff, v0  }
0x2fc: {  	v0 =	vld [tilespmem:s19+$0xC060]  }
0x2fd: {  	[tilespmem:s19+$0x0] =	vst.add.f32.msk $0xffff, v1  }
0x2fe: {  	[tilespmem:s19+$0x10] =	vst.add.f32.msk $0xffff, v2  }
0x2ff: {  	[tilespmem:s19+$0x20] =	vst.add.f32.msk $0xffff, v3  }
0x300: {  	[tilespmem:s19+$0x30] =	vst.add.f32.msk $0xffff, v4  }
0x301: {  	[tilespmem:s19+$0x40] =	vst.add.f32.msk $0xffff, v5  }
0x302: {  	s20 =	simm.s32 $0x0;
	s21 =	simm.s32 $0x200;
	[tilespmem:s19+$0x50] =	vst.add.f32.msk $0xffff, v6  }
.LBB2_30:
0x303: {  	s20 =	sadd.s32 $0x80, s20;
	[tilespmem:s19+$0x60] =	vst.add.f32.msk $0xffff, v0;
	s19 =	sshra.s32 s21, $0x2  }
0x304: {  	v0 =	vld [tilespmem:s19+$0xC070];
	p0 =	slt.u32 s20, $0x5F80  }
0x305: {  	v1 =	vld [tilespmem:s19+$0xC000]  }
0x306: {  	v2 =	vld [tilespmem:s19+$0xC010]  }
0x307: {  	v3 =	vld [tilespmem:s19+$0xC020]  }
0x308: {  	v4 =	vld [tilespmem:s19+$0xC030]  }
0x309: {  	[tilespmem:s19+$0x70] =	vst.add.f32.msk $0xffff, v0  }
0x30a: {  	v5 =	vld [tilespmem:s19+$0xC040]  }
0x30b: {  	v6 =	vld [tilespmem:s19+$0xC050]  }
0x30c: {  	v0 =	vld [tilespmem:s19+$0xC060]  }
0x30d: {  	[tilespmem:s19+$0x0] =	vst.add.f32.msk $0xffff, v1  }
.Ltmp14:
0x30e: {  	[tilespmem:s19+$0x10] =	vst.add.f32.msk $0xffff, v2;
	(pc) =	sbr.rel @p0 .LBB2_30-.Ltmp14, $4  }
0x30f: {  	[tilespmem:s19+$0x20] =	vst.add.f32.msk $0xffff, v3  }
0x310: {  	[tilespmem:s19+$0x30] =	vst.add.f32.msk $0xffff, v4  }
0x311: {  	[tilespmem:s19+$0x40] =	vst.add.f32.msk $0xffff, v5  }
0x312: {  	s21 =	sadd.s32 $0x200, s21;
	[tilespmem:s19+$0x50] =	vst.add.f32.msk $0xffff, v6  }
0x313: {  	[tilespmem:s19+$0x60] =	vst.add.f32.msk $0xffff, v0  }
0x314: {  	s19 =	simm.s32 $0x0;
	s20 =	rddreg [dreg:$0x1e]  }
0x315: {  	[hbm4b:s20+s19] =	stream.linear.scatter [tilespmem:s19], [sflag:$0x5], $0x6000, $0x38;
	[tilespmem:$0x18000] =	vst v63  }
0x316: {  	_ =	swait.ge [sflag:s14], $0x6000  }
0x317: {  	s21 =	sld [smem:$0x7CC]  }
0x318: {  	[sflag:s14] =	ssyncset.done $0x0  }
0x319: {  	[sflag:s14] =	ssyncadd.s32 $0xFFFFA000  }
0x31a: {  	[tilespmem:s19], [sflag:$0x1] =	stream.linear.gather [hbm4b:s21+s19], $0x6000, $0x38;
	[tilespmem:$0x18000] =	vst v63  }
0x31b: {  	_ = 	snop  }
0x31c: {  	[tilespmem:s9], [sflag:$0x3] =	stream.linear.gather [hbm4b:s22+s19], $0x6000, $0x38;
	[tilespmem:$0x18000] =	vst v63  }
0x31d: {  	_ =	swait.ge [sflag:s15], $0x6000  }
0x31e: {  	[sflag:s15] =	ssyncset.done $0x0  }
0x31f: {  	[sflag:s15] =	ssyncadd.s32 $0xFFFFA000  }
0x320: {  	_ =	swait.ge [sflag:s16], $0x6000  }
0x321: {  	[sflag:s16] =	ssyncset.done $0x0  }
0x322: {  	s19 =	simm.s32 $0x0;
	[sflag:s16] =	ssyncadd.s32 $0xFFFFA000  }
0x323: {  	v0 =	vld [tilespmem:s19+$0x12070]  }
0x324: {  	v1 =	vld [tilespmem:s19+$0x12000]  }
0x325: {  	v2 =	vld [tilespmem:s19+$0x12010]  }
0x326: {  	v3 =	vld [tilespmem:s19+$0x12020]  }
0x327: {  	v4 =	vld [tilespmem:s19+$0x12030]  }
0x328: {  	v5 =	vld [tilespmem:s19+$0x12040]  }
0x329: {  	v6 =	vld [tilespmem:s19+$0x12050]  }
0x32a: {  	[tilespmem:s19+$0x6070] =	vst.add.f32.msk $0xffff, v0  }
0x32b: {  	v0 =	vld [tilespmem:s19+$0x12060]  }
0x32c: {  	[tilespmem:s19+$0x6000] =	vst.add.f32.msk $0xffff, v1  }
0x32d: {  	[tilespmem:s19+$0x6010] =	vst.add.f32.msk $0xffff, v2  }
0x32e: {  	[tilespmem:s19+$0x6020] =	vst.add.f32.msk $0xffff, v3  }
0x32f: {  	[tilespmem:s19+$0x6030] =	vst.add.f32.msk $0xffff, v4  }
0x330: {  	[tilespmem:s19+$0x6040] =	vst.add.f32.msk $0xffff, v5  }
0x331: {  	s20 =	simm.s32 $0x0;
	s21 =	simm.s32 $0x200;
	[tilespmem:s19+$0x6050] =	vst.add.f32.msk $0xffff, v6  }
.LBB2_32:
0x332: {  	s20 =	sadd.s32 $0x80, s20;
	[tilespmem:s19+$0x6060] =	vst.add.f32.msk $0xffff, v0;
	s19 =	sshra.s32 s21, $0x2  }
0x333: {  	v0 =	vld [tilespmem:s19+$0x12070];
	p0 =	slt.u32 s20, $0x5F80  }
0x334: {  	v1 =	vld [tilespmem:s19+$0x12000]  }
0x335: {  	v2 =	vld [tilespmem:s19+$0x12010]  }
0x336: {  	v3 =	vld [tilespmem:s19+$0x12020]  }
0x337: {  	v4 =	vld [tilespmem:s19+$0x12030]  }
0x338: {  	[tilespmem:s19+$0x6070] =	vst.add.f32.msk $0xffff, v0  }
0x339: {  	v5 =	vld [tilespmem:s19+$0x12040]  }
0x33a: {  	v6 =	vld [tilespmem:s19+$0x12050]  }
0x33b: {  	v0 =	vld [tilespmem:s19+$0x12060]  }
0x33c: {  	[tilespmem:s19+$0x6000] =	vst.add.f32.msk $0xffff, v1  }
.Ltmp15:
0x33d: {  	[tilespmem:s19+$0x6010] =	vst.add.f32.msk $0xffff, v2;
	(pc) =	sbr.rel @p0 .LBB2_32-.Ltmp15, $4  }
0x33e: {  	[tilespmem:s19+$0x6020] =	vst.add.f32.msk $0xffff, v3  }
0x33f: {  	[tilespmem:s19+$0x6030] =	vst.add.f32.msk $0xffff, v4  }
0x340: {  	[tilespmem:s19+$0x6040] =	vst.add.f32.msk $0xffff, v5  }
0x341: {  	s21 =	sadd.s32 $0x200, s21;
	[tilespmem:s19+$0x6050] =	vst.add.f32.msk $0xffff, v6  }
0x342: {  	[tilespmem:s19+$0x6060] =	vst.add.f32.msk $0xffff, v0  }
0x343: {  	s20 =	sld [smem:$0x7CB];
	_ =	sdelay $0x1  }
0x344: {  	s19 =	simm.s32 $0x0  }
0x345: {  	[hbm4b:s20+s19] =	stream.linear.scatter [tilespmem:s10], [sflag:$0x6], $0x6000, $0x38;
	[tilespmem:$0x18000] =	vst v63  }
0x346: {  	_ =	swait.ge [sflag:s17], $0x6000  }
0x347: {  	s21 =	sld [smem:$0x7CE]  }
0x348: {  	[sflag:s17] =	ssyncset.done $0x0  }
0x349: {  	[sflag:s17] =	ssyncadd.s32 $0xFFFFA000  }
0x34a: {  	[tilespmem:s10], [sflag:$0x2] =	stream.linear.gather [hbm4b:s21+s19], $0x6000, $0x38;
	[tilespmem:$0x18000] =	vst v63  }
0x34b: {  	_ = 	snop  }
0x34c: {  	[tilespmem:s11], [sflag:$0x4] =	stream.linear.gather [hbm4b:s23+s19], $0x6000, $0x38;
	[tilespmem:$0x18000] =	vst v63  }
0x34d: {  	_ =	swait.ge [sflag:s12], $0x6000  }
0x34e: {  	[sflag:s12] =	ssyncset.done $0x0  }
0x34f: {  	[sflag:s12] =	ssyncadd.s32 $0xFFFFA000  }
0x350: {  	_ =	swait.ge [sflag:s13], $0x6000  }
0x351: {  	[sflag:s13] =	ssyncset.done $0x0  }
0x352: {  	s19 =	simm.s32 $0x0;
	[sflag:s13] =	ssyncadd.s32 $0xFFFFA000  }
0x353: {  	v0 =	vld [tilespmem:s19+$0xC070]  }
0x354: {  	v1 =	vld [tilespmem:s19+$0xC000]  }
0x355: {  	v2 =	vld [tilespmem:s19+$0xC010]  }
0x356: {  	v3 =	vld [tilespmem:s19+$0xC020]  }
0x357: {  	v4 =	vld [tilespmem:s19+$0xC030]  }
0x358: {  	v5 =	vld [tilespmem:s19+$0xC040]  }
0x359: {  	v6 =	vld [tilespmem:s19+$0xC050]  }
0x35a: {  	[tilespmem:s19+$0x70] =	vst.add.f32.msk $0xffff, v0  }
0x35b: {  	v0 =	vld [tilespmem:s19+$0xC060]  }
0x35c: {  	[tilespmem:s19+$0x0] =	vst.add.f32.msk $0xffff, v1  }
0x35d: {  	[tilespmem:s19+$0x10] =	vst.add.f32.msk $0xffff, v2  }
0x35e: {  	[tilespmem:s19+$0x20] =	vst.add.f32.msk $0xffff, v3  }
0x35f: {  	[tilespmem:s19+$0x30] =	vst.add.f32.msk $0xffff, v4  }
0x360: {  	[tilespmem:s19+$0x40] =	vst.add.f32.msk $0xffff, v5  }
0x361: {  	s20 =	simm.s32 $0x0;
	s21 =	simm.s32 $0x200;
	[tilespmem:s19+$0x50] =	vst.add.f32.msk $0xffff, v6  }
.LBB2_34:
0x362: {  	s20 =	sadd.s32 $0x80, s20;
	[tilespmem:s19+$0x60] =	vst.add.f32.msk $0xffff, v0;
	s19 =	sshra.s32 s21, $0x2  }
0x363: {  	v0 =	vld [tilespmem:s19+$0xC070];
	p0 =	slt.u32 s20, $0x5F80  }
0x364: {  	v1 =	vld [tilespmem:s19+$0xC000]  }
0x365: {  	v2 =	vld [tilespmem:s19+$0xC010]  }
0x366: {  	v3 =	vld [tilespmem:s19+$0xC020]  }
0x367: {  	v4 =	vld [tilespmem:s19+$0xC030]  }
0x368: {  	[tilespmem:s19+$0x70] =	vst.add.f32.msk $0xffff, v0  }
0x369: {  	v5 =	vld [tilespmem:s19+$0xC040]  }
0x36a: {  	v6 =	vld [tilespmem:s19+$0xC050]  }
0x36b: {  	v0 =	vld [tilespmem:s19+$0xC060]  }
0x36c: {  	[tilespmem:s19+$0x0] =	vst.add.f32.msk $0xffff, v1  }
.Ltmp16:
0x36d: {  	[tilespmem:s19+$0x10] =	vst.add.f32.msk $0xffff, v2;
	(pc) =	sbr.rel @p0 .LBB2_34-.Ltmp16, $4  }
0x36e: {  	[tilespmem:s19+$0x20] =	vst.add.f32.msk $0xffff, v3  }
0x36f: {  	[tilespmem:s19+$0x30] =	vst.add.f32.msk $0xffff, v4  }
0x370: {  	[tilespmem:s19+$0x40] =	vst.add.f32.msk $0xffff, v5  }
0x371: {  	s21 =	sadd.s32 $0x200, s21;
	[tilespmem:s19+$0x50] =	vst.add.f32.msk $0xffff, v6  }
0x372: {  	[tilespmem:s19+$0x60] =	vst.add.f32.msk $0xffff, v0  }
0x373: {  	s20 =	sld [smem:$0x7CD];
	_ =	sdelay $0x1  }
0x374: {  	s19 =	simm.s32 $0x0  }
0x375: {  	[hbm4b:s20+s19] =	stream.linear.scatter [tilespmem:s19], [sflag:$0x5], $0x6000, $0x38;
	[tilespmem:$0x18000] =	vst v63  }
0x376: {  	_ =	swait.ge [sflag:s14], $0x6000  }
0x377: {  	s21 =	sld [smem:$0x7D0]  }
0x378: {  	[sflag:s14] =	ssyncset.done $0x0  }
0x379: {  	[sflag:s14] =	ssyncadd.s32 $0xFFFFA000  }
0x37a: {  	[tilespmem:s19], [sflag:$0x1] =	stream.linear.gather [hbm4b:s21+s19], $0x6000, $0x38;
	[tilespmem:$0x18000] =	vst v63  }
0x37b: {  	_ = 	snop  }
0x37c: {  	[tilespmem:s9], [sflag:$0x3] =	stream.linear.gather [hbm4b:s24+s19], $0x6000, $0x38;
	[tilespmem:$0x18000] =	vst v63  }
0x37d: {  	_ =	swait.ge [sflag:s15], $0x6000  }
0x37e: {  	[sflag:s15] =	ssyncset.done $0x0  }
0x37f: {  	[sflag:s15] =	ssyncadd.s32 $0xFFFFA000  }
0x380: {  	_ =	swait.ge [sflag:s16], $0x6000  }
0x381: {  	[sflag:s16] =	ssyncset.done $0x0  }
0x382: {  	s19 =	simm.s32 $0x0;
	[sflag:s16] =	ssyncadd.s32 $0xFFFFA000  }
0x383: {  	v0 =	vld [tilespmem:s19+$0x12070]  }
0x384: {  	v1 =	vld [tilespmem:s19+$0x12000]  }
0x385: {  	v2 =	vld [tilespmem:s19+$0x12010]  }
0x386: {  	v3 =	vld [tilespmem:s19+$0x12020]  }
0x387: {  	v4 =	vld [tilespmem:s19+$0x12030]  }
0x388: {  	v5 =	vld [tilespmem:s19+$0x12040]  }
0x389: {  	v6 =	vld [tilespmem:s19+$0x12050]  }
0x38a: {  	[tilespmem:s19+$0x6070] =	vst.add.f32.msk $0xffff, v0  }
0x38b: {  	v0 =	vld [tilespmem:s19+$0x12060]  }
0x38c: {  	[tilespmem:s19+$0x6000] =	vst.add.f32.msk $0xffff, v1  }
0x38d: {  	[tilespmem:s19+$0x6010] =	vst.add.f32.msk $0xffff, v2  }
0x38e: {  	[tilespmem:s19+$0x6020] =	vst.add.f32.msk $0xffff, v3  }
0x38f: {  	[tilespmem:s19+$0x6030] =	vst.add.f32.msk $0xffff, v4  }
0x390: {  	[tilespmem:s19+$0x6040] =	vst.add.f32.msk $0xffff, v5  }
0x391: {  	s20 =	simm.s32 $0x0;
	s21 =	simm.s32 $0x200;
	[tilespmem:s19+$0x6050] =	vst.add.f32.msk $0xffff, v6  }
.LBB2_36:
0x392: {  	s20 =	sadd.s32 $0x80, s20;
	[tilespmem:s19+$0x6060] =	vst.add.f32.msk $0xffff, v0;
	s19 =	sshra.s32 s21, $0x2  }
0x393: {  	v0 =	vld [tilespmem:s19+$0x12070];
	p0 =	slt.u32 s20, $0x5F80  }
0x394: {  	v1 =	vld [tilespmem:s19+$0x12000]  }
0x395: {  	v2 =	vld [tilespmem:s19+$0x12010]  }
0x396: {  	v3 =	vld [tilespmem:s19+$0x12020]  }
0x397: {  	v4 =	vld [tilespmem:s19+$0x12030]  }
0x398: {  	[tilespmem:s19+$0x6070] =	vst.add.f32.msk $0xffff, v0  }
0x399: {  	v5 =	vld [tilespmem:s19+$0x12040]  }
0x39a: {  	v6 =	vld [tilespmem:s19+$0x12050]  }
0x39b: {  	v0 =	vld [tilespmem:s19+$0x12060]  }
0x39c: {  	[tilespmem:s19+$0x6000] =	vst.add.f32.msk $0xffff, v1  }
.Ltmp17:
0x39d: {  	[tilespmem:s19+$0x6010] =	vst.add.f32.msk $0xffff, v2;
	(pc) =	sbr.rel @p0 .LBB2_36-.Ltmp17, $4  }
0x39e: {  	[tilespmem:s19+$0x6020] =	vst.add.f32.msk $0xffff, v3  }
0x39f: {  	[tilespmem:s19+$0x6030] =	vst.add.f32.msk $0xffff, v4  }
0x3a0: {  	[tilespmem:s19+$0x6040] =	vst.add.f32.msk $0xffff, v5  }
0x3a1: {  	s21 =	sadd.s32 $0x200, s21;
	[tilespmem:s19+$0x6050] =	vst.add.f32.msk $0xffff, v6  }
0x3a2: {  	[tilespmem:s19+$0x6060] =	vst.add.f32.msk $0xffff, v0  }
0x3a3: {  	s20 =	sld [smem:$0x7CF];
	_ =	sdelay $0x1  }
0x3a4: {  	s19 =	simm.s32 $0x0  }
0x3a5: {  	[hbm4b:s20+s19] =	stream.linear.scatter [tilespmem:s10], [sflag:$0x6], $0x6000, $0x38;
	[tilespmem:$0x18000] =	vst v63  }
0x3a6: {  	_ =	swait.ge [sflag:s17], $0x6000  }
0x3a7: {  	s21 =	sld [smem:$0x7D2]  }
0x3a8: {  	[sflag:s17] =	ssyncset.done $0x0  }
0x3a9: {  	[sflag:s17] =	ssyncadd.s32 $0xFFFFA000  }
0x3aa: {  	[tilespmem:s10], [sflag:$0x2] =	stream.linear.gather [hbm4b:s21+s19], $0x6000, $0x38;
	[tilespmem:$0x18000] =	vst v63  }
0x3ab: {  	_ = 	snop  }
0x3ac: {  	[tilespmem:s11], [sflag:$0x4] =	stream.linear.gather [hbm4b:s25+s19], $0x6000, $0x38;
	[tilespmem:$0x18000] =	vst v63  }
0x3ad: {  	_ =	swait.ge [sflag:s12], $0x6000  }
0x3ae: {  	[sflag:s12] =	ssyncset.done $0x0  }
0x3af: {  	[sflag:s12] =	ssyncadd.s32 $0xFFFFA000  }
0x3b0: {  	_ =	swait.ge [sflag:s13], $0x6000  }
0x3b1: {  	[sflag:s13] =	ssyncset.done $0x0  }
0x3b2: {  	s19 =	simm.s32 $0x0;
	[sflag:s13] =	ssyncadd.s32 $0xFFFFA000  }
0x3b3: {  	v0 =	vld [tilespmem:s19+$0xC070]  }
0x3b4: {  	v1 =	vld [tilespmem:s19+$0xC000]  }
0x3b5: {  	v2 =	vld [tilespmem:s19+$0xC010]  }
0x3b6: {  	v3 =	vld [tilespmem:s19+$0xC020]  }
0x3b7: {  	v4 =	vld [tilespmem:s19+$0xC030]  }
0x3b8: {  	v5 =	vld [tilespmem:s19+$0xC040]  }
0x3b9: {  	v6 =	vld [tilespmem:s19+$0xC050]  }
0x3ba: {  	[tilespmem:s19+$0x70] =	vst.add.f32.msk $0xffff, v0  }
0x3bb: {  	v0 =	vld [tilespmem:s19+$0xC060]  }
0x3bc: {  	[tilespmem:s19+$0x0] =	vst.add.f32.msk $0xffff, v1  }
0x3bd: {  	[tilespmem:s19+$0x10] =	vst.add.f32.msk $0xffff, v2  }
0x3be: {  	[tilespmem:s19+$0x20] =	vst.add.f32.msk $0xffff, v3  }
0x3bf: {  	[tilespmem:s19+$0x30] =	vst.add.f32.msk $0xffff, v4  }
0x3c0: {  	[tilespmem:s19+$0x40] =	vst.add.f32.msk $0xffff, v5  }
0x3c1: {  	s20 =	simm.s32 $0x0;
	s21 =	simm.s32 $0x200;
	[tilespmem:s19+$0x50] =	vst.add.f32.msk $0xffff, v6  }
.LBB2_38:
0x3c2: {  	s20 =	sadd.s32 $0x80, s20;
	[tilespmem:s19+$0x60] =	vst.add.f32.msk $0xffff, v0;
	s19 =	sshra.s32 s21, $0x2  }
0x3c3: {  	v0 =	vld [tilespmem:s19+$0xC070];
	p0 =	slt.u32 s20, $0x5F80  }
0x3c4: {  	v1 =	vld [tilespmem:s19+$0xC000]  }
0x3c5: {  	v2 =	vld [tilespmem:s19+$0xC010]  }
0x3c6: {  	v3 =	vld [tilespmem:s19+$0xC020]  }
0x3c7: {  	v4 =	vld [tilespmem:s19+$0xC030]  }
0x3c8: {  	[tilespmem:s19+$0x70] =	vst.add.f32.msk $0xffff, v0  }
0x3c9: {  	v5 =	vld [tilespmem:s19+$0xC040]  }
0x3ca: {  	v6 =	vld [tilespmem:s19+$0xC050]  }
0x3cb: {  	v0 =	vld [tilespmem:s19+$0xC060]  }
0x3cc: {  	[tilespmem:s19+$0x0] =	vst.add.f32.msk $0xffff, v1  }
.Ltmp18:
0x3cd: {  	[tilespmem:s19+$0x10] =	vst.add.f32.msk $0xffff, v2;
	(pc) =	sbr.rel @p0 .LBB2_38-.Ltmp18, $4  }
0x3ce: {  	[tilespmem:s19+$0x20] =	vst.add.f32.msk $0xffff, v3  }
0x3cf: {  	[tilespmem:s19+$0x30] =	vst.add.f32.msk $0xffff, v4  }
0x3d0: {  	[tilespmem:s19+$0x40] =	vst.add.f32.msk $0xffff, v5  }
0x3d1: {  	s21 =	sadd.s32 $0x200, s21;
	[tilespmem:s19+$0x50] =	vst.add.f32.msk $0xffff, v6  }
0x3d2: {  	[tilespmem:s19+$0x60] =	vst.add.f32.msk $0xffff, v0  }
0x3d3: {  	s20 =	sld [smem:$0x7D1];
	_ =	sdelay $0x1  }
0x3d4: {  	s19 =	simm.s32 $0x0  }
0x3d5: {  	[hbm4b:s20+s19] =	stream.linear.scatter [tilespmem:s19], [sflag:$0x5], $0x6000, $0x38;
	[tilespmem:$0x18000] =	vst v63  }
0x3d6: {  	_ =	swait.ge [sflag:s14], $0x6000  }
0x3d7: {  	s21 =	sld [smem:$0x7D4]  }
0x3d8: {  	[sflag:s14] =	ssyncset.done $0x0  }
0x3d9: {  	[sflag:s14] =	ssyncadd.s32 $0xFFFFA000  }
0x3da: {  	[tilespmem:s19], [sflag:$0x1] =	stream.linear.gather [hbm4b:s21+s19], $0x6000, $0x38;
	[tilespmem:$0x18000] =	vst v63  }
0x3db: {  	_ = 	snop  }
0x3dc: {  	[tilespmem:s9], [sflag:$0x3] =	stream.linear.gather [hbm4b:s26+s19], $0x6000, $0x38;
	[tilespmem:$0x18000] =	vst v63  }
0x3dd: {  	_ =	swait.ge [sflag:s15], $0x6000  }
0x3de: {  	[sflag:s15] =	ssyncset.done $0x0  }
0x3df: {  	[sflag:s15] =	ssyncadd.s32 $0xFFFFA000  }
0x3e0: {  	_ =	swait.ge [sflag:s16], $0x6000  }
0x3e1: {  	[sflag:s16] =	ssyncset.done $0x0  }
0x3e2: {  	s19 =	simm.s32 $0x0;
	[sflag:s16] =	ssyncadd.s32 $0xFFFFA000  }
0x3e3: {  	v0 =	vld [tilespmem:s19+$0x12070]  }
0x3e4: {  	v1 =	vld [tilespmem:s19+$0x12000]  }
0x3e5: {  	v2 =	vld [tilespmem:s19+$0x12010]  }
0x3e6: {  	v3 =	vld [tilespmem:s19+$0x12020]  }
0x3e7: {  	v4 =	vld [tilespmem:s19+$0x12030]  }
0x3e8: {  	v5 =	vld [tilespmem:s19+$0x12040]  }
0x3e9: {  	v6 =	vld [tilespmem:s19+$0x12050]  }
0x3ea: {  	[tilespmem:s19+$0x6070] =	vst.add.f32.msk $0xffff, v0  }
0x3eb: {  	v0 =	vld [tilespmem:s19+$0x12060]  }
0x3ec: {  	[tilespmem:s19+$0x6000] =	vst.add.f32.msk $0xffff, v1  }
0x3ed: {  	[tilespmem:s19+$0x6010] =	vst.add.f32.msk $0xffff, v2  }
0x3ee: {  	[tilespmem:s19+$0x6020] =	vst.add.f32.msk $0xffff, v3  }
0x3ef: {  	[tilespmem:s19+$0x6030] =	vst.add.f32.msk $0xffff, v4  }
0x3f0: {  	[tilespmem:s19+$0x6040] =	vst.add.f32.msk $0xffff, v5  }
0x3f1: {  	s20 =	simm.s32 $0x0;
	s21 =	simm.s32 $0x200;
	[tilespmem:s19+$0x6050] =	vst.add.f32.msk $0xffff, v6  }
.LBB2_40:
0x3f2: {  	s20 =	sadd.s32 $0x80, s20;
	[tilespmem:s19+$0x6060] =	vst.add.f32.msk $0xffff, v0;
	s19 =	sshra.s32 s21, $0x2  }
0x3f3: {  	v0 =	vld [tilespmem:s19+$0x12070];
	p0 =	slt.u32 s20, $0x5F80  }
0x3f4: {  	v1 =	vld [tilespmem:s19+$0x12000]  }
0x3f5: {  	v2 =	vld [tilespmem:s19+$0x12010]  }
0x3f6: {  	v3 =	vld [tilespmem:s19+$0x12020]  }
0x3f7: {  	v4 =	vld [tilespmem:s19+$0x12030]  }
0x3f8: {  	[tilespmem:s19+$0x6070] =	vst.add.f32.msk $0xffff, v0  }
0x3f9: {  	v5 =	vld [tilespmem:s19+$0x12040]  }
0x3fa: {  	v6 =	vld [tilespmem:s19+$0x12050]  }
0x3fb: {  	v0 =	vld [tilespmem:s19+$0x12060]  }
0x3fc: {  	[tilespmem:s19+$0x6000] =	vst.add.f32.msk $0xffff, v1  }
.Ltmp19:
0x3fd: {  	[tilespmem:s19+$0x6010] =	vst.add.f32.msk $0xffff, v2;
	(pc) =	sbr.rel @p0 .LBB2_40-.Ltmp19, $4  }
0x3fe: {  	[tilespmem:s19+$0x6020] =	vst.add.f32.msk $0xffff, v3  }
0x3ff: {  	[tilespmem:s19+$0x6030] =	vst.add.f32.msk $0xffff, v4  }
0x400: {  	[tilespmem:s19+$0x6040] =	vst.add.f32.msk $0xffff, v5  }
0x401: {  	s21 =	sadd.s32 $0x200, s21;
	[tilespmem:s19+$0x6050] =	vst.add.f32.msk $0xffff, v6  }
0x402: {  	[tilespmem:s19+$0x6060] =	vst.add.f32.msk $0xffff, v0  }
0x403: {  	s20 =	sld [smem:$0x7D3];
	_ =	sdelay $0x1  }
0x404: {  	s19 =	simm.s32 $0x0  }
0x405: {  	[hbm4b:s20+s19] =	stream.linear.scatter [tilespmem:s10], [sflag:$0x6], $0x6000, $0x38;
	[tilespmem:$0x18000] =	vst v63  }
0x406: {  	_ =	swait.ge [sflag:s17], $0x6000  }
0x407: {  	s21 =	sld [smem:$0x7D6]  }
0x408: {  	[sflag:s17] =	ssyncset.done $0x0  }
0x409: {  	[sflag:s17] =	ssyncadd.s32 $0xFFFFA000  }
0x40a: {  	[tilespmem:s10], [sflag:$0x2] =	stream.linear.gather [hbm4b:s21+s19], $0x6000, $0x38;
	[tilespmem:$0x18000] =	vst v63  }
0x40b: {  	_ = 	snop  }
0x40c: {  	[tilespmem:s11], [sflag:$0x4] =	stream.linear.gather [hbm4b:s28+s19], $0x6000, $0x38;
	[tilespmem:$0x18000] =	vst v63  }
0x40d: {  	_ =	swait.ge [sflag:s12], $0x6000  }
0x40e: {  	[sflag:s12] =	ssyncset.done $0x0  }
0x40f: {  	[sflag:s12] =	ssyncadd.s32 $0xFFFFA000  }
0x410: {  	_ =	swait.ge [sflag:s13], $0x6000  }
0x411: {  	[sflag:s13] =	ssyncset.done $0x0  }
0x412: {  	s19 =	simm.s32 $0x0;
	[sflag:s13] =	ssyncadd.s32 $0xFFFFA000  }
0x413: {  	v0 =	vld [tilespmem:s19+$0xC070]  }
0x414: {  	v1 =	vld [tilespmem:s19+$0xC000]  }
0x415: {  	v2 =	vld [tilespmem:s19+$0xC010]  }
0x416: {  	v3 =	vld [tilespmem:s19+$0xC020]  }
0x417: {  	v4 =	vld [tilespmem:s19+$0xC030]  }
0x418: {  	v5 =	vld [tilespmem:s19+$0xC040]  }
0x419: {  	v6 =	vld [tilespmem:s19+$0xC050]  }
0x41a: {  	[tilespmem:s19+$0x70] =	vst.add.f32.msk $0xffff, v0  }
0x41b: {  	v0 =	vld [tilespmem:s19+$0xC060]  }
0x41c: {  	[tilespmem:s19+$0x0] =	vst.add.f32.msk $0xffff, v1  }
0x41d: {  	[tilespmem:s19+$0x10] =	vst.add.f32.msk $0xffff, v2  }
0x41e: {  	[tilespmem:s19+$0x20] =	vst.add.f32.msk $0xffff, v3  }
0x41f: {  	[tilespmem:s19+$0x30] =	vst.add.f32.msk $0xffff, v4  }
0x420: {  	[tilespmem:s19+$0x40] =	vst.add.f32.msk $0xffff, v5  }
0x421: {  	s20 =	simm.s32 $0x0;
	s21 =	simm.s32 $0x200;
	[tilespmem:s19+$0x50] =	vst.add.f32.msk $0xffff, v6  }
.LBB2_42:
0x422: {  	s20 =	sadd.s32 $0x80, s20;
	[tilespmem:s19+$0x60] =	vst.add.f32.msk $0xffff, v0;
	s19 =	sshra.s32 s21, $0x2  }
0x423: {  	v0 =	vld [tilespmem:s19+$0xC070];
	p0 =	slt.u32 s20, $0x5F80  }
0x424: {  	v1 =	vld [tilespmem:s19+$0xC000]  }
0x425: {  	v2 =	vld [tilespmem:s19+$0xC010]  }
0x426: {  	v3 =	vld [tilespmem:s19+$0xC020]  }
0x427: {  	v4 =	vld [tilespmem:s19+$0xC030]  }
0x428: {  	[tilespmem:s19+$0x70] =	vst.add.f32.msk $0xffff, v0  }
0x429: {  	v5 =	vld [tilespmem:s19+$0xC040]  }
0x42a: {  	v6 =	vld [tilespmem:s19+$0xC050]  }
0x42b: {  	v0 =	vld [tilespmem:s19+$0xC060]  }
0x42c: {  	[tilespmem:s19+$0x0] =	vst.add.f32.msk $0xffff, v1  }
.Ltmp20:
0x42d: {  	[tilespmem:s19+$0x10] =	vst.add.f32.msk $0xffff, v2;
	(pc) =	sbr.rel @p0 .LBB2_42-.Ltmp20, $4  }
0x42e: {  	[tilespmem:s19+$0x20] =	vst.add.f32.msk $0xffff, v3  }
0x42f: {  	[tilespmem:s19+$0x30] =	vst.add.f32.msk $0xffff, v4  }
0x430: {  	[tilespmem:s19+$0x40] =	vst.add.f32.msk $0xffff, v5  }
0x431: {  	s21 =	sadd.s32 $0x200, s21;
	[tilespmem:s19+$0x50] =	vst.add.f32.msk $0xffff, v6  }
0x432: {  	[tilespmem:s19+$0x60] =	vst.add.f32.msk $0xffff, v0  }
0x433: {  	s20 =	sld [smem:$0x7D5];
	_ =	sdelay $0x1  }
0x434: {  	s19 =	simm.s32 $0x0  }
0x435: {  	[hbm4b:s20+s19] =	stream.linear.scatter [tilespmem:s19], [sflag:$0x5], $0x6000, $0x38;
	[tilespmem:$0x18000] =	vst v63  }
0x436: {  	_ =	swait.ge [sflag:s14], $0x6000  }
0x437: {  	s21 =	sld [smem:$0x7D8]  }
0x438: {  	[sflag:s14] =	ssyncset.done $0x0  }
0x439: {  	[sflag:s14] =	ssyncadd.s32 $0xFFFFA000  }
0x43a: {  	[tilespmem:s19], [sflag:$0x1] =	stream.linear.gather [hbm4b:s21+s19], $0x6000, $0x38;
	[tilespmem:$0x18000] =	vst v63  }
0x43b: {  	_ = 	snop  }
0x43c: {  	[tilespmem:s9], [sflag:$0x3] =	stream.linear.gather [hbm4b:s29+s19], $0x6000, $0x38;
	[tilespmem:$0x18000] =	vst v63  }
0x43d: {  	_ =	swait.ge [sflag:s15], $0x6000  }
0x43e: {  	[sflag:s15] =	ssyncset.done $0x0  }
0x43f: {  	[sflag:s15] =	ssyncadd.s32 $0xFFFFA000  }
0x440: {  	_ =	swait.ge [sflag:s16], $0x6000  }
0x441: {  	[sflag:s16] =	ssyncset.done $0x0  }
0x442: {  	s19 =	simm.s32 $0x0;
	[sflag:s16] =	ssyncadd.s32 $0xFFFFA000  }
0x443: {  	v0 =	vld [tilespmem:s19+$0x12070]  }
0x444: {  	v1 =	vld [tilespmem:s19+$0x12000]  }
0x445: {  	v2 =	vld [tilespmem:s19+$0x12010]  }
0x446: {  	v3 =	vld [tilespmem:s19+$0x12020]  }
0x447: {  	v4 =	vld [tilespmem:s19+$0x12030]  }
0x448: {  	v5 =	vld [tilespmem:s19+$0x12040]  }
0x449: {  	v6 =	vld [tilespmem:s19+$0x12050]  }
0x44a: {  	[tilespmem:s19+$0x6070] =	vst.add.f32.msk $0xffff, v0  }
0x44b: {  	v0 =	vld [tilespmem:s19+$0x12060]  }
0x44c: {  	[tilespmem:s19+$0x6000] =	vst.add.f32.msk $0xffff, v1  }
0x44d: {  	[tilespmem:s19+$0x6010] =	vst.add.f32.msk $0xffff, v2  }
0x44e: {  	[tilespmem:s19+$0x6020] =	vst.add.f32.msk $0xffff, v3  }
0x44f: {  	[tilespmem:s19+$0x6030] =	vst.add.f32.msk $0xffff, v4  }
0x450: {  	[tilespmem:s19+$0x6040] =	vst.add.f32.msk $0xffff, v5  }
0x451: {  	s20 =	simm.s32 $0x0;
	s21 =	simm.s32 $0x200;
	[tilespmem:s19+$0x6050] =	vst.add.f32.msk $0xffff, v6  }
.LBB2_44:
0x452: {  	s20 =	sadd.s32 $0x80, s20;
	[tilespmem:s19+$0x6060] =	vst.add.f32.msk $0xffff, v0;
	s19 =	sshra.s32 s21, $0x2  }
0x453: {  	v0 =	vld [tilespmem:s19+$0x12070];
	p0 =	slt.u32 s20, $0x5F80  }
0x454: {  	v1 =	vld [tilespmem:s19+$0x12000]  }
0x455: {  	v2 =	vld [tilespmem:s19+$0x12010]  }
0x456: {  	v3 =	vld [tilespmem:s19+$0x12020]  }
0x457: {  	v4 =	vld [tilespmem:s19+$0x12030]  }
0x458: {  	[tilespmem:s19+$0x6070] =	vst.add.f32.msk $0xffff, v0  }
0x459: {  	v5 =	vld [tilespmem:s19+$0x12040]  }
0x45a: {  	v6 =	vld [tilespmem:s19+$0x12050]  }
0x45b: {  	v0 =	vld [tilespmem:s19+$0x12060]  }
0x45c: {  	[tilespmem:s19+$0x6000] =	vst.add.f32.msk $0xffff, v1  }
.Ltmp21:
0x45d: {  	[tilespmem:s19+$0x6010] =	vst.add.f32.msk $0xffff, v2;
	(pc) =	sbr.rel @p0 .LBB2_44-.Ltmp21, $4  }
0x45e: {  	[tilespmem:s19+$0x6020] =	vst.add.f32.msk $0xffff, v3  }
0x45f: {  	[tilespmem:s19+$0x6030] =	vst.add.f32.msk $0xffff, v4  }
0x460: {  	[tilespmem:s19+$0x6040] =	vst.add.f32.msk $0xffff, v5  }
0x461: {  	s21 =	sadd.s32 $0x200, s21;
	[tilespmem:s19+$0x6050] =	vst.add.f32.msk $0xffff, v6  }
0x462: {  	[tilespmem:s19+$0x6060] =	vst.add.f32.msk $0xffff, v0  }
0x463: {  	s20 =	sld [smem:$0x7D7];
	_ =	sdelay $0x1  }
0x464: {  	s19 =	simm.s32 $0x0  }
0x465: {  	[hbm4b:s20+s19] =	stream.linear.scatter [tilespmem:s10], [sflag:$0x6], $0x6000, $0x38;
	[tilespmem:$0x18000] =	vst v63  }
0x466: {  	_ =	swait.ge [sflag:s17], $0x6000  }
0x467: {  	s21 =	sld [smem:$0x7DA]  }
0x468: {  	[sflag:s17] =	ssyncset.done $0x0  }
0x469: {  	[sflag:s17] =	ssyncadd.s32 $0xFFFFA000  }
0x46a: {  	[tilespmem:s10], [sflag:$0x2] =	stream.linear.gather [hbm4b:s21+s19], $0x6000, $0x38;
	[tilespmem:$0x18000] =	vst v63  }
0x46b: {  	_ = 	snop  }
0x46c: {  	[tilespmem:s11], [sflag:$0x4] =	stream.linear.gather [hbm4b:s30+s19], $0x6000, $0x38;
	[tilespmem:$0x18000] =	vst v63  }
0x46d: {  	_ =	swait.ge [sflag:s12], $0x6000  }
0x46e: {  	[sflag:s12] =	ssyncset.done $0x0  }
0x46f: {  	[sflag:s12] =	ssyncadd.s32 $0xFFFFA000  }
0x470: {  	_ =	swait.ge [sflag:s13], $0x6000  }
0x471: {  	[sflag:s13] =	ssyncset.done $0x0  }
0x472: {  	s19 =	simm.s32 $0x0;
	[sflag:s13] =	ssyncadd.s32 $0xFFFFA000  }
0x473: {  	v0 =	vld [tilespmem:s19+$0xC070]  }
0x474: {  	v1 =	vld [tilespmem:s19+$0xC000]  }
0x475: {  	v2 =	vld [tilespmem:s19+$0xC010]  }
0x476: {  	v3 =	vld [tilespmem:s19+$0xC020]  }
0x477: {  	v4 =	vld [tilespmem:s19+$0xC030]  }
0x478: {  	v5 =	vld [tilespmem:s19+$0xC040]  }
0x479: {  	v6 =	vld [tilespmem:s19+$0xC050]  }
0x47a: {  	[tilespmem:s19+$0x70] =	vst.add.f32.msk $0xffff, v0  }
0x47b: {  	v0 =	vld [tilespmem:s19+$0xC060]  }
0x47c: {  	[tilespmem:s19+$0x0] =	vst.add.f32.msk $0xffff, v1  }
0x47d: {  	[tilespmem:s19+$0x10] =	vst.add.f32.msk $0xffff, v2  }
0x47e: {  	[tilespmem:s19+$0x20] =	vst.add.f32.msk $0xffff, v3  }
0x47f: {  	[tilespmem:s19+$0x30] =	vst.add.f32.msk $0xffff, v4  }
0x480: {  	[tilespmem:s19+$0x40] =	vst.add.f32.msk $0xffff, v5  }
0x481: {  	s20 =	simm.s32 $0x0;
	s21 =	simm.s32 $0x200;
	[tilespmem:s19+$0x50] =	vst.add.f32.msk $0xffff, v6  }
.LBB2_46:
0x482: {  	s20 =	sadd.s32 $0x80, s20;
	[tilespmem:s19+$0x60] =	vst.add.f32.msk $0xffff, v0;
	s19 =	sshra.s32 s21, $0x2  }
0x483: {  	v0 =	vld [tilespmem:s19+$0xC070];
	p0 =	slt.u32 s20, $0x5F80  }
0x484: {  	v1 =	vld [tilespmem:s19+$0xC000]  }
0x485: {  	v2 =	vld [tilespmem:s19+$0xC010]  }
0x486: {  	v3 =	vld [tilespmem:s19+$0xC020]  }
0x487: {  	v4 =	vld [tilespmem:s19+$0xC030]  }
0x488: {  	[tilespmem:s19+$0x70] =	vst.add.f32.msk $0xffff, v0  }
0x489: {  	v5 =	vld [tilespmem:s19+$0xC040]  }
0x48a: {  	v6 =	vld [tilespmem:s19+$0xC050]  }
0x48b: {  	v0 =	vld [tilespmem:s19+$0xC060]  }
0x48c: {  	[tilespmem:s19+$0x0] =	vst.add.f32.msk $0xffff, v1  }
.Ltmp22:
0x48d: {  	[tilespmem:s19+$0x10] =	vst.add.f32.msk $0xffff, v2;
	(pc) =	sbr.rel @p0 .LBB2_46-.Ltmp22, $4  }
0x48e: {  	[tilespmem:s19+$0x20] =	vst.add.f32.msk $0xffff, v3  }
0x48f: {  	[tilespmem:s19+$0x30] =	vst.add.f32.msk $0xffff, v4  }
0x490: {  	[tilespmem:s19+$0x40] =	vst.add.f32.msk $0xffff, v5  }
0x491: {  	s21 =	sadd.s32 $0x200, s21;
	[tilespmem:s19+$0x50] =	vst.add.f32.msk $0xffff, v6  }
0x492: {  	[tilespmem:s19+$0x60] =	vst.add.f32.msk $0xffff, v0  }
0x493: {  	s20 =	sld [smem:$0x7D9];
	_ =	sdelay $0x1  }
0x494: {  	s19 =	simm.s32 $0x0  }
0x495: {  	[hbm4b:s20+s19] =	stream.linear.scatter [tilespmem:s19], [sflag:$0x5], $0x6000, $0x38;
	[tilespmem:$0x18000] =	vst v63  }
0x496: {  	_ =	swait.ge [sflag:s14], $0x6000  }
0x497: {  	s21 =	sld [smem:$0x7DC]  }
0x498: {  	[sflag:s14] =	ssyncset.done $0x0  }
0x499: {  	[sflag:s14] =	ssyncadd.s32 $0xFFFFA000  }
0x49a: {  	[tilespmem:s19], [sflag:$0x1] =	stream.linear.gather [hbm4b:s21+s19], $0x6000, $0x38;
	[tilespmem:$0x18000] =	vst v63  }
0x49b: {  	_ = 	snop  }
0x49c: {  	[tilespmem:s9], [sflag:$0x3] =	stream.linear.gather [hbm4b:s31+s19], $0x6000, $0x38;
	[tilespmem:$0x18000] =	vst v63  }
0x49d: {  	_ =	swait.ge [sflag:s15], $0x6000  }
0x49e: {  	[sflag:s15] =	ssyncset.done $0x0  }
0x49f: {  	[sflag:s15] =	ssyncadd.s32 $0xFFFFA000  }
0x4a0: {  	_ =	swait.ge [sflag:s16], $0x6000  }
0x4a1: {  	[sflag:s16] =	ssyncset.done $0x0  }
0x4a2: {  	s19 =	simm.s32 $0x0;
	[sflag:s16] =	ssyncadd.s32 $0xFFFFA000  }
0x4a3: {  	v0 =	vld [tilespmem:s19+$0x12070]  }
0x4a4: {  	v1 =	vld [tilespmem:s19+$0x12000]  }
0x4a5: {  	v2 =	vld [tilespmem:s19+$0x12010]  }
0x4a6: {  	v3 =	vld [tilespmem:s19+$0x12020]  }
0x4a7: {  	v4 =	vld [tilespmem:s19+$0x12030]  }
0x4a8: {  	v5 =	vld [tilespmem:s19+$0x12040]  }
0x4a9: {  	v6 =	vld [tilespmem:s19+$0x12050]  }
0x4aa: {  	[tilespmem:s19+$0x6070] =	vst.add.f32.msk $0xffff, v0  }
0x4ab: {  	v0 =	vld [tilespmem:s19+$0x12060]  }
0x4ac: {  	[tilespmem:s19+$0x6000] =	vst.add.f32.msk $0xffff, v1  }
0x4ad: {  	[tilespmem:s19+$0x6010] =	vst.add.f32.msk $0xffff, v2  }
0x4ae: {  	[tilespmem:s19+$0x6020] =	vst.add.f32.msk $0xffff, v3  }
0x4af: {  	[tilespmem:s19+$0x6030] =	vst.add.f32.msk $0xffff, v4  }
0x4b0: {  	[tilespmem:s19+$0x6040] =	vst.add.f32.msk $0xffff, v5  }
0x4b1: {  	s20 =	simm.s32 $0x0;
	s21 =	simm.s32 $0x200;
	[tilespmem:s19+$0x6050] =	vst.add.f32.msk $0xffff, v6  }
.LBB2_48:
0x4b2: {  	s20 =	sadd.s32 $0x80, s20;
	[tilespmem:s19+$0x6060] =	vst.add.f32.msk $0xffff, v0;
	s19 =	sshra.s32 s21, $0x2  }
0x4b3: {  	v0 =	vld [tilespmem:s19+$0x12070];
	p0 =	slt.u32 s20, $0x5F80  }
0x4b4: {  	v1 =	vld [tilespmem:s19+$0x12000]  }
0x4b5: {  	v2 =	vld [tilespmem:s19+$0x12010]  }
0x4b6: {  	v3 =	vld [tilespmem:s19+$0x12020]  }
0x4b7: {  	v4 =	vld [tilespmem:s19+$0x12030]  }
0x4b8: {  	[tilespmem:s19+$0x6070] =	vst.add.f32.msk $0xffff, v0  }
0x4b9: {  	v5 =	vld [tilespmem:s19+$0x12040]  }
0x4ba: {  	v6 =	vld [tilespmem:s19+$0x12050]  }
0x4bb: {  	v0 =	vld [tilespmem:s19+$0x12060]  }
0x4bc: {  	[tilespmem:s19+$0x6000] =	vst.add.f32.msk $0xffff, v1  }
.Ltmp23:
0x4bd: {  	[tilespmem:s19+$0x6010] =	vst.add.f32.msk $0xffff, v2;
	(pc) =	sbr.rel @p0 .LBB2_48-.Ltmp23, $4  }
0x4be: {  	[tilespmem:s19+$0x6020] =	vst.add.f32.msk $0xffff, v3  }
0x4bf: {  	[tilespmem:s19+$0x6030] =	vst.add.f32.msk $0xffff, v4  }
0x4c0: {  	[tilespmem:s19+$0x6040] =	vst.add.f32.msk $0xffff, v5  }
0x4c1: {  	s21 =	sadd.s32 $0x200, s21;
	[tilespmem:s19+$0x6050] =	vst.add.f32.msk $0xffff, v6  }
0x4c2: {  	[tilespmem:s19+$0x6060] =	vst.add.f32.msk $0xffff, v0  }
0x4c3: {  	s20 =	sld [smem:$0x7DB];
	_ =	sdelay $0x1  }
0x4c4: {  	s19 =	simm.s32 $0x0  }
0x4c5: {  	[hbm4b:s20+s19] =	stream.linear.scatter [tilespmem:s10], [sflag:$0x6], $0x6000, $0x38;
	[tilespmem:$0x18000] =	vst v63  }
0x4c6: {  	_ =	swait.ge [sflag:s17], $0x6000  }
0x4c7: {  	s21 =	sld [smem:$0x7DE]  }
0x4c8: {  	[sflag:s17] =	ssyncset.done $0x0  }
0x4c9: {  	[sflag:s17] =	ssyncadd.s32 $0xFFFFA000  }
0x4ca: {  	[tilespmem:s10], [sflag:$0x2] =	stream.linear.gather [hbm4b:s21+s19], $0x6000, $0x38;
	[tilespmem:$0x18000] =	vst v63  }
0x4cb: {  	_ = 	snop  }
0x4cc: {  	[tilespmem:s11], [sflag:$0x4] =	stream.linear.gather [hbm4b:s0+s19], $0x6000, $0x38;
	[tilespmem:$0x18000] =	vst v63  }
0x4cd: {  	_ =	swait.ge [sflag:s12], $0x6000  }
0x4ce: {  	[sflag:s12] =	ssyncset.done $0x0  }
0x4cf: {  	[sflag:s12] =	ssyncadd.s32 $0xFFFFA000  }
0x4d0: {  	_ =	swait.ge [sflag:s13], $0x6000  }
0x4d1: {  	[sflag:s13] =	ssyncset.done $0x0  }
0x4d2: {  	s19 =	simm.s32 $0x0;
	[sflag:s13] =	ssyncadd.s32 $0xFFFFA000  }
0x4d3: {  	v0 =	vld [tilespmem:s19+$0xC070]  }
0x4d4: {  	v1 =	vld [tilespmem:s19+$0xC000]  }
0x4d5: {  	v2 =	vld [tilespmem:s19+$0xC010]  }
0x4d6: {  	v3 =	vld [tilespmem:s19+$0xC020]  }
0x4d7: {  	v4 =	vld [tilespmem:s19+$0xC030]  }
0x4d8: {  	v5 =	vld [tilespmem:s19+$0xC040]  }
0x4d9: {  	v6 =	vld [tilespmem:s19+$0xC050]  }
0x4da: {  	[tilespmem:s19+$0x70] =	vst.add.f32.msk $0xffff, v0  }
0x4db: {  	v0 =	vld [tilespmem:s19+$0xC060]  }
0x4dc: {  	[tilespmem:s19+$0x0] =	vst.add.f32.msk $0xffff, v1  }
0x4dd: {  	[tilespmem:s19+$0x10] =	vst.add.f32.msk $0xffff, v2  }
0x4de: {  	[tilespmem:s19+$0x20] =	vst.add.f32.msk $0xffff, v3  }
0x4df: {  	[tilespmem:s19+$0x30] =	vst.add.f32.msk $0xffff, v4  }
0x4e0: {  	[tilespmem:s19+$0x40] =	vst.add.f32.msk $0xffff, v5  }
0x4e1: {  	s20 =	simm.s32 $0x0;
	s21 =	simm.s32 $0x200;
	[tilespmem:s19+$0x50] =	vst.add.f32.msk $0xffff, v6  }
.LBB2_50:
0x4e2: {  	s20 =	sadd.s32 $0x80, s20;
	[tilespmem:s19+$0x60] =	vst.add.f32.msk $0xffff, v0;
	s19 =	sshra.s32 s21, $0x2  }
0x4e3: {  	v0 =	vld [tilespmem:s19+$0xC070];
	p0 =	slt.u32 s20, $0x5F80  }
0x4e4: {  	v1 =	vld [tilespmem:s19+$0xC000]  }
0x4e5: {  	v2 =	vld [tilespmem:s19+$0xC010]  }
0x4e6: {  	v3 =	vld [tilespmem:s19+$0xC020]  }
0x4e7: {  	v4 =	vld [tilespmem:s19+$0xC030]  }
0x4e8: {  	[tilespmem:s19+$0x70] =	vst.add.f32.msk $0xffff, v0  }
0x4e9: {  	v5 =	vld [tilespmem:s19+$0xC040]  }
0x4ea: {  	v6 =	vld [tilespmem:s19+$0xC050]  }
0x4eb: {  	v0 =	vld [tilespmem:s19+$0xC060]  }
0x4ec: {  	[tilespmem:s19+$0x0] =	vst.add.f32.msk $0xffff, v1  }
.Ltmp24:
0x4ed: {  	[tilespmem:s19+$0x10] =	vst.add.f32.msk $0xffff, v2;
	(pc) =	sbr.rel @p0 .LBB2_50-.Ltmp24, $4  }
0x4ee: {  	[tilespmem:s19+$0x20] =	vst.add.f32.msk $0xffff, v3  }
0x4ef: {  	[tilespmem:s19+$0x30] =	vst.add.f32.msk $0xffff, v4  }
0x4f0: {  	[tilespmem:s19+$0x40] =	vst.add.f32.msk $0xffff, v5  }
0x4f1: {  	s21 =	sadd.s32 $0x200, s21;
	[tilespmem:s19+$0x50] =	vst.add.f32.msk $0xffff, v6  }
0x4f2: {  	[tilespmem:s19+$0x60] =	vst.add.f32.msk $0xffff, v0  }
0x4f3: {  	s20 =	sld [smem:$0x7DD];
	_ =	sdelay $0x1  }
0x4f4: {  	s19 =	simm.s32 $0x0  }
0x4f5: {  	[hbm4b:s20+s19] =	stream.linear.scatter [tilespmem:s19], [sflag:$0x5], $0x6000, $0x38;
	[tilespmem:$0x18000] =	vst v63  }
0x4f6: {  	_ =	swait.ge [sflag:s14], $0x6000  }
0x4f7: {  	s21 =	sld [smem:$0x7E0]  }
0x4f8: {  	[sflag:s14] =	ssyncset.done $0x0  }
0x4f9: {  	[sflag:s14] =	ssyncadd.s32 $0xFFFFA000  }
0x4fa: {  	[tilespmem:s19], [sflag:$0x1] =	stream.linear.gather [hbm4b:s21+s19], $0x6000, $0x38;
	[tilespmem:$0x18000] =	vst v63  }
0x4fb: {  	_ = 	snop  }
0x4fc: {  	[tilespmem:s9], [sflag:$0x3] =	stream.linear.gather [hbm4b:s2+s19], $0x6000, $0x38;
	[tilespmem:$0x18000] =	vst v63  }
0x4fd: {  	_ =	swait.ge [sflag:s15], $0x6000  }
0x4fe: {  	[sflag:s15] =	ssyncset.done $0x0  }
0x4ff: {  	[sflag:s15] =	ssyncadd.s32 $0xFFFFA000  }
0x500: {  	_ =	swait.ge [sflag:s16], $0x6000  }
0x501: {  	[sflag:s16] =	ssyncset.done $0x0  }
0x502: {  	s19 =	simm.s32 $0x0;
	[sflag:s16] =	ssyncadd.s32 $0xFFFFA000  }
0x503: {  	v0 =	vld [tilespmem:s19+$0x12070]  }
0x504: {  	v1 =	vld [tilespmem:s19+$0x12000]  }
0x505: {  	v2 =	vld [tilespmem:s19+$0x12010]  }
0x506: {  	v3 =	vld [tilespmem:s19+$0x12020]  }
0x507: {  	v4 =	vld [tilespmem:s19+$0x12030]  }
0x508: {  	v5 =	vld [tilespmem:s19+$0x12040]  }
0x509: {  	v6 =	vld [tilespmem:s19+$0x12050]  }
0x50a: {  	[tilespmem:s19+$0x6070] =	vst.add.f32.msk $0xffff, v0  }
0x50b: {  	v0 =	vld [tilespmem:s19+$0x12060]  }
0x50c: {  	[tilespmem:s19+$0x6000] =	vst.add.f32.msk $0xffff, v1  }
0x50d: {  	[tilespmem:s19+$0x6010] =	vst.add.f32.msk $0xffff, v2  }
0x50e: {  	[tilespmem:s19+$0x6020] =	vst.add.f32.msk $0xffff, v3  }
0x50f: {  	[tilespmem:s19+$0x6030] =	vst.add.f32.msk $0xffff, v4  }
0x510: {  	[tilespmem:s19+$0x6040] =	vst.add.f32.msk $0xffff, v5  }
0x511: {  	s20 =	simm.s32 $0x0;
	s21 =	simm.s32 $0x200;
	[tilespmem:s19+$0x6050] =	vst.add.f32.msk $0xffff, v6  }
.LBB2_52:
0x512: {  	s20 =	sadd.s32 $0x80, s20;
	[tilespmem:s19+$0x6060] =	vst.add.f32.msk $0xffff, v0;
	s19 =	sshra.s32 s21, $0x2  }
0x513: {  	v0 =	vld [tilespmem:s19+$0x12070];
	p0 =	slt.u32 s20, $0x5F80  }
0x514: {  	v1 =	vld [tilespmem:s19+$0x12000]  }
0x515: {  	v2 =	vld [tilespmem:s19+$0x12010]  }
0x516: {  	v3 =	vld [tilespmem:s19+$0x12020]  }
0x517: {  	v4 =	vld [tilespmem:s19+$0x12030]  }
0x518: {  	[tilespmem:s19+$0x6070] =	vst.add.f32.msk $0xffff, v0  }
0x519: {  	v5 =	vld [tilespmem:s19+$0x12040]  }
0x51a: {  	v6 =	vld [tilespmem:s19+$0x12050]  }
0x51b: {  	v0 =	vld [tilespmem:s19+$0x12060]  }
0x51c: {  	[tilespmem:s19+$0x6000] =	vst.add.f32.msk $0xffff, v1  }
.Ltmp25:
0x51d: {  	[tilespmem:s19+$0x6010] =	vst.add.f32.msk $0xffff, v2;
	(pc) =	sbr.rel @p0 .LBB2_52-.Ltmp25, $4  }
0x51e: {  	[tilespmem:s19+$0x6020] =	vst.add.f32.msk $0xffff, v3  }
0x51f: {  	[tilespmem:s19+$0x6030] =	vst.add.f32.msk $0xffff, v4  }
0x520: {  	[tilespmem:s19+$0x6040] =	vst.add.f32.msk $0xffff, v5  }
0x521: {  	s21 =	sadd.s32 $0x200, s21;
	[tilespmem:s19+$0x6050] =	vst.add.f32.msk $0xffff, v6  }
0x522: {  	[tilespmem:s19+$0x6060] =	vst.add.f32.msk $0xffff, v0  }
0x523: {  	s20 =	sld [smem:$0x7DF];
	_ =	sdelay $0x1  }
0x524: {  	s19 =	simm.s32 $0x0  }
0x525: {  	[hbm4b:s20+s19] =	stream.linear.scatter [tilespmem:s10], [sflag:$0x6], $0x6000, $0x38;
	[tilespmem:$0x18000] =	vst v63  }
0x526: {  	_ =	swait.ge [sflag:s17], $0x6000  }
0x527: {  	s21 =	sld [smem:$0x7E2]  }
0x528: {  	[sflag:s17] =	ssyncset.done $0x0  }
0x529: {  	[sflag:s17] =	ssyncadd.s32 $0xFFFFA000  }
0x52a: {  	[tilespmem:s10], [sflag:$0x2] =	stream.linear.gather [hbm4b:s21+s19], $0x6000, $0x38;
	[tilespmem:$0x18000] =	vst v63  }
0x52b: {  	_ = 	snop  }
0x52c: {  	[tilespmem:s11], [sflag:$0x4] =	stream.linear.gather [hbm4b:s3+s19], $0x6000, $0x38;
	[tilespmem:$0x18000] =	vst v63  }
0x52d: {  	_ =	swait.ge [sflag:s12], $0x6000  }
0x52e: {  	[sflag:s12] =	ssyncset.done $0x0  }
0x52f: {  	[sflag:s12] =	ssyncadd.s32 $0xFFFFA000  }
0x530: {  	_ =	swait.ge [sflag:s13], $0x6000  }
0x531: {  	[sflag:s13] =	ssyncset.done $0x0  }
0x532: {  	s19 =	simm.s32 $0x0;
	[sflag:s13] =	ssyncadd.s32 $0xFFFFA000  }
0x533: {  	v0 =	vld [tilespmem:s19+$0xC070]  }
0x534: {  	v1 =	vld [tilespmem:s19+$0xC000]  }
0x535: {  	v2 =	vld [tilespmem:s19+$0xC010]  }
0x536: {  	v3 =	vld [tilespmem:s19+$0xC020]  }
0x537: {  	v4 =	vld [tilespmem:s19+$0xC030]  }
0x538: {  	v5 =	vld [tilespmem:s19+$0xC040]  }
0x539: {  	v6 =	vld [tilespmem:s19+$0xC050]  }
0x53a: {  	[tilespmem:s19+$0x70] =	vst.add.f32.msk $0xffff, v0  }
0x53b: {  	v0 =	vld [tilespmem:s19+$0xC060]  }
0x53c: {  	[tilespmem:s19+$0x0] =	vst.add.f32.msk $0xffff, v1  }
0x53d: {  	[tilespmem:s19+$0x10] =	vst.add.f32.msk $0xffff, v2  }
0x53e: {  	[tilespmem:s19+$0x20] =	vst.add.f32.msk $0xffff, v3  }
0x53f: {  	[tilespmem:s19+$0x30] =	vst.add.f32.msk $0xffff, v4  }
0x540: {  	[tilespmem:s19+$0x40] =	vst.add.f32.msk $0xffff, v5  }
0x541: {  	s20 =	simm.s32 $0x0;
	s21 =	simm.s32 $0x200;
	[tilespmem:s19+$0x50] =	vst.add.f32.msk $0xffff, v6  }
.LBB2_54:
0x542: {  	s20 =	sadd.s32 $0x80, s20;
	[tilespmem:s19+$0x60] =	vst.add.f32.msk $0xffff, v0;
	s19 =	sshra.s32 s21, $0x2  }
0x543: {  	v0 =	vld [tilespmem:s19+$0xC070];
	p0 =	slt.u32 s20, $0x5F80  }
0x544: {  	v1 =	vld [tilespmem:s19+$0xC000]  }
0x545: {  	v2 =	vld [tilespmem:s19+$0xC010]  }
0x546: {  	v3 =	vld [tilespmem:s19+$0xC020]  }
0x547: {  	v4 =	vld [tilespmem:s19+$0xC030]  }
0x548: {  	[tilespmem:s19+$0x70] =	vst.add.f32.msk $0xffff, v0  }
0x549: {  	v5 =	vld [tilespmem:s19+$0xC040]  }
0x54a: {  	v6 =	vld [tilespmem:s19+$0xC050]  }
0x54b: {  	v0 =	vld [tilespmem:s19+$0xC060]  }
0x54c: {  	[tilespmem:s19+$0x0] =	vst.add.f32.msk $0xffff, v1  }
.Ltmp26:
0x54d: {  	[tilespmem:s19+$0x10] =	vst.add.f32.msk $0xffff, v2;
	(pc) =	sbr.rel @p0 .LBB2_54-.Ltmp26, $4  }
0x54e: {  	[tilespmem:s19+$0x20] =	vst.add.f32.msk $0xffff, v3  }
0x54f: {  	[tilespmem:s19+$0x30] =	vst.add.f32.msk $0xffff, v4  }
0x550: {  	[tilespmem:s19+$0x40] =	vst.add.f32.msk $0xffff, v5  }
0x551: {  	s21 =	sadd.s32 $0x200, s21;
	[tilespmem:s19+$0x50] =	vst.add.f32.msk $0xffff, v6  }
0x552: {  	[tilespmem:s19+$0x60] =	vst.add.f32.msk $0xffff, v0  }
0x553: {  	s20 =	sld [smem:$0x7E1];
	_ =	sdelay $0x1  }
0x554: {  	s19 =	simm.s32 $0x0  }
0x555: {  	[hbm4b:s20+s19] =	stream.linear.scatter [tilespmem:s19], [sflag:$0x5], $0x6000, $0x38;
	[tilespmem:$0x18000] =	vst v63  }
0x556: {  	_ =	swait.ge [sflag:s14], $0x6000  }
0x557: {  	s21 =	sld [smem:$0x7E4]  }
0x558: {  	[sflag:s14] =	ssyncset.done $0x0  }
0x559: {  	[sflag:s14] =	ssyncadd.s32 $0xFFFFA000  }
0x55a: {  	[tilespmem:s19], [sflag:$0x1] =	stream.linear.gather [hbm4b:s21+s19], $0x6000, $0x38;
	[tilespmem:$0x18000] =	vst v63  }
0x55b: {  	_ = 	snop  }
0x55c: {  	[tilespmem:s9], [sflag:$0x3] =	stream.linear.gather [hbm4b:s4+s19], $0x6000, $0x38;
	[tilespmem:$0x18000] =	vst v63  }
0x55d: {  	_ =	swait.ge [sflag:s15], $0x6000  }
0x55e: {  	[sflag:s15] =	ssyncset.done $0x0  }
0x55f: {  	[sflag:s15] =	ssyncadd.s32 $0xFFFFA000  }
0x560: {  	_ =	swait.ge [sflag:s16], $0x6000  }
0x561: {  	[sflag:s16] =	ssyncset.done $0x0  }
0x562: {  	s19 =	simm.s32 $0x0;
	[sflag:s16] =	ssyncadd.s32 $0xFFFFA000  }
0x563: {  	v0 =	vld [tilespmem:s19+$0x12070]  }
0x564: {  	v1 =	vld [tilespmem:s19+$0x12000]  }
0x565: {  	v2 =	vld [tilespmem:s19+$0x12010]  }
0x566: {  	v3 =	vld [tilespmem:s19+$0x12020]  }
0x567: {  	v4 =	vld [tilespmem:s19+$0x12030]  }
0x568: {  	v5 =	vld [tilespmem:s19+$0x12040]  }
0x569: {  	v6 =	vld [tilespmem:s19+$0x12050]  }
0x56a: {  	[tilespmem:s19+$0x6070] =	vst.add.f32.msk $0xffff, v0  }
0x56b: {  	v0 =	vld [tilespmem:s19+$0x12060]  }
0x56c: {  	[tilespmem:s19+$0x6000] =	vst.add.f32.msk $0xffff, v1  }
0x56d: {  	[tilespmem:s19+$0x6010] =	vst.add.f32.msk $0xffff, v2  }
0x56e: {  	[tilespmem:s19+$0x6020] =	vst.add.f32.msk $0xffff, v3  }
0x56f: {  	[tilespmem:s19+$0x6030] =	vst.add.f32.msk $0xffff, v4  }
0x570: {  	[tilespmem:s19+$0x6040] =	vst.add.f32.msk $0xffff, v5  }
0x571: {  	s20 =	simm.s32 $0x0;
	s21 =	simm.s32 $0x200;
	[tilespmem:s19+$0x6050] =	vst.add.f32.msk $0xffff, v6  }
.LBB2_56:
0x572: {  	s20 =	sadd.s32 $0x80, s20;
	[tilespmem:s19+$0x6060] =	vst.add.f32.msk $0xffff, v0;
	s19 =	sshra.s32 s21, $0x2  }
0x573: {  	v0 =	vld [tilespmem:s19+$0x12070];
	p0 =	slt.u32 s20, $0x5F80  }
0x574: {  	v1 =	vld [tilespmem:s19+$0x12000]  }
0x575: {  	v2 =	vld [tilespmem:s19+$0x12010]  }
0x576: {  	v3 =	vld [tilespmem:s19+$0x12020]  }
0x577: {  	v4 =	vld [tilespmem:s19+$0x12030]  }
0x578: {  	[tilespmem:s19+$0x6070] =	vst.add.f32.msk $0xffff, v0  }
0x579: {  	v5 =	vld [tilespmem:s19+$0x12040]  }
0x57a: {  	v6 =	vld [tilespmem:s19+$0x12050]  }
0x57b: {  	v0 =	vld [tilespmem:s19+$0x12060]  }
0x57c: {  	[tilespmem:s19+$0x6000] =	vst.add.f32.msk $0xffff, v1  }
.Ltmp27:
0x57d: {  	[tilespmem:s19+$0x6010] =	vst.add.f32.msk $0xffff, v2;
	(pc) =	sbr.rel @p0 .LBB2_56-.Ltmp27, $4  }
0x57e: {  	[tilespmem:s19+$0x6020] =	vst.add.f32.msk $0xffff, v3  }
0x57f: {  	[tilespmem:s19+$0x6030] =	vst.add.f32.msk $0xffff, v4  }
0x580: {  	[tilespmem:s19+$0x6040] =	vst.add.f32.msk $0xffff, v5  }
0x581: {  	s21 =	sadd.s32 $0x200, s21;
	[tilespmem:s19+$0x6050] =	vst.add.f32.msk $0xffff, v6  }
0x582: {  	[tilespmem:s19+$0x6060] =	vst.add.f32.msk $0xffff, v0  }
0x583: {  	s20 =	sld [smem:$0x7E3];
	_ =	sdelay $0x1  }
0x584: {  	s19 =	simm.s32 $0x0  }
0x585: {  	[hbm4b:s20+s19] =	stream.linear.scatter [tilespmem:s10], [sflag:$0x6], $0x6000, $0x38;
	[tilespmem:$0x18000] =	vst v63  }
0x586: {  	_ =	swait.ge [sflag:s17], $0x6000  }
0x587: {  	s21 =	sld [smem:$0x7E6]  }
0x588: {  	[sflag:s17] =	ssyncset.done $0x0  }
0x589: {  	[sflag:s17] =	ssyncadd.s32 $0xFFFFA000  }
0x58a: {  	[tilespmem:s10], [sflag:$0x2] =	stream.linear.gather [hbm4b:s21+s19], $0x6000, $0x38;
	[tilespmem:$0x18000] =	vst v63  }
0x58b: {  	_ = 	snop  }
0x58c: {  	[tilespmem:s11], [sflag:$0x4] =	stream.linear.gather [hbm4b:s5+s19], $0x6000, $0x38;
	[tilespmem:$0x18000] =	vst v63  }
0x58d: {  	_ =	swait.ge [sflag:s12], $0x6000  }
0x58e: {  	[sflag:s12] =	ssyncset.done $0x0  }
0x58f: {  	[sflag:s12] =	ssyncadd.s32 $0xFFFFA000  }
0x590: {  	_ =	swait.ge [sflag:s13], $0x6000  }
0x591: {  	[sflag:s13] =	ssyncset.done $0x0  }
0x592: {  	s19 =	simm.s32 $0x0;
	[sflag:s13] =	ssyncadd.s32 $0xFFFFA000  }
0x593: {  	v0 =	vld [tilespmem:s19+$0xC070]  }
0x594: {  	v1 =	vld [tilespmem:s19+$0xC000]  }
0x595: {  	v2 =	vld [tilespmem:s19+$0xC010]  }
0x596: {  	v3 =	vld [tilespmem:s19+$0xC020]  }
0x597: {  	v4 =	vld [tilespmem:s19+$0xC030]  }
0x598: {  	v5 =	vld [tilespmem:s19+$0xC040]  }
0x599: {  	v6 =	vld [tilespmem:s19+$0xC050]  }
0x59a: {  	[tilespmem:s19+$0x70] =	vst.add.f32.msk $0xffff, v0  }
0x59b: {  	v0 =	vld [tilespmem:s19+$0xC060]  }
0x59c: {  	[tilespmem:s19+$0x0] =	vst.add.f32.msk $0xffff, v1  }
0x59d: {  	[tilespmem:s19+$0x10] =	vst.add.f32.msk $0xffff, v2  }
0x59e: {  	[tilespmem:s19+$0x20] =	vst.add.f32.msk $0xffff, v3  }
0x59f: {  	[tilespmem:s19+$0x30] =	vst.add.f32.msk $0xffff, v4  }
0x5a0: {  	[tilespmem:s19+$0x40] =	vst.add.f32.msk $0xffff, v5  }
0x5a1: {  	s20 =	simm.s32 $0x0;
	s21 =	simm.s32 $0x200;
	[tilespmem:s19+$0x50] =	vst.add.f32.msk $0xffff, v6  }
.LBB2_58:
0x5a2: {  	s20 =	sadd.s32 $0x80, s20;
	[tilespmem:s19+$0x60] =	vst.add.f32.msk $0xffff, v0;
	s19 =	sshra.s32 s21, $0x2  }
0x5a3: {  	v0 =	vld [tilespmem:s19+$0xC070];
	p0 =	slt.u32 s20, $0x5F80  }
0x5a4: {  	v1 =	vld [tilespmem:s19+$0xC000]  }
0x5a5: {  	v2 =	vld [tilespmem:s19+$0xC010]  }
0x5a6: {  	v3 =	vld [tilespmem:s19+$0xC020]  }
0x5a7: {  	v4 =	vld [tilespmem:s19+$0xC030]  }
0x5a8: {  	[tilespmem:s19+$0x70] =	vst.add.f32.msk $0xffff, v0  }
0x5a9: {  	v5 =	vld [tilespmem:s19+$0xC040]  }
0x5aa: {  	v6 =	vld [tilespmem:s19+$0xC050]  }
0x5ab: {  	v0 =	vld [tilespmem:s19+$0xC060]  }
0x5ac: {  	[tilespmem:s19+$0x0] =	vst.add.f32.msk $0xffff, v1  }
.Ltmp28:
0x5ad: {  	[tilespmem:s19+$0x10] =	vst.add.f32.msk $0xffff, v2;
	(pc) =	sbr.rel @p0 .LBB2_58-.Ltmp28, $4  }
0x5ae: {  	[tilespmem:s19+$0x20] =	vst.add.f32.msk $0xffff, v3  }
0x5af: {  	[tilespmem:s19+$0x30] =	vst.add.f32.msk $0xffff, v4  }
0x5b0: {  	[tilespmem:s19+$0x40] =	vst.add.f32.msk $0xffff, v5  }
0x5b1: {  	s21 =	sadd.s32 $0x200, s21;
	[tilespmem:s19+$0x50] =	vst.add.f32.msk $0xffff, v6  }
0x5b2: {  	[tilespmem:s19+$0x60] =	vst.add.f32.msk $0xffff, v0  }
0x5b3: {  	s20 =	sld [smem:$0x7E5];
	_ =	sdelay $0x1  }
0x5b4: {  	s19 =	simm.s32 $0x0  }
0x5b5: {  	[hbm4b:s20+s19] =	stream.linear.scatter [tilespmem:s19], [sflag:$0x5], $0x6000, $0x38;
	[tilespmem:$0x18000] =	vst v63  }
0x5b6: {  	_ =	swait.ge [sflag:s14], $0x6000  }
0x5b7: {  	s21 =	sld [smem:$0x7EA]  }
0x5b8: {  	[sflag:s14] =	ssyncset.done $0x0  }
0x5b9: {  	[sflag:s14] =	ssyncadd.s32 $0xFFFFA000  }
0x5ba: {  	[tilespmem:s19], [sflag:$0x1] =	stream.linear.gather [hbm4b:s21+s19], $0x6000, $0x38;
	[tilespmem:$0x18000] =	vst v63  }
0x5bb: {  	_ = 	snop  }
0x5bc: {  	[tilespmem:s9], [sflag:$0x3] =	stream.linear.gather [hbm4b:s6+s19], $0x6000, $0x38;
	[tilespmem:$0x18000] =	vst v63  }
0x5bd: {  	_ =	swait.ge [sflag:s15], $0x6000  }
0x5be: {  	[sflag:s15] =	ssyncset.done $0x0  }
0x5bf: {  	[sflag:s15] =	ssyncadd.s32 $0xFFFFA000  }
0x5c0: {  	_ =	swait.ge [sflag:s16], $0x6000  }
0x5c1: {  	[sflag:s16] =	ssyncset.done $0x0  }
0x5c2: {  	s19 =	simm.s32 $0x0;
	[sflag:s16] =	ssyncadd.s32 $0xFFFFA000  }
0x5c3: {  	v0 =	vld [tilespmem:s19+$0x12070]  }
0x5c4: {  	v1 =	vld [tilespmem:s19+$0x12000]  }
0x5c5: {  	v2 =	vld [tilespmem:s19+$0x12010]  }
0x5c6: {  	v3 =	vld [tilespmem:s19+$0x12020]  }
0x5c7: {  	v4 =	vld [tilespmem:s19+$0x12030]  }
0x5c8: {  	v5 =	vld [tilespmem:s19+$0x12040]  }
0x5c9: {  	v6 =	vld [tilespmem:s19+$0x12050]  }
0x5ca: {  	[tilespmem:s19+$0x6070] =	vst.add.f32.msk $0xffff, v0  }
0x5cb: {  	v0 =	vld [tilespmem:s19+$0x12060]  }
0x5cc: {  	[tilespmem:s19+$0x6000] =	vst.add.f32.msk $0xffff, v1  }
0x5cd: {  	[tilespmem:s19+$0x6010] =	vst.add.f32.msk $0xffff, v2  }
0x5ce: {  	[tilespmem:s19+$0x6020] =	vst.add.f32.msk $0xffff, v3  }
0x5cf: {  	[tilespmem:s19+$0x6030] =	vst.add.f32.msk $0xffff, v4  }
0x5d0: {  	[tilespmem:s19+$0x6040] =	vst.add.f32.msk $0xffff, v5  }
0x5d1: {  	s20 =	simm.s32 $0x0;
	s21 =	simm.s32 $0x200;
	[tilespmem:s19+$0x6050] =	vst.add.f32.msk $0xffff, v6  }
.LBB2_60:
0x5d2: {  	s20 =	sadd.s32 $0x80, s20;
	[tilespmem:s19+$0x6060] =	vst.add.f32.msk $0xffff, v0;
	s19 =	sshra.s32 s21, $0x2  }
0x5d3: {  	v0 =	vld [tilespmem:s19+$0x12070];
	p0 =	slt.u32 s20, $0x5F80  }
0x5d4: {  	v1 =	vld [tilespmem:s19+$0x12000]  }
0x5d5: {  	v2 =	vld [tilespmem:s19+$0x12010]  }
0x5d6: {  	v3 =	vld [tilespmem:s19+$0x12020]  }
0x5d7: {  	v4 =	vld [tilespmem:s19+$0x12030]  }
0x5d8: {  	[tilespmem:s19+$0x6070] =	vst.add.f32.msk $0xffff, v0  }
0x5d9: {  	v5 =	vld [tilespmem:s19+$0x12040]  }
0x5da: {  	v6 =	vld [tilespmem:s19+$0x12050]  }
0x5db: {  	v0 =	vld [tilespmem:s19+$0x12060]  }
0x5dc: {  	[tilespmem:s19+$0x6000] =	vst.add.f32.msk $0xffff, v1  }
.Ltmp29:
0x5dd: {  	[tilespmem:s19+$0x6010] =	vst.add.f32.msk $0xffff, v2;
	(pc) =	sbr.rel @p0 .LBB2_60-.Ltmp29, $4  }
0x5de: {  	[tilespmem:s19+$0x6020] =	vst.add.f32.msk $0xffff, v3  }
0x5df: {  	[tilespmem:s19+$0x6030] =	vst.add.f32.msk $0xffff, v4  }
0x5e0: {  	[tilespmem:s19+$0x6040] =	vst.add.f32.msk $0xffff, v5  }
0x5e1: {  	s21 =	sadd.s32 $0x200, s21;
	[tilespmem:s19+$0x6050] =	vst.add.f32.msk $0xffff, v6  }
0x5e2: {  	[tilespmem:s19+$0x6060] =	vst.add.f32.msk $0xffff, v0  }
0x5e3: {  	s20 =	sld [smem:$0x7E7];
	_ =	sdelay $0x1  }
0x5e4: {  	s19 =	simm.s32 $0x0  }
0x5e5: {  	[hbm4b:s20+s19] =	stream.linear.scatter [tilespmem:s10], [sflag:$0x6], $0x6000, $0x38;
	[tilespmem:$0x18000] =	vst v63  }
0x5e6: {  	_ =	swait.ge [sflag:s17], $0x6000  }
0x5e7: {  	s21 =	sld [smem:$0x7EB]  }
0x5e8: {  	[sflag:s17] =	ssyncset.done $0x0  }
0x5e9: {  	[sflag:s17] =	ssyncadd.s32 $0xFFFFA000  }
0x5ea: {  	[tilespmem:s10], [sflag:$0x2] =	stream.linear.gather [hbm4b:s21+s19], $0x6000, $0x38;
	[tilespmem:$0x18000] =	vst v63  }
0x5eb: {  	_ = 	snop  }
0x5ec: {  	[tilespmem:s11], [sflag:$0x4] =	stream.linear.gather [hbm4b:s7+s19], $0x6000, $0x38;
	[tilespmem:$0x18000] =	vst v63  }
0x5ed: {  	_ =	swait.ge [sflag:s12], $0x6000  }
0x5ee: {  	[sflag:s12] =	ssyncset.done $0x0  }
0x5ef: {  	[sflag:s12] =	ssyncadd.s32 $0xFFFFA000  }
0x5f0: {  	_ =	swait.ge [sflag:s13], $0x6000  }
0x5f1: {  	[sflag:s13] =	ssyncset.done $0x0  }
0x5f2: {  	s19 =	simm.s32 $0x0;
	[sflag:s13] =	ssyncadd.s32 $0xFFFFA000  }
0x5f3: {  	v0 =	vld [tilespmem:s19+$0xC070]  }
0x5f4: {  	v1 =	vld [tilespmem:s19+$0xC000]  }
0x5f5: {  	v2 =	vld [tilespmem:s19+$0xC010]  }
0x5f6: {  	v3 =	vld [tilespmem:s19+$0xC020]  }
0x5f7: {  	v4 =	vld [tilespmem:s19+$0xC030]  }
0x5f8: {  	v5 =	vld [tilespmem:s19+$0xC040]  }
0x5f9: {  	v6 =	vld [tilespmem:s19+$0xC050]  }
0x5fa: {  	[tilespmem:s19+$0x70] =	vst.add.f32.msk $0xffff, v0  }
0x5fb: {  	v0 =	vld [tilespmem:s19+$0xC060]  }
0x5fc: {  	[tilespmem:s19+$0x0] =	vst.add.f32.msk $0xffff, v1  }
0x5fd: {  	[tilespmem:s19+$0x10] =	vst.add.f32.msk $0xffff, v2  }
0x5fe: {  	[tilespmem:s19+$0x20] =	vst.add.f32.msk $0xffff, v3  }
0x5ff: {  	[tilespmem:s19+$0x30] =	vst.add.f32.msk $0xffff, v4  }
0x600: {  	[tilespmem:s19+$0x40] =	vst.add.f32.msk $0xffff, v5  }
0x601: {  	s20 =	simm.s32 $0x0;
	s21 =	simm.s32 $0x200;
	[tilespmem:s19+$0x50] =	vst.add.f32.msk $0xffff, v6  }
.LBB2_62:
0x602: {  	s20 =	sadd.s32 $0x80, s20;
	[tilespmem:s19+$0x60] =	vst.add.f32.msk $0xffff, v0;
	s19 =	sshra.s32 s21, $0x2  }
0x603: {  	v0 =	vld [tilespmem:s19+$0xC070];
	p0 =	slt.u32 s20, $0x5F80  }
0x604: {  	v1 =	vld [tilespmem:s19+$0xC000]  }
0x605: {  	v2 =	vld [tilespmem:s19+$0xC010]  }
0x606: {  	v3 =	vld [tilespmem:s19+$0xC020]  }
0x607: {  	v4 =	vld [tilespmem:s19+$0xC030]  }
0x608: {  	[tilespmem:s19+$0x70] =	vst.add.f32.msk $0xffff, v0  }
0x609: {  	v5 =	vld [tilespmem:s19+$0xC040]  }
0x60a: {  	v6 =	vld [tilespmem:s19+$0xC050]  }
0x60b: {  	v0 =	vld [tilespmem:s19+$0xC060]  }
0x60c: {  	[tilespmem:s19+$0x0] =	vst.add.f32.msk $0xffff, v1  }
.Ltmp30:
0x60d: {  	[tilespmem:s19+$0x10] =	vst.add.f32.msk $0xffff, v2;
	(pc) =	sbr.rel @p0 .LBB2_62-.Ltmp30, $4  }
0x60e: {  	[tilespmem:s19+$0x20] =	vst.add.f32.msk $0xffff, v3  }
0x60f: {  	[tilespmem:s19+$0x30] =	vst.add.f32.msk $0xffff, v4  }
0x610: {  	[tilespmem:s19+$0x40] =	vst.add.f32.msk $0xffff, v5  }
0x611: {  	s21 =	sadd.s32 $0x200, s21;
	[tilespmem:s19+$0x50] =	vst.add.f32.msk $0xffff, v6  }
0x612: {  	[tilespmem:s19+$0x60] =	vst.add.f32.msk $0xffff, v0  }
0x613: {  	s20 =	sld [smem:$0x7EC];
	_ =	sdelay $0x1  }
0x614: {  	s21 =	simm.s32 $0x0  }
0x615: {  	[hbm4b:s20+s21] =	stream.linear.scatter [tilespmem:s21], [sflag:$0x5], $0x6000, $0x38;
	[tilespmem:$0x18000] =	vst v63  }
0x616: {  	_ =	swait.ge [sflag:s15], $0x6000  }
0x617: {  	[sflag:s15] =	ssyncset.done $0x0  }
0x618: {  	[sflag:s15] =	ssyncadd.s32 $0xFFFFA000  }
0x619: {  	_ =	swait.ge [sflag:s16], $0x6000  }
0x61a: {  	[sflag:s16] =	ssyncset.done $0x0  }
0x61b: {  	s19 =	simm.s32 $0x0;
	[sflag:s16] =	ssyncadd.s32 $0xFFFFA000  }
0x61c: {  	v0 =	vld [tilespmem:s19+$0x12070]  }
0x61d: {  	v1 =	vld [tilespmem:s19+$0x12000]  }
0x61e: {  	v2 =	vld [tilespmem:s19+$0x12010]  }
0x61f: {  	v3 =	vld [tilespmem:s19+$0x12020]  }
0x620: {  	v4 =	vld [tilespmem:s19+$0x12030]  }
0x621: {  	v5 =	vld [tilespmem:s19+$0x12040]  }
0x622: {  	v6 =	vld [tilespmem:s19+$0x12050]  }
0x623: {  	[tilespmem:s19+$0x6070] =	vst.add.f32.msk $0xffff, v0  }
0x624: {  	v0 =	vld [tilespmem:s19+$0x12060]  }
0x625: {  	[tilespmem:s19+$0x6000] =	vst.add.f32.msk $0xffff, v1  }
0x626: {  	[tilespmem:s19+$0x6010] =	vst.add.f32.msk $0xffff, v2  }
0x627: {  	[tilespmem:s19+$0x6020] =	vst.add.f32.msk $0xffff, v3  }
0x628: {  	[tilespmem:s19+$0x6030] =	vst.add.f32.msk $0xffff, v4  }
0x629: {  	[tilespmem:s19+$0x6040] =	vst.add.f32.msk $0xffff, v5  }
0x62a: {  	s20 =	simm.s32 $0x0;
	s21 =	simm.s32 $0x200;
	[tilespmem:s19+$0x6050] =	vst.add.f32.msk $0xffff, v6  }
.LBB2_64:
0x62b: {  	s20 =	sadd.s32 $0x80, s20;
	[tilespmem:s19+$0x6060] =	vst.add.f32.msk $0xffff, v0;
	s19 =	sshra.s32 s21, $0x2  }
0x62c: {  	v0 =	vld [tilespmem:s19+$0x12070];
	p0 =	slt.u32 s20, $0x5F80  }
0x62d: {  	v1 =	vld [tilespmem:s19+$0x12000]  }
0x62e: {  	v2 =	vld [tilespmem:s19+$0x12010]  }
0x62f: {  	v3 =	vld [tilespmem:s19+$0x12020]  }
0x630: {  	v4 =	vld [tilespmem:s19+$0x12030]  }
0x631: {  	[tilespmem:s19+$0x6070] =	vst.add.f32.msk $0xffff, v0  }
0x632: {  	v5 =	vld [tilespmem:s19+$0x12040]  }
0x633: {  	v6 =	vld [tilespmem:s19+$0x12050]  }
0x634: {  	v0 =	vld [tilespmem:s19+$0x12060]  }
0x635: {  	[tilespmem:s19+$0x6000] =	vst.add.f32.msk $0xffff, v1  }
.Ltmp31:
0x636: {  	[tilespmem:s19+$0x6010] =	vst.add.f32.msk $0xffff, v2;
	(pc) =	sbr.rel @p0 .LBB2_64-.Ltmp31, $4  }
0x637: {  	[tilespmem:s19+$0x6020] =	vst.add.f32.msk $0xffff, v3  }
0x638: {  	[tilespmem:s19+$0x6030] =	vst.add.f32.msk $0xffff, v4  }
0x639: {  	[tilespmem:s19+$0x6040] =	vst.add.f32.msk $0xffff, v5  }
0x63a: {  	s21 =	sadd.s32 $0x200, s21;
	[tilespmem:s19+$0x6050] =	vst.add.f32.msk $0xffff, v6  }
0x63b: {  	[tilespmem:s19+$0x6060] =	vst.add.f32.msk $0xffff, v0  }
0x63c: {  	s19 =	sld [smem:$0x7ED];
	_ =	sdelay $0x1  }
0x63d: {  	s18 =	sadd.s32 $0x1, s18  }
0x63e: {  	[hbm4b:s19+s1] =	stream.linear.scatter [tilespmem:s10], [sflag:$0x6], $0x6000, $0x38;
	[tilespmem:$0x18000] =	vst v63  }
0x63f: {  	p0 =	sne.s32 s18, s8;
	_ =	swait.ge [sflag:s14], $0x6000  }
.Ltmp32:
0x640: {  	[sflag:s14] =	ssyncset.done $0x0;
	(pc) =	sbr.rel @p0 .LBB2_1-.Ltmp32, $4  }
0x641: {  	[sflag:s14] =	ssyncadd.s32 $0xFFFFA000  }
0x642: {  	_ =	swait.ge [sflag:s17], $0x6000  }
0x643: {  	[sflag:s17] =	ssyncset.done $0x0  }
0x644: {  	[sflag:s17] =	ssyncadd.s32 $0xFFFFA000  }
0x645: {  	_ =	sfence.sel $0x180000  }
0x646: {  	[bflag:$0x0] =	sbarrier.arrive $0xFFFF  }
0x647: {  	_ =	strace $0x90000047  }
0x648: {  	s0 =	stileid.u32;
	[bflag:$0x2] =	sbarrier.arrive $0xFFFF  }
0x649: {  	p0 =	sne.s32 s0, $0x0;
	s0 =	rddreg [dreg:$0x2]  }
0x64a: {  	s0 =	sadd.s32 @!p0 $0x100000, s0  }
0x64b: {  	[sflag:s0] =	ssyncadd.tile.s32 @!p0 $0x1;
	_ =	shalt  }
.Lfunc_end2:
_tile_overlayer_lowered:
.L_overlay_start_2:
0x64c: {  	(tag) =	ssettag $0x2  }
0x64d: {  	s0 =	rddreg [dreg:$0x0];
	s2 =	stileid.u32  }
0x64e: {  	s1 =	rddreg [dreg:$0x1];
	p0 =	sne.s32 s2, $0x0  }
0x64f: {  	s3 =	rddreg [dreg:$0x2];
	[bflag:$0x3] =	sbarrier.arrive $0xFFFF;
	s2 =	simm.s32 @!p0 $0x1C07  }
0x650: {  	[timem:s3], [sflag:s2] =	dma.local @!p0 [hbm:s0], s1  }
0x651: {  	s0 =	simm.s32 @!p0 $0x7  }
0x652: {  	_ =	swait.ge @!p0 [sflag:s0], s1  }
0x653: {  	s1 =	ssub.s32 @!p0 $0x0, s1;
	[sflag:s0] =	ssyncset.done @!p0 $0x0  }
0x654: {  	[sflag:s0] =	ssyncadd.s32 @!p0 s1  }
0x655: {  	[bflag:$0x3] =	sbarrier.arrive $0xFFFF  }
0x656: {  	_ =	shalt  }

</sc_bundles>
